<compile_context>
chip_gen: v7x
topology: tpu7x:2x2x1
jax: 0.10.2.dev20260603
libtpu: 0.0.44.dev20260713+nightly
codegen_flags: <defaults>
</compile_context>

<pallas_src>
import functools

import jax
import jax.numpy as jnp
from jax import lax
from jax.experimental import pallas as pl
from jax.experimental.pallas import tpu as pltpu
from jax.experimental.pallas import tpu_sc as plsc

N = 10000
E = 320000
D = 128
H = 128
Hh = H // 2
R = 3
G = 64

NSC = 2
NT = 16
Nh = N // NSC

SEG = 5120
GARB = 5000
ACC_ROWS = R * SEG
TSLICE = ACC_ROWS // NT
ZCH = 48

DR = 30720
DEGSZ = 2 * DR
DGARB = R * N
DSLICE = DEGSZ // NT

EPAD = 327680
CH = 128
NCH = EPAD // CH
LMAX = 160
NCHP = NCH + LMAX
NCHK = NCH // (NSC * NT)

_f32 = jnp.float32
_i32 = jnp.int32
_HIGH = jax.lax.Precision.HIGHEST


@functools.cache
def _vmesh():
    return plsc.VectorSubcoreMesh(core_axis_name="c", subcore_axis_name="s",
                                  num_cores=NSC, num_subcores=NT)


K0B = CH
K0NB = NCH // K0B


def _block_positions(m, carry):
    mf = m.astype(_f32)
    ii = lax.broadcasted_iota(_i32, (CH, CH), 0)
    jj = lax.broadcasted_iota(_i32, (CH, CH), 1)
    lt = (ii <= jj).astype(_f32)
    sl = (ii > jj).astype(_f32)
    intra = jnp.dot(mf, lt, precision=_HIGH, preferred_element_type=_f32)
    tot_b = intra[:, CH - 1:CH]
    chunk_excl = jnp.dot(sl, tot_b, precision=_HIGH,
                         preferred_element_type=_f32)
    pos = chunk_excl + intra - mf + carry
    return pos, jnp.sum(mf)


def _k0_body(src, dst, typ, fsrc_g, fsrc_d, fdst_d, lrow, lrow1, pos, cnts,
             tot0, tot1, car0, car1):
    ph = pl.program_id(0)
    i = pl.program_id(1)
    s = src[...]
    d = dst[...]
    t = typ[...]
    real = d < N
    half = d >= Nh
    m0 = real & jnp.logical_not(half)
    m1 = real & half

    @pl.when(ph == 0)
    def _():
        @pl.when(i == 0)
        def _():
            tot0[...] = jnp.zeros((1, 1), _f32)
            tot1[...] = jnp.zeros((1, 1), _f32)
        tot0[...] += jnp.sum(m0.astype(_f32)).reshape(1, 1)
        tot1[...] += jnp.sum(m1.astype(_f32)).reshape(1, 1)

    @pl.when(ph == 1)
    def _():
        fsrc_g[...] = jnp.where(real, t * N + s, 0)
        fsrc_d[...] = jnp.where(real, t * N + s, DGARB)
        fdst_d[...] = jnp.where(real, DR + t * N + d, DGARB)
        lrow[...] = jnp.where(m0, t * SEG + d, GARB)
        lrow1[...] = jnp.where(m1, t * SEG + d - Nh, GARB)

        @pl.when(i == 0)
        def _():
            car0[...] = jnp.zeros((1, 1), _f32)
            car1[...] = jnp.zeros((1, 1), _f32)

        cin0 = car0[0, 0]
        cin1 = car1[0, 0]
        p0, t0 = _block_positions(m0, cin0)
        p1, t1 = _block_positions(m1, cin1)
        car0[...] = (cin0 + t0).reshape(1, 1)
        car1[...] = (cin1 + t1).reshape(1, 1)

        c0 = tot0[0, 0].astype(_i32)
        c1 = tot1[0, 0].astype(_i32)
        cl = (c0 + CH - 1) // CH
        ceu = cl + (c1 + CH - 1) // CH
        g1 = cl * CH - c0

        eidx = ((lax.broadcasted_iota(_i32, (K0B, CH), 0) + i * K0B) * CH
                + lax.broadcasted_iota(_i32, (K0B, CH), 1))
        k = eidx - E
        padpos = jnp.where(k < g1, c0 + k, cl * CH + c1 + (k - g1))
        pos[...] = jnp.where(m0, p0.astype(_i32),
                             jnp.where(m1, cl * CH + p1.astype(_i32),
                                       padpos))

        @pl.when(i == K0NB - 1)
        def _():
            lane = lax.broadcasted_iota(_i32, (CH,), 0)
            vals = (jnp.where(lane == 0, cl, 0)
                    + jnp.where(lane == 1, ceu - cl, 0)
                    + jnp.where(lane == 3, cl, 0))
            cnts[...] = vals.astype(_f32)


def _k0(src, dst, typ, interpret=False):
    shp = jax.ShapeDtypeStruct(src.shape, _i32)
    bspec = pl.BlockSpec((K0B, CH), lambda ph, i: (i, 0))
    return pl.pallas_call(
        _k0_body,
        grid=(2, K0NB),
        in_specs=[bspec] * 3,
        out_specs=[bspec] * 6 + [pl.BlockSpec((CH,), lambda ph, i: (0,))],
        out_shape=[shp] * 6 + [jax.ShapeDtypeStruct((CH,), _f32)],
        scratch_shapes=[pltpu.VMEM((1, 1), _f32)] * 4,
        interpret=interpret,
    )(src, dst, typ)


def _k1_body(fsrc_hbm, fdst_hbm, fg_hbm, lr_hbm, pos_hbm,
             out_hbm, outf_hbm, outl_hbm,
             av, bv, fv, lv, pv, ones_v, zero_v, degacc, sem_r):
    c = lax.axis_index("c")
    s = lax.axis_index("s")

    @pl.loop(0, CH, step=16)
    def _(i):
        ones_v[pl.ds(i, 16)] = jnp.ones((16,), _f32)
        zero_v[pl.ds(i, 16)] = jnp.zeros((16,), _f32)

    @pl.loop(0, DSLICE, step=CH)
    def _(i):
        pltpu.sync_copy(zero_v, degacc.at[pl.ds(s * DSLICE + i, CH)])

    plsc.subcore_barrier()

    base = (c * NT + s) * NCHK
    pltpu.sync_copy(fsrc_hbm.at[pl.ds(base, NCHK)], av)
    pltpu.sync_copy(fdst_hbm.at[pl.ds(base, NCHK)], bv)
    pltpu.sync_copy(fg_hbm.at[pl.ds(base, NCHK)], fv)
    pltpu.sync_copy(lr_hbm.at[pl.ds(base, NCHK)], lv)
    pltpu.sync_copy(pos_hbm.at[pl.ds(base, NCHK)], pv)

    @pl.loop(0, NCHK)
    def _(i):
        pltpu.async_copy(fv.at[i], outf_hbm.at[pv.at[i]], sem_r)
        pltpu.async_copy(lv.at[i], outl_hbm.at[pv.at[i]], sem_r)
        pltpu.sync_copy(ones_v, degacc.at[av.at[i]], add=True)
        pltpu.sync_copy(ones_v, degacc.at[bv.at[i]], add=True)

    @pl.loop(0, 2 * NCHK)
    def _(i):
        pltpu.make_async_copy(fv.at[0], outf_hbm.at[pv.at[0]], sem_r).wait()

    plsc.subcore_barrier()
    pltpu.sync_copy(degacc.at[pl.ds(s * DSLICE, DSLICE)],
                    out_hbm.at[c, pl.ds(s * DSLICE, DSLICE)])


@functools.cache
def _k1_built():
    return pl.kernel(
        _k1_body,
        out_type=[
            jax.ShapeDtypeStruct((NSC, DEGSZ), _f32),
            jax.ShapeDtypeStruct((NCHP * CH,), _i32),
            jax.ShapeDtypeStruct((NCHP * CH,), _i32),
        ],
        mesh=_vmesh(),
        scratch_types=[
            pltpu.VMEM((NCHK, CH), _i32),
            pltpu.VMEM((NCHK, CH), _i32),
            pltpu.VMEM((NCHK, CH), _i32),
            pltpu.VMEM((NCHK, CH), _i32),
            pltpu.VMEM((NCHK, CH), _i32),
            pltpu.VMEM((CH,), _f32),
            pltpu.VMEM((CH,), _f32),
            pltpu.VMEM_SHARED((DEGSZ,), _f32),
            pltpu.SemaphoreType.DMA,
        ],
    )


def _k1(fsrc_d, fdst_d, fsrc_g, lrow, pos):
    return _k1_built()(fsrc_d, fdst_d, fsrc_g, lrow, pos)


def _ksc_agg_body(ftab_hbm, fsrc_hbm, lrow_hbm, cnt_hbm, out_hbm,
                  cntv, gi, si, rows_a, rows_b, zbuf, acc, sem_a, sem_b):
    c = lax.axis_index("c")
    s = lax.axis_index("s")

    @pl.loop(0, ZCH)
    def _(r):
        @pl.loop(0, Hh, step=16)
        def _(l):
            zbuf[r, pl.ds(l, 16)] = jnp.zeros((16,), _f32)

    @pl.loop(0, TSLICE, step=ZCH)
    def _(i):
        pltpu.sync_copy(zbuf, acc.at[pl.ds(s * TSLICE + i, ZCH)])

    pltpu.sync_copy(cnt_hbm, cntv)
    base = s * LMAX
    pltpu.sync_copy(fsrc_hbm.at[pl.ds(base, LMAX)], gi.at[pl.ds(0, LMAX)])
    pltpu.sync_copy(lrow_hbm.at[pl.ds(c * NCH + base, LMAX)],
                    si.at[pl.ds(0, LMAX)])

    plsc.subcore_barrier()

    def _chunk(j, carry):
        pltpu.sync_copy(ftab_hbm.at[gi.at[j]], rows_a)
        pltpu.sync_copy(rows_a, acc.at[si.at[j]], add=True)
        return carry

    lax.fori_loop(0, LMAX, _chunk, 0)

    plsc.subcore_barrier()
    pltpu.sync_copy(acc.at[pl.ds(s * TSLICE, TSLICE)],
                    out_hbm.at[c, pl.ds(s * TSLICE, TSLICE)])


@functools.cache
def _ksc_agg_built():
    return pl.kernel(
        _ksc_agg_body,
        out_type=jax.ShapeDtypeStruct((NSC, ACC_ROWS, Hh), _f32),
        mesh=_vmesh(),
        compiler_params=pltpu.CompilerParams(use_tc_tiling_on_sc=False),
        scratch_types=[
            pltpu.VMEM((CH,), _f32),
            pltpu.VMEM((LMAX + 1, CH), _i32),
            pltpu.VMEM((LMAX + 1, CH), _i32),
            pltpu.VMEM((CH, Hh), _f32),
            pltpu.VMEM((CH, Hh), _f32),
            pltpu.VMEM((ZCH, Hh), _f32),
            pltpu.VMEM_SHARED((ACC_ROWS, Hh), _f32),
            pltpu.SemaphoreType.DMA,
            pltpu.SemaphoreType.DMA,
        ],
    )


def _ksc_agg(ftab, fsrc, lrow, cnts):
    return _ksc_agg_built()(ftab, fsrc, lrow, cnts)


def _k2_body(x, da, db, outA, outB):
    deg = da[...] + db[...]
    norm = lax.rsqrt(jnp.maximum(deg, 1.0))
    f = x[...] * norm
    outA[...] = f[:, :Hh]
    outB[...] = f[:, Hh:]


def _k2(x, degA, degB, interpret=False):
    nb = R * N // 1000
    return pl.pallas_call(
        _k2_body,
        grid=(nb,),
        in_specs=[
            pl.BlockSpec((1000, D), lambda i: (i % (N // 1000), 0)),
            pl.BlockSpec((1000, 1), lambda i: (i, 0)),
            pl.BlockSpec((1000, 1), lambda i: (i, 0)),
        ],
        out_specs=[pl.BlockSpec((1000, Hh), lambda i: (i, 0))] * 2,
        out_shape=[jax.ShapeDtypeStruct((R * N, Hh), _f32)] * 2,
        interpret=interpret,
    )(x, degA, degB)


def _agg_spec():
    return pl.BlockSpec((1, R, 1000, Hh),
                        lambda j: (j // (Nh // 1000), 0, j % (Nh // 1000), 0))


def _k4_body(aggA, aggB, dia, dib, doa, dob, W, b, outA, outB):
    agg = jnp.concatenate([aggA[0], aggB[0]], axis=-1)
    ndst = lax.rsqrt(jnp.maximum(dia[...] + dib[...], 1.0))
    h = jnp.zeros((1000, H), _f32)
    for r in range(R):
        h = h + jnp.dot(agg[r] * ndst[r], W[r], precision=_HIGH,
                        preferred_element_type=_f32)
    h = h + jnp.sum(b[...], axis=0)
    h = jnp.maximum(h, 0.0)
    nsrc = lax.rsqrt(jnp.maximum(doa[...] + dob[...], 1.0))
    f = h[None, :, :] * nsrc
    outA[...] = f[..., :Hh]
    outB[...] = f[..., Hh:]


def _k4(aggA, aggB, diA, diB, doA, doB, W, b, interpret=False):
    nb = N // 1000
    return pl.pallas_call(
        _k4_body,
        grid=(nb,),
        in_specs=[
            _agg_spec(),
            _agg_spec(),
            pl.BlockSpec((R, 1000, 1), lambda j: (0, j, 0)),
            pl.BlockSpec((R, 1000, 1), lambda j: (0, j, 0)),
            pl.BlockSpec((R, 1000, 1), lambda j: (0, j, 0)),
            pl.BlockSpec((R, 1000, 1), lambda j: (0, j, 0)),
            pl.BlockSpec((R, H, H), lambda j: (0, 0, 0)),
            pl.BlockSpec((R, 1, H), lambda j: (0, 0, 0)),
        ],
        out_specs=[pl.BlockSpec((R, 1000, Hh), lambda j: (0, j, 0))] * 2,
        out_shape=[jax.ShapeDtypeStruct((R, N, Hh), _f32)] * 2,
        interpret=interpret,
    )(aggA, aggB, diA, diB, doA, doB, W, b)


def _k6_body(aggA, aggB, dia, dib, W, b, gids, out, sums, counts):
    j = pl.program_id(0)
    nb = pl.num_programs(0)
    agg = jnp.concatenate([aggA[0], aggB[0]], axis=-1)
    ndst = lax.rsqrt(jnp.maximum(dia[...] + dib[...], 1.0))
    h = jnp.zeros((1000, H), _f32)
    for r in range(R):
        h = h + jnp.dot(agg[r] * ndst[r], W[r], precision=_HIGH,
                        preferred_element_type=_f32)
    h = h + jnp.sum(b[...], axis=0)
    giota = lax.broadcasted_iota(_i32, (1000, G), 1)
    P = (gids[...] == giota).astype(_f32)
    dn = (((0,), (0,)), ((), ()))
    psum = lax.dot_general(P, h, dn, precision=_HIGH,
                           preferred_element_type=_f32)
    pcnt = lax.dot_general(P, jnp.ones((1000, H), _f32), dn, precision=_HIGH,
                           preferred_element_type=_f32)

    @pl.when(j == 0)
    def _():
        sums[...] = psum
        counts[...] = pcnt

    @pl.when(j > 0)
    def _():
        sums[...] += psum
        counts[...] += pcnt

    @pl.when(j == nb - 1)
    def _():
        out[...] = sums[...] / jnp.maximum(counts[...], 1.0)


def _k6(aggA, aggB, diA, diB, W, b, gids, interpret=False):
    nb = N // 1000
    return pl.pallas_call(
        _k6_body,
        grid=(nb,),
        in_specs=[
            _agg_spec(),
            _agg_spec(),
            pl.BlockSpec((R, 1000, 1), lambda j: (0, j, 0)),
            pl.BlockSpec((R, 1000, 1), lambda j: (0, j, 0)),
            pl.BlockSpec((R, H, H), lambda j: (0, 0, 0)),
            pl.BlockSpec((R, 1, H), lambda j: (0, 0, 0)),
            pl.BlockSpec((1000, 1), lambda j: (j, 0)),
        ],
        out_specs=pl.BlockSpec((G, H), lambda j: (0, 0)),
        out_shape=jax.ShapeDtypeStruct((G, H), _f32),
        scratch_shapes=[pltpu.VMEM((G, H), _f32), pltpu.VMEM((G, H), _f32)],
        interpret=interpret,
    )(aggA, aggB, diA, diB, W, b, gids)


def kernel(x, edge_index, edge_type, graph_ids, W1, b1, W2, b2):
    src = edge_index[0].astype(_i32)
    dst = edge_index[1].astype(_i32)
    typ = edge_type.astype(_i32)

    pad = EPAD - E
    src_p = jnp.pad(src, (0, pad))
    dst_p = jnp.pad(dst, (0, pad), constant_values=10**8)
    typ_p = jnp.pad(typ, (0, pad))

    fsrc_g, fsrc_d, fdst_d, lrow0, lrow1, pos, cnts = _k0(
        src_p.reshape(-1, 128), dst_p.reshape(-1, 128),
        typ_p.reshape(-1, 128))

    degp, _, _ = _k1(fsrc_d, fdst_d, fsrc_g, lrow0, pos)
    fsrc2 = fsrc_g
    lrow2 = jnp.concatenate([lrow0, lrow1], axis=0)
    doA = degp[0, :R * N].reshape(R * N, 1)
    doB = degp[1, :R * N].reshape(R * N, 1)
    diA = degp[0, DR:DR + R * N].reshape(R * N, 1)
    diB = degp[1, DR:DR + R * N].reshape(R * N, 1)
    diA3 = diA.reshape(R, N, 1)
    diB3 = diB.reshape(R, N, 1)
    doA3 = doA.reshape(R, N, 1)
    doB3 = doB.reshape(R, N, 1)

    F1a, F1b = _k2(x, doA, doB)
    o1a = _ksc_agg(F1a, fsrc2, lrow2, cnts).reshape(NSC, R, SEG, Hh)
    o1b = _ksc_agg(F1b, fsrc2, lrow2, cnts).reshape(NSC, R, SEG, Hh)

    F2a, F2b = _k4(o1a, o1b, diA3, diB3, doA3, doB3, W1, b1.reshape(R, 1, H))
    o2a = _ksc_agg(F2a.reshape(R * N, Hh), fsrc2, lrow2, cnts).reshape(
        NSC, R, SEG, Hh)
    o2b = _ksc_agg(F2b.reshape(R * N, Hh), fsrc2, lrow2, cnts).reshape(
        NSC, R, SEG, Hh)

    hg = _k6(o2a, o2b, diA3, diB3, W2, b2.reshape(R, 1, H),
             graph_ids.astype(_i32).reshape(N, 1))
    return hg

# --- scband reference (transcript-rebuilt; emitter-appended) ---
"""Pipeline reference for scband-hetero-classifier-87308095193388 (READ-ONLY COPY).

The authoritative reference and input builder live on the scoring server;
editing this copy changes nothing except your own understanding.
"""

import jax, jax.numpy as jnp
import numpy as np

N = 10000
E = 320000
D = 128
H = 128
R = 3
G = 64


def setup_inputs(seed: int = 0) -> dict:
    key = jax.random.key(seed)
    ks = jax.random.split(key, 8)
    x = jax.random.normal(ks[0], (N, D), dtype=jnp.float32)
    edge_index = jax.random.randint(ks[1], (2, E), 0, N).astype(jnp.int64)
    edge_type = jax.random.randint(ks[2], (E,), 0, R).astype(jnp.int64)
    graph_ids = jnp.sort(jax.random.randint(ks[3], (N,), 0, G)).astype(jnp.int64)
    # per-relation GraphConv weights for the two-layer RGCN (rgcn_combined)
    W1 = jax.random.normal(ks[4], (R, D, H), dtype=jnp.float32) * 0.05
    b1 = jnp.zeros((R, H), dtype=jnp.float32)
    W2 = jax.random.normal(ks[5], (R, H, H), dtype=jnp.float32) * 0.05
    b2 = jnp.zeros((R, H), dtype=jnp.float32)
    return {"x": x, "edge_index": edge_index, "edge_type": edge_type,
            "graph_ids": graph_ids, "W1": W1, "b1": b1, "W2": W2, "b2": b2}


def _hetero_graph_conv(h, src, dst, edge_type, W, b):
    """dgl HeteroGraphConv({rel: GraphConv(norm='both')}, aggregate='sum')."""
    d_out = W.shape[2]
    out = jnp.zeros((N, d_out), dtype=h.dtype)
    for r in range(R):
        mask = (edge_type == r).astype(h.dtype)
        deg_out = jnp.zeros((N,), h.dtype).at[src].add(mask)
        deg_in = jnp.zeros((N,), h.dtype).at[dst].add(mask)
        norm_src = jnp.power(jnp.clip(deg_out, 1.0, None), -0.5)
        norm_dst = jnp.power(jnp.clip(deg_in, 1.0, None), -0.5)
        feat = h * norm_src[:, None]
        msg = feat[src] * mask[:, None]
        agg = jnp.zeros((N, h.shape[1]), h.dtype).at[dst].add(msg)
        agg = agg * norm_dst[:, None]
        out = out + agg @ W[r] + b[r]
    return out


def reference(x, edge_index, edge_type, graph_ids, W1, b1, W2, b2):
    src = edge_index[0]
    dst = edge_index[1]
    # RGCN layer 1 + relu
    h = _hetero_graph_conv(x, src, dst, edge_type, W1, b1)
    h = jax.nn.relu(h)
    # RGCN layer 2
    h = _hetero_graph_conv(h, src, dst, edge_type, W2, b2)
    # AvgPooling over batched graphs (mean of node features per graph)
    counts = jnp.zeros((G,), x.dtype).at[graph_ids].add(1.0)
    sums = jnp.zeros((G, h.shape[1]), h.dtype).at[graph_ids].add(h)
    hg_combined = sums / jnp.clip(counts, 1.0, None)[:, None]
    return hg_combined

if __name__ == "__main__":
    import jax
    _d = setup_inputs()
    print(jax.jit(kernel)(*tuple(_d.values())))

</pallas_src>

<mosaic_0001>
#map = affine_map<(d0, d1) -> (0, 0)>
#map1 = affine_map<(d0, d1) -> (0)>
module attributes {stable_mosaic.version = 14 : i64} {
  func.func @_k1_body(%arg0: i32, %arg1: i32, %arg2: memref<2560x128xi32, #tpu.memory_space<hbm>>, %arg3: memref<2560x128xi32, #tpu.memory_space<hbm>>, %arg4: memref<2560x128xi32, #tpu.memory_space<hbm>>, %arg5: memref<2560x128xi32, #tpu.memory_space<hbm>>, %arg6: memref<2560x128xi32, #tpu.memory_space<hbm>>, %arg7: memref<2x61440xf32, #tpu.memory_space<hbm>>, %arg8: memref<348160xi32, #tpu.memory_space<hbm>>, %arg9: memref<348160xi32, #tpu.memory_space<hbm>>, %arg10: memref<80x128xi32, #tpu.memory_space<vmem>>, %arg11: memref<80x128xi32, #tpu.memory_space<vmem>>, %arg12: memref<80x128xi32, #tpu.memory_space<vmem>>, %arg13: memref<80x128xi32, #tpu.memory_space<vmem>>, %arg14: memref<80x128xi32, #tpu.memory_space<vmem>>, %arg15: memref<128xf32, #tpu.memory_space<vmem>>, %arg16: memref<128xf32, #tpu.memory_space<vmem>>, %arg17: memref<61440xf32, #tpu.memory_space<vmem_shared>>, %arg18: memref<!tpu.dma_semaphore, #tpu.memory_space<semaphore_mem>>) attributes {dimension_semantics = [#tpu.dimension_semantics<core_parallel>, #tpu.dimension_semantics<subcore_parallel>], iteration_bounds = array<i64: 2, 16>, scalar_prefetch = 0 : i64, scratch_operands = 9 : i64, tpu.core_type = #tpu.core_type<sc_vector_subcore>, window_params = [{transform_indices = #map}, {transform_indices = #map}, {transform_indices = #map}, {transform_indices = #map}, {transform_indices = #map}, {transform_indices = #map}, {transform_indices = #map1}, {transform_indices = #map1}]} {
    %scan3A = arith.constant 0 : i32
    %scan3A_0 = arith.constant 8 : i32
    %scan3A_1 = arith.addi %scan3A, %scan3A_0 : i32
    %scan3A_2 = arith.constant 1 : i32
    scf.for %scan3A_27 = %scan3A to %scan3A_1 step %scan3A_2  : i32 {
      %mul3A_28 = arith.constant 16 : i32
      %mul3A_29 = arith.muli %scan3A_27, %mul3A_28 : i32
      %add3A_30 = arith.constant 0 : i32
      %add3A_31 = arith.addi %add3A_30, %mul3A_29 : i32
      %broadcast_in_dim3A = arith.constant 1.000000e+00 : f32
      %broadcast_in_dim3A_32 = vector.broadcast %broadcast_in_dim3A : f32 to vector<16xf32>
      %swap3A = arith.index_cast %add3A_31 : i32 to index
      %swap3A_33 = tpu.vector_load %arg15[%swap3A] {strides = array<i32>} : memref<128xf32, #tpu.memory_space<vmem>>, vector<16xf32>,
      %swap3A_34 = vector.shape_cast %swap3A_33 : vector<16xf32> to vector<16xf32>
      %swap3A_35 = vector.shape_cast %broadcast_in_dim3A_32 : vector<16xf32> to vector<16xf32>
      tpu.vector_store %arg15[%swap3A], %swap3A_35 {strides = array<i32>} : memref<128xf32, #tpu.memory_space<vmem>>, vector<16xf32>,
      %broadcast_in_dim3A_36 = arith.constant 0.000000e+00 : f32
      %broadcast_in_dim3A_37 = vector.broadcast %broadcast_in_dim3A_36 : f32 to vector<16xf32>
      %swap3A_38 = arith.index_cast %add3A_31 : i32 to index
      %swap3A_39 = tpu.vector_load %arg16[%swap3A_38] {strides = array<i32>} : memref<128xf32, #tpu.memory_space<vmem>>, vector<16xf32>,
      %swap3A_40 = vector.shape_cast %swap3A_39 : vector<16xf32> to vector<16xf32>
      %swap3A_41 = vector.shape_cast %broadcast_in_dim3A_37 : vector<16xf32> to vector<16xf32>
      tpu.vector_store %arg16[%swap3A_38], %swap3A_41 {strides = array<i32>} : memref<128xf32, #tpu.memory_space<vmem>>, vector<16xf32>,
    }
    %scan3A_3 = arith.constant 8 : i32
    %scan3A_4 = arith.constant 0 : i32
    %scan3A_5 = arith.constant 30 : i32
    %scan3A_6 = arith.addi %scan3A_4, %scan3A_5 : i32
    %scan3A_7 = arith.constant 1 : i32
    scf.for %scan3A_27 = %scan3A_4 to %scan3A_6 step %scan3A_7  : i32 {
      %mul3A_28 = arith.constant 128 : i32
      %mul3A_29 = arith.muli %scan3A_27, %mul3A_28 : i32
      %add3A_30 = arith.constant 0 : i32
      %add3A_31 = arith.addi %add3A_30, %mul3A_29 : i32
      %mul3A_32 = arith.constant 3840 : i32
      %mul3A_33 = arith.muli %arg1, %mul3A_32 : i32
      %add3A_34 = arith.addi %mul3A_33, %add3A_31 : i32
      "tpu.region"() ({
        %run_scoped3A = tpu.sem_alloc : memref<!tpu.dma_semaphore, #tpu.memory_space<semaphore_mem>>
        %dma_start3A = tpu.memref_slice %arg17[%add3A_34] : memref<61440xf32, #tpu.memory_space<vmem_shared>> -> memref<128xf32, #tpu.memory_space<vmem_shared>>
        %dma_start3A_35 = tpu.memref_slice %arg17[%add3A_34] : memref<61440xf32, #tpu.memory_space<vmem_shared>> -> memref<128xf32, #tpu.memory_space<vmem_shared>>
        tpu.enqueue_dma source(%arg16 : memref<128xf32, #tpu.memory_space<vmem>>) target(%dma_start3A_35 : memref<128xf32, #tpu.memory_space<vmem_shared>>) target_semaphore(%run_scoped3A : memref<!tpu.dma_semaphore, #tpu.memory_space<semaphore_mem>>)
        %dma_wait3A = tpu.memref_slice %arg17[%add3A_34] : memref<61440xf32, #tpu.memory_space<vmem_shared>> -> memref<128xf32, #tpu.memory_space<vmem_shared>>
        %dma_wait3A_36 = tpu.memref_slice %arg17[%add3A_34] : memref<61440xf32, #tpu.memory_space<vmem_shared>> -> memref<128xf32, #tpu.memory_space<vmem_shared>>
        tpu.wait_dma2 semaphore(%run_scoped3A : memref<!tpu.dma_semaphore, #tpu.memory_space<semaphore_mem>>) src(%arg16 : memref<128xf32, #tpu.memory_space<vmem>>) dst(%dma_wait3A_36 : memref<128xf32, #tpu.memory_space<vmem_shared>>)
        tpu.yield
      }) : () -> ()
    }
    %scan3A_8 = arith.constant 30 : i32
    %barrier3A = arith.constant 0 : index
    tpu.barrier barrier_id(%barrier3A)
    %mul3A = arith.constant 16 : i32
    %mul3A_9 = arith.muli %arg0, %mul3A : i32
    %add3A = arith.addi %mul3A_9, %arg1 : i32
    %mul3A_10 = arith.constant 80 : i32
    %mul3A_11 = arith.muli %add3A, %mul3A_10 : i32
    "tpu.region"() ({
      %run_scoped3A = tpu.sem_alloc : memref<!tpu.dma_semaphore, #tpu.memory_space<semaphore_mem>>
      %dma_start3A = arith.constant 0 : i32
      %dma_start3A_27 = tpu.memref_slice %arg2[%mul3A_11, %dma_start3A] : memref<2560x128xi32, #tpu.memory_space<hbm>> -> memref<80x128xi32, #tpu.memory_space<hbm>>
      %dma_start3A_28 = arith.constant 0 : i32
      %dma_start3A_29 = tpu.memref_slice %arg2[%mul3A_11, %dma_start3A_28] : memref<2560x128xi32, #tpu.memory_space<hbm>> -> memref<80x128xi32, #tpu.memory_space<hbm>>
      tpu.enqueue_dma source(%dma_start3A_29 : memref<80x128xi32, #tpu.memory_space<hbm>>) target(%arg10 : memref<80x128xi32, #tpu.memory_space<vmem>>) target_semaphore(%run_scoped3A : memref<!tpu.dma_semaphore, #tpu.memory_space<semaphore_mem>>)
      %dma_wait3A = arith.constant 0 : i32
      %dma_wait3A_30 = tpu.memref_slice %arg2[%mul3A_11, %dma_wait3A] : memref<2560x128xi32, #tpu.memory_space<hbm>> -> memref<80x128xi32, #tpu.memory_space<hbm>>
      %dma_wait3A_31 = arith.constant 0 : i32
      %dma_wait3A_32 = tpu.memref_slice %arg2[%mul3A_11, %dma_wait3A_31] : memref<2560x128xi32, #tpu.memory_space<hbm>> -> memref<80x128xi32, #tpu.memory_space<hbm>>
      tpu.wait_dma2 semaphore(%run_scoped3A : memref<!tpu.dma_semaphore, #tpu.memory_space<semaphore_mem>>) src(%dma_wait3A_32 : memref<80x128xi32, #tpu.memory_space<hbm>>) dst(%arg10 : memref<80x128xi32, #tpu.memory_space<vmem>>)
      tpu.yield
    }) : () -> ()
    "tpu.region"() ({
      %run_scoped3A = tpu.sem_alloc : memref<!tpu.dma_semaphore, #tpu.memory_space<semaphore_mem>>
      %dma_start3A = arith.constant 0 : i32
      %dma_start3A_27 = tpu.memref_slice %arg3[%mul3A_11, %dma_start3A] : memref<2560x128xi32, #tpu.memory_space<hbm>> -> memref<80x128xi32, #tpu.memory_space<hbm>>
      %dma_start3A_28 = arith.constant 0 : i32
      %dma_start3A_29 = tpu.memref_slice %arg3[%mul3A_11, %dma_start3A_28] : memref<2560x128xi32, #tpu.memory_space<hbm>> -> memref<80x128xi32, #tpu.memory_space<hbm>>
      tpu.enqueue_dma source(%dma_start3A_29 : memref<80x128xi32, #tpu.memory_space<hbm>>) target(%arg11 : memref<80x128xi32, #tpu.memory_space<vmem>>) target_semaphore(%run_scoped3A : memref<!tpu.dma_semaphore, #tpu.memory_space<semaphore_mem>>)
      %dma_wait3A = arith.constant 0 : i32
      %dma_wait3A_30 = tpu.memref_slice %arg3[%mul3A_11, %dma_wait3A] : memref<2560x128xi32, #tpu.memory_space<hbm>> -> memref<80x128xi32, #tpu.memory_space<hbm>>
      %dma_wait3A_31 = arith.constant 0 : i32
      %dma_wait3A_32 = tpu.memref_slice %arg3[%mul3A_11, %dma_wait3A_31] : memref<2560x128xi32, #tpu.memory_space<hbm>> -> memref<80x128xi32, #tpu.memory_space<hbm>>
      tpu.wait_dma2 semaphore(%run_scoped3A : memref<!tpu.dma_semaphore, #tpu.memory_space<semaphore_mem>>) src(%dma_wait3A_32 : memref<80x128xi32, #tpu.memory_space<hbm>>) dst(%arg11 : memref<80x128xi32, #tpu.memory_space<vmem>>)
      tpu.yield
    }) : () -> ()
    "tpu.region"() ({
      %run_scoped3A = tpu.sem_alloc : memref<!tpu.dma_semaphore, #tpu.memory_space<semaphore_mem>>
      %dma_start3A = arith.constant 0 : i32
      %dma_start3A_27 = tpu.memref_slice %arg4[%mul3A_11, %dma_start3A] : memref<2560x128xi32, #tpu.memory_space<hbm>> -> memref<80x128xi32, #tpu.memory_space<hbm>>
      %dma_start3A_28 = arith.constant 0 : i32
      %dma_start3A_29 = tpu.memref_slice %arg4[%mul3A_11, %dma_start3A_28] : memref<2560x128xi32, #tpu.memory_space<hbm>> -> memref<80x128xi32, #tpu.memory_space<hbm>>
      tpu.enqueue_dma source(%dma_start3A_29 : memref<80x128xi32, #tpu.memory_space<hbm>>) target(%arg12 : memref<80x128xi32, #tpu.memory_space<vmem>>) target_semaphore(%run_scoped3A : memref<!tpu.dma_semaphore, #tpu.memory_space<semaphore_mem>>)
      %dma_wait3A = arith.constant 0 : i32
      %dma_wait3A_30 = tpu.memref_slice %arg4[%mul3A_11, %dma_wait3A] : memref<2560x128xi32, #tpu.memory_space<hbm>> -> memref<80x128xi32, #tpu.memory_space<hbm>>
      %dma_wait3A_31 = arith.constant 0 : i32
      %dma_wait3A_32 = tpu.memref_slice %arg4[%mul3A_11, %dma_wait3A_31] : memref<2560x128xi32, #tpu.memory_space<hbm>> -> memref<80x128xi32, #tpu.memory_space<hbm>>
      tpu.wait_dma2 semaphore(%run_scoped3A : memref<!tpu.dma_semaphore, #tpu.memory_space<semaphore_mem>>) src(%dma_wait3A_32 : memref<80x128xi32, #tpu.memory_space<hbm>>) dst(%arg12 : memref<80x128xi32, #tpu.memory_space<vmem>>)
      tpu.yield
    }) : () -> ()
    "tpu.region"() ({
      %run_scoped3A = tpu.sem_alloc : memref<!tpu.dma_semaphore, #tpu.memory_space<semaphore_mem>>
      %dma_start3A = arith.constant 0 : i32
      %dma_start3A_27 = tpu.memref_slice %arg5[%mul3A_11, %dma_start3A] : memref<2560x128xi32, #tpu.memory_space<hbm>> -> memref<80x128xi32, #tpu.memory_space<hbm>>
      %dma_start3A_28 = arith.constant 0 : i32
      %dma_start3A_29 = tpu.memref_slice %arg5[%mul3A_11, %dma_start3A_28] : memref<2560x128xi32, #tpu.memory_space<hbm>> -> memref<80x128xi32, #tpu.memory_space<hbm>>
      tpu.enqueue_dma source(%dma_start3A_29 : memref<80x128xi32, #tpu.memory_space<hbm>>) target(%arg13 : memref<80x128xi32, #tpu.memory_space<vmem>>) target_semaphore(%run_scoped3A : memref<!tpu.dma_semaphore, #tpu.memory_space<semaphore_mem>>)
      %dma_wait3A = arith.constant 0 : i32
      %dma_wait3A_30 = tpu.memref_slice %arg5[%mul3A_11, %dma_wait3A] : memref<2560x128xi32, #tpu.memory_space<hbm>> -> memref<80x128xi32, #tpu.memory_space<hbm>>
      %dma_wait3A_31 = arith.constant 0 : i32
      %dma_wait3A_32 = tpu.memref_slice %arg5[%mul3A_11, %dma_wait3A_31] : memref<2560x128xi32, #tpu.memory_space<hbm>> -> memref<80x128xi32, #tpu.memory_space<hbm>>
      tpu.wait_dma2 semaphore(%run_scoped3A : memref<!tpu.dma_semaphore, #tpu.memory_space<semaphore_mem>>) src(%dma_wait3A_32 : memref<80x128xi32, #tpu.memory_space<hbm>>) dst(%arg13 : memref<80x128xi32, #tpu.memory_space<vmem>>)
      tpu.yield
    }) : () -> ()
    "tpu.region"() ({
      %run_scoped3A = tpu.sem_alloc : memref<!tpu.dma_semaphore, #tpu.memory_space<semaphore_mem>>
      %dma_start3A = arith.constant 0 : i32
      %dma_start3A_27 = tpu.memref_slice %arg6[%mul3A_11, %dma_start3A] : memref<2560x128xi32, #tpu.memory_space<hbm>> -> memref<80x128xi32, #tpu.memory_space<hbm>>
      %dma_start3A_28 = arith.constant 0 : i32
      %dma_start3A_29 = tpu.memref_slice %arg6[%mul3A_11, %dma_start3A_28] : memref<2560x128xi32, #tpu.memory_space<hbm>> -> memref<80x128xi32, #tpu.memory_space<hbm>>
      tpu.enqueue_dma source(%dma_start3A_29 : memref<80x128xi32, #tpu.memory_space<hbm>>) target(%arg14 : memref<80x128xi32, #tpu.memory_space<vmem>>) target_semaphore(%run_scoped3A : memref<!tpu.dma_semaphore, #tpu.memory_space<semaphore_mem>>)
      %dma_wait3A = arith.constant 0 : i32
      %dma_wait3A_30 = tpu.memref_slice %arg6[%mul3A_11, %dma_wait3A] : memref<2560x128xi32, #tpu.memory_space<hbm>> -> memref<80x128xi32, #tpu.memory_space<hbm>>
      %dma_wait3A_31 = arith.constant 0 : i32
      %dma_wait3A_32 = tpu.memref_slice %arg6[%mul3A_11, %dma_wait3A_31] : memref<2560x128xi32, #tpu.memory_space<hbm>> -> memref<80x128xi32, #tpu.memory_space<hbm>>
      tpu.wait_dma2 semaphore(%run_scoped3A : memref<!tpu.dma_semaphore, #tpu.memory_space<semaphore_mem>>) src(%dma_wait3A_32 : memref<80x128xi32, #tpu.memory_space<hbm>>) dst(%arg14 : memref<80x128xi32, #tpu.memory_space<vmem>>)
      tpu.yield
    }) : () -> ()
    %scan3A_12 = arith.constant 0 : i32
    %scan3A_13 = arith.constant 80 : i32
    %scan3A_14 = arith.addi %scan3A_12, %scan3A_13 : i32
    %scan3A_15 = arith.constant 1 : i32
    scf.for %scan3A_27 = %scan3A_12 to %scan3A_14 step %scan3A_15  : i32 {
      %mul3A_28 = arith.constant 1 : i32
      %mul3A_29 = arith.muli %scan3A_27, %mul3A_28 : i32
      %add3A_30 = arith.constant 0 : i32
      %add3A_31 = arith.addi %add3A_30, %mul3A_29 : i32
      %dma_start3A = arith.constant 0 : i32
      %dma_start3A_32 = tpu.memref_slice %arg12[%add3A_31, %dma_start3A] : memref<80x128xi32, #tpu.memory_space<vmem>> -> memref<1x128xi32, #tpu.memory_space<vmem>>
      %dma_start3A_33 = tpu.memref_squeeze %dma_start3A_32 : memref<1x128xi32, #tpu.memory_space<vmem>> -> memref<128xi32, #tpu.memory_space<vmem>>
      %dma_start3A_34 = arith.constant 0 : i32
      %dma_start3A_35 = tpu.memref_slice %arg14[%add3A_31, %dma_start3A_34] : memref<80x128xi32, #tpu.memory_space<vmem>> -> memref<1x128xi32, #tpu.memory_space<vmem>>
      %dma_start3A_36 = tpu.memref_squeeze %dma_start3A_35 : memref<1x128xi32, #tpu.memory_space<vmem>> -> memref<128xi32, #tpu.memory_space<vmem>>
      %dma_start3A_37 = arith.constant 0 : i32
      %dma_start3A_38 = tpu.memref_slice %arg8[%dma_start3A_37] : memref<348160xi32, #tpu.memory_space<hbm>> -> memref<348160xi32, #tpu.memory_space<hbm>>
      tpu.enqueue_indirect_dma source(%dma_start3A_33 : memref<128xi32, #tpu.memory_space<vmem>>) target(%dma_start3A_38 : memref<348160xi32, #tpu.memory_space<hbm>>) offsets(%dma_start3A_36 : memref<128xi32, #tpu.memory_space<vmem>>) semaphore(%arg18 : memref<!tpu.dma_semaphore, #tpu.memory_space<semaphore_mem>>)
      %dma_start3A_39 = arith.constant 0 : i32
      %dma_start3A_40 = tpu.memref_slice %arg13[%add3A_31, %dma_start3A_39] : memref<80x128xi32, #tpu.memory_space<vmem>> -> memref<1x128xi32, #tpu.memory_space<vmem>>
      %dma_start3A_41 = tpu.memref_squeeze %dma_start3A_40 : memref<1x128xi32, #tpu.memory_space<vmem>> -> memref<128xi32, #tpu.memory_space<vmem>>
      %dma_start3A_42 = arith.constant 0 : i32
      %dma_start3A_43 = tpu.memref_slice %arg14[%add3A_31, %dma_start3A_42] : memref<80x128xi32, #tpu.memory_space<vmem>> -> memref<1x128xi32, #tpu.memory_space<vmem>>
      %dma_start3A_44 = tpu.memref_squeeze %dma_start3A_43 : memref<1x128xi32, #tpu.memory_space<vmem>> -> memref<128xi32, #tpu.memory_space<vmem>>
      %dma_start3A_45 = arith.constant 0 : i32
      %dma_start3A_46 = tpu.memref_slice %arg9[%dma_start3A_45] : memref<348160xi32, #tpu.memory_space<hbm>> -> memref<348160xi32, #tpu.memory_space<hbm>>
      tpu.enqueue_indirect_dma source(%dma_start3A_41 : memref<128xi32, #tpu.memory_space<vmem>>) target(%dma_start3A_46 : memref<348160xi32, #tpu.memory_space<hbm>>) offsets(%dma_start3A_44 : memref<128xi32, #tpu.memory_space<vmem>>) semaphore(%arg18 : memref<!tpu.dma_semaphore, #tpu.memory_space<semaphore_mem>>)
      "tpu.region"() ({
        %run_scoped3A = tpu.sem_alloc : memref<!tpu.dma_semaphore, #tpu.memory_space<semaphore_mem>>
        %dma_start3A_47 = arith.constant 0 : i32
        %dma_start3A_48 = tpu.memref_slice %arg10[%add3A_31, %dma_start3A_47] : memref<80x128xi32, #tpu.memory_space<vmem>> -> memref<1x128xi32, #tpu.memory_space<vmem>>
        %dma_start3A_49 = tpu.memref_squeeze %dma_start3A_48 : memref<1x128xi32, #tpu.memory_space<vmem>> -> memref<128xi32, #tpu.memory_space<vmem>>
        %dma_start3A_50 = arith.constant 0 : i32
        %dma_start3A_51 = tpu.memref_slice %arg17[%dma_start3A_50] : memref<61440xf32, #tpu.memory_space<vmem_shared>> -> memref<61440xf32, #tpu.memory_space<vmem_shared>>
        tpu.enqueue_indirect_dma source(%arg15 : memref<128xf32, #tpu.memory_space<vmem>>) target(%dma_start3A_51 : memref<61440xf32, #tpu.memory_space<vmem_shared>>) offsets(%dma_start3A_49 : memref<128xi32, #tpu.memory_space<vmem>>) semaphore(%run_scoped3A : memref<!tpu.dma_semaphore, #tpu.memory_space<semaphore_mem>>) {add = true}
        %dma_wait3A = arith.constant 0 : i32
        %dma_wait3A_52 = tpu.memref_slice %arg10[%add3A_31, %dma_wait3A] : memref<80x128xi32, #tpu.memory_space<vmem>> -> memref<1x128xi32, #tpu.memory_space<vmem>>
        %dma_wait3A_53 = tpu.memref_squeeze %dma_wait3A_52 : memref<1x128xi32, #tpu.memory_space<vmem>> -> memref<128xi32, #tpu.memory_space<vmem>>
        %dma_wait3A_54 = arith.constant 0 : i32
        %dma_wait3A_55 = tpu.memref_slice %arg17[%dma_wait3A_54] : memref<61440xf32, #tpu.memory_space<vmem_shared>> -> memref<61440xf32, #tpu.memory_space<vmem_shared>>
        tpu.wait_indirect_dma semaphore(%run_scoped3A : memref<!tpu.dma_semaphore, #tpu.memory_space<semaphore_mem>>) src(%arg15 : memref<128xf32, #tpu.memory_space<vmem>>) dst(%dma_wait3A_55 : memref<61440xf32, #tpu.memory_space<vmem_shared>>)
        tpu.yield
      }) : () -> ()
      "tpu.region"() ({
        %run_scoped3A = tpu.sem_alloc : memref<!tpu.dma_semaphore, #tpu.memory_space<semaphore_mem>>
        %dma_start3A_47 = arith.constant 0 : i32
        %dma_start3A_48 = tpu.memref_slice %arg11[%add3A_31, %dma_start3A_47] : memref<80x128xi32, #tpu.memory_space<vmem>> -> memref<1x128xi32, #tpu.memory_space<vmem>>
        %dma_start3A_49 = tpu.memref_squeeze %dma_start3A_48 : memref<1x128xi32, #tpu.memory_space<vmem>> -> memref<128xi32, #tpu.memory_space<vmem>>
        %dma_start3A_50 = arith.constant 0 : i32
        %dma_start3A_51 = tpu.memref_slice %arg17[%dma_start3A_50] : memref<61440xf32, #tpu.memory_space<vmem_shared>> -> memref<61440xf32, #tpu.memory_space<vmem_shared>>
        tpu.enqueue_indirect_dma source(%arg15 : memref<128xf32, #tpu.memory_space<vmem>>) target(%dma_start3A_51 : memref<61440xf32, #tpu.memory_space<vmem_shared>>) offsets(%dma_start3A_49 : memref<128xi32, #tpu.memory_space<vmem>>) semaphore(%run_scoped3A : memref<!tpu.dma_semaphore, #tpu.memory_space<semaphore_mem>>) {add = true}
        %dma_wait3A = arith.constant 0 : i32
        %dma_wait3A_52 = tpu.memref_slice %arg11[%add3A_31, %dma_wait3A] : memref<80x128xi32, #tpu.memory_space<vmem>> -> memref<1x128xi32, #tpu.memory_space<vmem>>
        %dma_wait3A_53 = tpu.memref_squeeze %dma_wait3A_52 : memref<1x128xi32, #tpu.memory_space<vmem>> -> memref<128xi32, #tpu.memory_space<vmem>>
        %dma_wait3A_54 = arith.constant 0 : i32
        %dma_wait3A_55 = tpu.memref_slice %arg17[%dma_wait3A_54] : memref<61440xf32, #tpu.memory_space<vmem_shared>> -> memref<61440xf32, #tpu.memory_space<vmem_shared>>
        tpu.wait_indirect_dma semaphore(%run_scoped3A : memref<!tpu.dma_semaphore, #tpu.memory_space<semaphore_mem>>) src(%arg15 : memref<128xf32, #tpu.memory_space<vmem>>) dst(%dma_wait3A_55 : memref<61440xf32, #tpu.memory_space<vmem_shared>>)
        tpu.yield
      }) : () -> ()
    }
    %scan3A_16 = arith.constant 80 : i32
    %scan3A_17 = arith.constant 0 : i32
    %scan3A_18 = arith.constant 160 : i32
    %scan3A_19 = arith.addi %scan3A_17, %scan3A_18 : i32
    %scan3A_20 = arith.constant 1 : i32
    scf.for %scan3A_27 = %scan3A_17 to %scan3A_19 step %scan3A_20  : i32 {
      %mul3A_28 = arith.constant 1 : i32
      %mul3A_29 = arith.muli %scan3A_27, %mul3A_28 : i32
      %add3A_30 = arith.constant 0 : i32
      %add3A_31 = arith.addi %add3A_30, %mul3A_29 : i32
      %dma_wait3A = arith.constant 0 : i32
      %dma_wait3A_32 = arith.constant 0 : i32
      %dma_wait3A_33 = arith.constant 0 : i32
      %dma_wait3A_34 = tpu.memref_slice %arg12[%dma_wait3A, %dma_wait3A_33] : memref<80x128xi32, #tpu.memory_space<vmem>> -> memref<1x128xi32, #tpu.memory_space<vmem>>
      %dma_wait3A_35 = tpu.memref_squeeze %dma_wait3A_34 : memref<1x128xi32, #tpu.memory_space<vmem>> -> memref<128xi32, #tpu.memory_space<vmem>>
      %dma_wait3A_36 = arith.constant 0 : i32
      %dma_wait3A_37 = tpu.memref_slice %arg14[%dma_wait3A_32, %dma_wait3A_36] : memref<80x128xi32, #tpu.memory_space<vmem>> -> memref<1x128xi32, #tpu.memory_space<vmem>>
      %dma_wait3A_38 = tpu.memref_squeeze %dma_wait3A_37 : memref<1x128xi32, #tpu.memory_space<vmem>> -> memref<128xi32, #tpu.memory_space<vmem>>
      %dma_wait3A_39 = arith.constant 0 : i32
      %dma_wait3A_40 = tpu.memref_slice %arg8[%dma_wait3A_39] : memref<348160xi32, #tpu.memory_space<hbm>> -> memref<348160xi32, #tpu.memory_space<hbm>>
      tpu.wait_indirect_dma semaphore(%arg18 : memref<!tpu.dma_semaphore, #tpu.memory_space<semaphore_mem>>) src(%dma_wait3A_35 : memref<128xi32, #tpu.memory_space<vmem>>) dst(%dma_wait3A_40 : memref<348160xi32, #tpu.memory_space<hbm>>)
    }
    %scan3A_21 = arith.constant 160 : i32
    %barrier3A_22 = arith.constant 0 : index
    tpu.barrier barrier_id(%barrier3A_22)
    %mul3A_23 = arith.constant 3840 : i32
    %mul3A_24 = arith.muli %arg1, %mul3A_23 : i32
    %mul3A_25 = arith.constant 3840 : i32
    %mul3A_26 = arith.muli %arg1, %mul3A_25 : i32
    "tpu.region"() ({
      %run_scoped3A = tpu.sem_alloc : memref<!tpu.dma_semaphore, #tpu.memory_space<semaphore_mem>>
      %dma_start3A = tpu.memref_slice %arg7[%arg0, %mul3A_26] : memref<2x61440xf32, #tpu.memory_space<hbm>> -> memref<1x3840xf32, #tpu.memory_space<hbm>>
      %dma_start3A_27 = tpu.memref_squeeze %dma_start3A : memref<1x3840xf32, #tpu.memory_space<hbm>> -> memref<3840xf32, #tpu.memory_space<hbm>>
      %dma_start3A_28 = tpu.memref_slice %arg17[%mul3A_24] : memref<61440xf32, #tpu.memory_space<vmem_shared>> -> memref<3840xf32, #tpu.memory_space<vmem_shared>>
      tpu.enqueue_dma source(%dma_start3A_28 : memref<3840xf32, #tpu.memory_space<vmem_shared>>) target(%dma_start3A_27 : memref<3840xf32, #tpu.memory_space<hbm>>) target_semaphore(%run_scoped3A : memref<!tpu.dma_semaphore, #tpu.memory_space<semaphore_mem>>)
      %dma_wait3A = tpu.memref_slice %arg7[%arg0, %mul3A_26] : memref<2x61440xf32, #tpu.memory_space<hbm>> -> memref<1x3840xf32, #tpu.memory_space<hbm>>
      %dma_wait3A_29 = tpu.memref_squeeze %dma_wait3A : memref<1x3840xf32, #tpu.memory_space<hbm>> -> memref<3840xf32, #tpu.memory_space<hbm>>
      %dma_wait3A_30 = tpu.memref_slice %arg17[%mul3A_24] : memref<61440xf32, #tpu.memory_space<vmem_shared>> -> memref<3840xf32, #tpu.memory_space<vmem_shared>>
      tpu.wait_dma2 semaphore(%run_scoped3A : memref<!tpu.dma_semaphore, #tpu.memory_space<semaphore_mem>>) src(%dma_wait3A_30 : memref<3840xf32, #tpu.memory_space<vmem_shared>>) dst(%dma_wait3A_29 : memref<3840xf32, #tpu.memory_space<hbm>>)
      tpu.yield
    }) : () -> ()
    return
  }
}

#map = affine_map<(d0, d1) -> (0, 0)>
#map1 = affine_map<(d0, d1) -> (0)>
#map2 = affine_map<(d0, d1) -> (0, 0, 0)>
module attributes {stable_mosaic.version = 14 : i64} {
  func.func @_ksc_agg_body(%arg0: i32, %arg1: i32, %arg2: memref<30000x64xf32, #tpu.memory_space<hbm>>, %arg3: memref<2560x128xi32, #tpu.memory_space<hbm>>, %arg4: memref<5120x128xi32, #tpu.memory_space<hbm>>, %arg5: memref<128xf32, #tpu.memory_space<hbm>>, %arg6: memref<2x15360x64xf32, #tpu.memory_space<hbm>>, %arg7: memref<128xf32, #tpu.memory_space<vmem>>, %arg8: memref<161x128xi32, #tpu.memory_space<vmem>>, %arg9: memref<161x128xi32, #tpu.memory_space<vmem>>, %arg10: memref<128x64xf32, #tpu.memory_space<vmem>>, %arg11: memref<128x64xf32, #tpu.memory_space<vmem>>, %arg12: memref<48x64xf32, #tpu.memory_space<vmem>>, %arg13: memref<15360x64xf32, #tpu.memory_space<vmem_shared>>, %arg14: memref<!tpu.dma_semaphore, #tpu.memory_space<semaphore_mem>>, %arg15: memref<!tpu.dma_semaphore, #tpu.memory_space<semaphore_mem>>) attributes {dimension_semantics = [#tpu.dimension_semantics<core_parallel>, #tpu.dimension_semantics<subcore_parallel>], iteration_bounds = array<i64: 2, 16>, scalar_prefetch = 0 : i64, scratch_operands = 9 : i64, tpu.core_type = #tpu.core_type<sc_vector_subcore>, window_params = [{transform_indices = #map}, {transform_indices = #map}, {transform_indices = #map}, {transform_indices = #map1}, {transform_indices = #map2}]} {
    %scan3A = arith.constant 0 : i32
    %scan3A_0 = arith.constant 48 : i32
    %scan3A_1 = arith.addi %scan3A, %scan3A_0 : i32
    %scan3A_2 = arith.constant 1 : i32
    scf.for %scan3A_23 = %scan3A to %scan3A_1 step %scan3A_2  : i32 {
      %mul3A_24 = arith.constant 1 : i32
      %mul3A_25 = arith.muli %scan3A_23, %mul3A_24 : i32
      %add3A_26 = arith.constant 0 : i32
      %add3A_27 = arith.addi %add3A_26, %mul3A_25 : i32
      %scan3A_28 = arith.constant 0 : i32
      %scan3A_29 = arith.constant 4 : i32
      %scan3A_30 = arith.addi %scan3A_28, %scan3A_29 : i32
      %scan3A_31 = arith.constant 1 : i32
      scf.for %scan3A_33 = %scan3A_28 to %scan3A_30 step %scan3A_31  : i32 {
        %mul3A_34 = arith.constant 16 : i32
        %mul3A_35 = arith.muli %scan3A_33, %mul3A_34 : i32
        %add3A_36 = arith.constant 0 : i32
        %add3A_37 = arith.addi %add3A_36, %mul3A_35 : i32
        %broadcast_in_dim3A = arith.constant 0.000000e+00 : f32
        %broadcast_in_dim3A_38 = vector.broadcast %broadcast_in_dim3A : f32 to vector<16xf32>
        %swap3A = arith.index_cast %add3A_27 : i32 to index
        %swap3A_39 = arith.index_cast %add3A_37 : i32 to index
        %swap3A_40 = tpu.vector_load %arg12[%swap3A, %swap3A_39] {strides = array<i32>} : memref<48x64xf32, #tpu.memory_space<vmem>>, vector<1x16xf32>,
        %swap3A_41 = vector.shape_cast %swap3A_40 : vector<1x16xf32> to vector<16xf32>
        %swap3A_42 = vector.shape_cast %broadcast_in_dim3A_38 : vector<16xf32> to vector<1x16xf32>
        tpu.vector_store %arg12[%swap3A, %swap3A_39], %swap3A_42 {strides = array<i32>} : memref<48x64xf32, #tpu.memory_space<vmem>>, vector<1x16xf32>,
      }
      %scan3A_32 = arith.constant 4 : i32
    }
    %scan3A_3 = arith.constant 48 : i32
    %scan3A_4 = arith.constant 0 : i32
    %scan3A_5 = arith.constant 20 : i32
    %scan3A_6 = arith.addi %scan3A_4, %scan3A_5 : i32
    %scan3A_7 = arith.constant 1 : i32
    scf.for %scan3A_23 = %scan3A_4 to %scan3A_6 step %scan3A_7  : i32 {
      %mul3A_24 = arith.constant 48 : i32
      %mul3A_25 = arith.muli %scan3A_23, %mul3A_24 : i32
      %add3A_26 = arith.constant 0 : i32
      %add3A_27 = arith.addi %add3A_26, %mul3A_25 : i32
      %mul3A_28 = arith.constant 960 : i32
      %mul3A_29 = arith.muli %arg1, %mul3A_28 : i32
      %add3A_30 = arith.addi %mul3A_29, %add3A_27 : i32
      "tpu.region"() ({
        %run_scoped3A = tpu.sem_alloc : memref<!tpu.dma_semaphore, #tpu.memory_space<semaphore_mem>>
        %dma_start3A = arith.constant 0 : i32
        %dma_start3A_31 = tpu.memref_slice %arg13[%add3A_30, %dma_start3A] : memref<15360x64xf32, #tpu.memory_space<vmem_shared>> -> memref<48x64xf32, #tpu.memory_space<vmem_shared>>
        %dma_start3A_32 = arith.constant 0 : i32
        %dma_start3A_33 = tpu.memref_slice %arg13[%add3A_30, %dma_start3A_32] : memref<15360x64xf32, #tpu.memory_space<vmem_shared>> -> memref<48x64xf32, #tpu.memory_space<vmem_shared>>
        tpu.enqueue_dma source(%arg12 : memref<48x64xf32, #tpu.memory_space<vmem>>) target(%dma_start3A_33 : memref<48x64xf32, #tpu.memory_space<vmem_shared>>) target_semaphore(%run_scoped3A : memref<!tpu.dma_semaphore, #tpu.memory_space<semaphore_mem>>)
        %dma_wait3A = arith.constant 0 : i32
        %dma_wait3A_34 = tpu.memref_slice %arg13[%add3A_30, %dma_wait3A] : memref<15360x64xf32, #tpu.memory_space<vmem_shared>> -> memref<48x64xf32, #tpu.memory_space<vmem_shared>>
        %dma_wait3A_35 = arith.constant 0 : i32
        %dma_wait3A_36 = tpu.memref_slice %arg13[%add3A_30, %dma_wait3A_35] : memref<15360x64xf32, #tpu.memory_space<vmem_shared>> -> memref<48x64xf32, #tpu.memory_space<vmem_shared>>
        tpu.wait_dma2 semaphore(%run_scoped3A : memref<!tpu.dma_semaphore, #tpu.memory_space<semaphore_mem>>) src(%arg12 : memref<48x64xf32, #tpu.memory_space<vmem>>) dst(%dma_wait3A_36 : memref<48x64xf32, #tpu.memory_space<vmem_shared>>)
        tpu.yield
      }) : () -> ()
    }
    %scan3A_8 = arith.constant 20 : i32
    "tpu.region"() ({
      %run_scoped3A = tpu.sem_alloc : memref<!tpu.dma_semaphore, #tpu.memory_space<semaphore_mem>>
      tpu.enqueue_dma source(%arg5 : memref<128xf32, #tpu.memory_space<hbm>>) target(%arg7 : memref<128xf32, #tpu.memory_space<vmem>>) target_semaphore(%run_scoped3A : memref<!tpu.dma_semaphore, #tpu.memory_space<semaphore_mem>>)
      tpu.wait_dma2 semaphore(%run_scoped3A : memref<!tpu.dma_semaphore, #tpu.memory_space<semaphore_mem>>) src(%arg5 : memref<128xf32, #tpu.memory_space<hbm>>) dst(%arg7 : memref<128xf32, #tpu.memory_space<vmem>>)
      tpu.yield
    }) : () -> ()
    %mul3A = arith.constant 160 : i32
    %mul3A_9 = arith.muli %arg1, %mul3A : i32
    "tpu.region"() ({
      %run_scoped3A = tpu.sem_alloc : memref<!tpu.dma_semaphore, #tpu.memory_space<semaphore_mem>>
      %dma_start3A = arith.constant 0 : i32
      %dma_start3A_23 = arith.constant 0 : i32
      %dma_start3A_24 = tpu.memref_slice %arg8[%dma_start3A, %dma_start3A_23] : memref<161x128xi32, #tpu.memory_space<vmem>> -> memref<160x128xi32, #tpu.memory_space<vmem>>
      %dma_start3A_25 = arith.constant 0 : i32
      %dma_start3A_26 = tpu.memref_slice %arg3[%mul3A_9, %dma_start3A_25] : memref<2560x128xi32, #tpu.memory_space<hbm>> -> memref<160x128xi32, #tpu.memory_space<hbm>>
      %dma_start3A_27 = arith.constant 0 : i32
      %dma_start3A_28 = arith.constant 0 : i32
      %dma_start3A_29 = tpu.memref_slice %arg8[%dma_start3A_27, %dma_start3A_28] : memref<161x128xi32, #tpu.memory_space<vmem>> -> memref<160x128xi32, #tpu.memory_space<vmem>>
      %dma_start3A_30 = arith.constant 0 : i32
      %dma_start3A_31 = tpu.memref_slice %arg3[%mul3A_9, %dma_start3A_30] : memref<2560x128xi32, #tpu.memory_space<hbm>> -> memref<160x128xi32, #tpu.memory_space<hbm>>
      tpu.enqueue_dma source(%dma_start3A_31 : memref<160x128xi32, #tpu.memory_space<hbm>>) target(%dma_start3A_29 : memref<160x128xi32, #tpu.memory_space<vmem>>) target_semaphore(%run_scoped3A : memref<!tpu.dma_semaphore, #tpu.memory_space<semaphore_mem>>)
      %dma_wait3A = arith.constant 0 : i32
      %dma_wait3A_32 = arith.constant 0 : i32
      %dma_wait3A_33 = tpu.memref_slice %arg8[%dma_wait3A, %dma_wait3A_32] : memref<161x128xi32, #tpu.memory_space<vmem>> -> memref<160x128xi32, #tpu.memory_space<vmem>>
      %dma_wait3A_34 = arith.constant 0 : i32
      %dma_wait3A_35 = tpu.memref_slice %arg3[%mul3A_9, %dma_wait3A_34] : memref<2560x128xi32, #tpu.memory_space<hbm>> -> memref<160x128xi32, #tpu.memory_space<hbm>>
      %dma_wait3A_36 = arith.constant 0 : i32
      %dma_wait3A_37 = arith.constant 0 : i32
      %dma_wait3A_38 = tpu.memref_slice %arg8[%dma_wait3A_36, %dma_wait3A_37] : memref<161x128xi32, #tpu.memory_space<vmem>> -> memref<160x128xi32, #tpu.memory_space<vmem>>
      %dma_wait3A_39 = arith.constant 0 : i32
      %dma_wait3A_40 = tpu.memref_slice %arg3[%mul3A_9, %dma_wait3A_39] : memref<2560x128xi32, #tpu.memory_space<hbm>> -> memref<160x128xi32, #tpu.memory_space<hbm>>
      tpu.wait_dma2 semaphore(%run_scoped3A : memref<!tpu.dma_semaphore, #tpu.memory_space<semaphore_mem>>) src(%dma_wait3A_40 : memref<160x128xi32, #tpu.memory_space<hbm>>) dst(%dma_wait3A_38 : memref<160x128xi32, #tpu.memory_space<vmem>>)
      tpu.yield
    }) : () -> ()
    %mul3A_10 = arith.constant 2560 : i32
    %mul3A_11 = arith.muli %arg0, %mul3A_10 : i32
    %add3A = arith.addi %mul3A_11, %mul3A_9 : i32
    "tpu.region"() ({
      %run_scoped3A = tpu.sem_alloc : memref<!tpu.dma_semaphore, #tpu.memory_space<semaphore_mem>>
      %dma_start3A = arith.constant 0 : i32
      %dma_start3A_23 = arith.constant 0 : i32
      %dma_start3A_24 = tpu.memref_slice %arg9[%dma_start3A, %dma_start3A_23] : memref<161x128xi32, #tpu.memory_space<vmem>> -> memref<160x128xi32, #tpu.memory_space<vmem>>
      %dma_start3A_25 = arith.constant 0 : i32
      %dma_start3A_26 = tpu.memref_slice %arg4[%add3A, %dma_start3A_25] : memref<5120x128xi32, #tpu.memory_space<hbm>> -> memref<160x128xi32, #tpu.memory_space<hbm>>
      %dma_start3A_27 = arith.constant 0 : i32
      %dma_start3A_28 = arith.constant 0 : i32
      %dma_start3A_29 = tpu.memref_slice %arg9[%dma_start3A_27, %dma_start3A_28] : memref<161x128xi32, #tpu.memory_space<vmem>> -> memref<160x128xi32, #tpu.memory_space<vmem>>
      %dma_start3A_30 = arith.constant 0 : i32
      %dma_start3A_31 = tpu.memref_slice %arg4[%add3A, %dma_start3A_30] : memref<5120x128xi32, #tpu.memory_space<hbm>> -> memref<160x128xi32, #tpu.memory_space<hbm>>
      tpu.enqueue_dma source(%dma_start3A_31 : memref<160x128xi32, #tpu.memory_space<hbm>>) target(%dma_start3A_29 : memref<160x128xi32, #tpu.memory_space<vmem>>) target_semaphore(%run_scoped3A : memref<!tpu.dma_semaphore, #tpu.memory_space<semaphore_mem>>)
      %dma_wait3A = arith.constant 0 : i32
      %dma_wait3A_32 = arith.constant 0 : i32
      %dma_wait3A_33 = tpu.memref_slice %arg9[%dma_wait3A, %dma_wait3A_32] : memref<161x128xi32, #tpu.memory_space<vmem>> -> memref<160x128xi32, #tpu.memory_space<vmem>>
      %dma_wait3A_34 = arith.constant 0 : i32
      %dma_wait3A_35 = tpu.memref_slice %arg4[%add3A, %dma_wait3A_34] : memref<5120x128xi32, #tpu.memory_space<hbm>> -> memref<160x128xi32, #tpu.memory_space<hbm>>
      %dma_wait3A_36 = arith.constant 0 : i32
      %dma_wait3A_37 = arith.constant 0 : i32
      %dma_wait3A_38 = tpu.memref_slice %arg9[%dma_wait3A_36, %dma_wait3A_37] : memref<161x128xi32, #tpu.memory_space<vmem>> -> memref<160x128xi32, #tpu.memory_space<vmem>>
      %dma_wait3A_39 = arith.constant 0 : i32
      %dma_wait3A_40 = tpu.memref_slice %arg4[%add3A, %dma_wait3A_39] : memref<5120x128xi32, #tpu.memory_space<hbm>> -> memref<160x128xi32, #tpu.memory_space<hbm>>
      tpu.wait_dma2 semaphore(%run_scoped3A : memref<!tpu.dma_semaphore, #tpu.memory_space<semaphore_mem>>) src(%dma_wait3A_40 : memref<160x128xi32, #tpu.memory_space<hbm>>) dst(%dma_wait3A_38 : memref<160x128xi32, #tpu.memory_space<vmem>>)
      tpu.yield
    }) : () -> ()
    %barrier3A = arith.constant 0 : index
    tpu.barrier barrier_id(%barrier3A)
    %scan3A_12 = arith.constant 0 : i32
    %scan3A_13 = arith.constant 0 : i32
    %scan3A_14 = arith.constant 160 : i32
    %scan3A_15 = arith.addi %scan3A_13, %scan3A_14 : i32
    %scan3A_16 = arith.constant 1 : i32
    scf.for %scan3A_23 = %scan3A_13 to %scan3A_15 step %scan3A_16  : i32 {
      "tpu.region"() ({
        %run_scoped3A = tpu.sem_alloc : memref<!tpu.dma_semaphore, #tpu.memory_space<semaphore_mem>>
        %dma_start3A = arith.constant 0 : i32
        %dma_start3A_24 = tpu.memref_slice %arg8[%scan3A_23, %dma_start3A] : memref<161x128xi32, #tpu.memory_space<vmem>> -> memref<1x128xi32, #tpu.memory_space<vmem>>
        %dma_start3A_25 = tpu.memref_squeeze %dma_start3A_24 : memref<1x128xi32, #tpu.memory_space<vmem>> -> memref<128xi32, #tpu.memory_space<vmem>>
        %dma_start3A_26 = arith.constant 0 : i32
        %dma_start3A_27 = arith.constant 0 : i32
        %dma_start3A_28 = tpu.memref_slice %arg2[%dma_start3A_26, %dma_start3A_27] : memref<30000x64xf32, #tpu.memory_space<hbm>> -> memref<30000x64xf32, #tpu.memory_space<hbm>>
        tpu.enqueue_indirect_dma source(%dma_start3A_28 : memref<30000x64xf32, #tpu.memory_space<hbm>>) target(%arg10 : memref<128x64xf32, #tpu.memory_space<vmem>>) offsets(%dma_start3A_25 : memref<128xi32, #tpu.memory_space<vmem>>) semaphore(%run_scoped3A : memref<!tpu.dma_semaphore, #tpu.memory_space<semaphore_mem>>)
        %dma_wait3A = arith.constant 0 : i32
        %dma_wait3A_29 = tpu.memref_slice %arg8[%scan3A_23, %dma_wait3A] : memref<161x128xi32, #tpu.memory_space<vmem>> -> memref<1x128xi32, #tpu.memory_space<vmem>>
        %dma_wait3A_30 = tpu.memref_squeeze %dma_wait3A_29 : memref<1x128xi32, #tpu.memory_space<vmem>> -> memref<128xi32, #tpu.memory_space<vmem>>
        %dma_wait3A_31 = arith.constant 0 : i32
        %dma_wait3A_32 = arith.constant 0 : i32
        %dma_wait3A_33 = tpu.memref_slice %arg2[%dma_wait3A_31, %dma_wait3A_32] : memref<30000x64xf32, #tpu.memory_space<hbm>> -> memref<30000x64xf32, #tpu.memory_space<hbm>>
        tpu.wait_indirect_dma semaphore(%run_scoped3A : memref<!tpu.dma_semaphore, #tpu.memory_space<semaphore_mem>>) src(%dma_wait3A_33 : memref<30000x64xf32, #tpu.memory_space<hbm>>) dst(%arg10 : memref<128x64xf32, #tpu.memory_space<vmem>>)
        tpu.yield
      }) : () -> ()
      "tpu.region"() ({
        %run_scoped3A = tpu.sem_alloc : memref<!tpu.dma_semaphore, #tpu.memory_space<semaphore_mem>>
        %dma_start3A = arith.constant 0 : i32
        %dma_start3A_24 = tpu.memref_slice %arg9[%scan3A_23, %dma_start3A] : memref<161x128xi32, #tpu.memory_space<vmem>> -> memref<1x128xi32, #tpu.memory_space<vmem>>
        %dma_start3A_25 = tpu.memref_squeeze %dma_start3A_24 : memref<1x128xi32, #tpu.memory_space<vmem>> -> memref<128xi32, #tpu.memory_space<vmem>>
        %dma_start3A_26 = arith.constant 0 : i32
        %dma_start3A_27 = arith.constant 0 : i32
        %dma_start3A_28 = tpu.memref_slice %arg13[%dma_start3A_26, %dma_start3A_27] : memref<15360x64xf32, #tpu.memory_space<vmem_shared>> -> memref<15360x64xf32, #tpu.memory_space<vmem_shared>>
        tpu.enqueue_indirect_dma source(%arg10 : memref<128x64xf32, #tpu.memory_space<vmem>>) target(%dma_start3A_28 : memref<15360x64xf32, #tpu.memory_space<vmem_shared>>) offsets(%dma_start3A_25 : memref<128xi32, #tpu.memory_space<vmem>>) semaphore(%run_scoped3A : memref<!tpu.dma_semaphore, #tpu.memory_space<semaphore_mem>>) {add = true}
        %dma_wait3A = arith.constant 0 : i32
        %dma_wait3A_29 = tpu.memref_slice %arg9[%scan3A_23, %dma_wait3A] : memref<161x128xi32, #tpu.memory_space<vmem>> -> memref<1x128xi32, #tpu.memory_space<vmem>>
        %dma_wait3A_30 = tpu.memref_squeeze %dma_wait3A_29 : memref<1x128xi32, #tpu.memory_space<vmem>> -> memref<128xi32, #tpu.memory_space<vmem>>
        %dma_wait3A_31 = arith.constant 0 : i32
        %dma_wait3A_32 = arith.constant 0 : i32
        %dma_wait3A_33 = tpu.memref_slice %arg13[%dma_wait3A_31, %dma_wait3A_32] : memref<15360x64xf32, #tpu.memory_space<vmem_shared>> -> memref<15360x64xf32, #tpu.memory_space<vmem_shared>>
        tpu.wait_indirect_dma semaphore(%run_scoped3A : memref<!tpu.dma_semaphore, #tpu.memory_space<semaphore_mem>>) src(%arg10 : memref<128x64xf32, #tpu.memory_space<vmem>>) dst(%dma_wait3A_33 : memref<15360x64xf32, #tpu.memory_space<vmem_shared>>)
        tpu.yield
      }) : () -> ()
    }
    %scan3A_17 = arith.constant 160 : i32
    %barrier3A_18 = arith.constant 0 : index
    tpu.barrier barrier_id(%barrier3A_18)
    %mul3A_19 = arith.constant 960 : i32
    %mul3A_20 = arith.muli %arg1, %mul3A_19 : i32
    %mul3A_21 = arith.constant 960 : i32
    %mul3A_22 = arith.muli %arg1, %mul3A_21 : i32
    "tpu.region"() ({
      %run_scoped3A = tpu.sem_alloc : memref<!tpu.dma_semaphore, #tpu.memory_space<semaphore_mem>>
      %dma_start3A = arith.constant 0 : i32
      %dma_start3A_23 = tpu.memref_slice %arg6[%arg0, %mul3A_22, %dma_start3A] : memref<2x15360x64xf32, #tpu.memory_space<hbm>> -> memref<1x960x64xf32, #tpu.memory_space<hbm>>
      %dma_start3A_24 = tpu.memref_squeeze %dma_start3A_23 : memref<1x960x64xf32, #tpu.memory_space<hbm>> -> memref<960x64xf32, #tpu.memory_space<hbm>>
      %dma_start3A_25 = arith.constant 0 : i32
      %dma_start3A_26 = tpu.memref_slice %arg13[%mul3A_20, %dma_start3A_25] : memref<15360x64xf32, #tpu.memory_space<vmem_shared>> -> memref<960x64xf32, #tpu.memory_space<vmem_shared>>
      tpu.enqueue_dma source(%dma_start3A_26 : memref<960x64xf32, #tpu.memory_space<vmem_shared>>) target(%dma_start3A_24 : memref<960x64xf32, #tpu.memory_space<hbm>>) target_semaphore(%run_scoped3A : memref<!tpu.dma_semaphore, #tpu.memory_space<semaphore_mem>>)
      %dma_wait3A = arith.constant 0 : i32
      %dma_wait3A_27 = tpu.memref_slice %arg6[%arg0, %mul3A_22, %dma_wait3A] : memref<2x15360x64xf32, #tpu.memory_space<hbm>> -> memref<1x960x64xf32, #tpu.memory_space<hbm>>
      %dma_wait3A_28 = tpu.memref_squeeze %dma_wait3A_27 : memref<1x960x64xf32, #tpu.memory_space<hbm>> -> memref<960x64xf32, #tpu.memory_space<hbm>>
      %dma_wait3A_29 = arith.constant 0 : i32
      %dma_wait3A_30 = tpu.memref_slice %arg13[%mul3A_20, %dma_wait3A_29] : memref<15360x64xf32, #tpu.memory_space<vmem_shared>> -> memref<960x64xf32, #tpu.memory_space<vmem_shared>>
      tpu.wait_dma2 semaphore(%run_scoped3A : memref<!tpu.dma_semaphore, #tpu.memory_space<semaphore_mem>>) src(%dma_wait3A_30 : memref<960x64xf32, #tpu.memory_space<vmem_shared>>) dst(%dma_wait3A_28 : memref<960x64xf32, #tpu.memory_space<hbm>>)
      tpu.yield
    }) : () -> ()
    return
  }
}

#map = affine_map<(d0, d1) -> (0, 0)>
#map1 = affine_map<(d0, d1) -> (0)>
#map2 = affine_map<(d0, d1) -> (0, 0, 0)>
module attributes {stable_mosaic.version = 14 : i64} {
  func.func @_ksc_agg_body(%arg0: i32, %arg1: i32, %arg2: memref<30000x64xf32, #tpu.memory_space<hbm>>, %arg3: memref<2560x128xi32, #tpu.memory_space<hbm>>, %arg4: memref<5120x128xi32, #tpu.memory_space<hbm>>, %arg5: memref<128xf32, #tpu.memory_space<hbm>>, %arg6: memref<2x15360x64xf32, #tpu.memory_space<hbm>>, %arg7: memref<128xf32, #tpu.memory_space<vmem>>, %arg8: memref<161x128xi32, #tpu.memory_space<vmem>>, %arg9: memref<161x128xi32, #tpu.memory_space<vmem>>, %arg10: memref<128x64xf32, #tpu.memory_space<vmem>>, %arg11: memref<128x64xf32, #tpu.memory_space<vmem>>, %arg12: memref<48x64xf32, #tpu.memory_space<vmem>>, %arg13: memref<15360x64xf32, #tpu.memory_space<vmem_shared>>, %arg14: memref<!tpu.dma_semaphore, #tpu.memory_space<semaphore_mem>>, %arg15: memref<!tpu.dma_semaphore, #tpu.memory_space<semaphore_mem>>) attributes {dimension_semantics = [#tpu.dimension_semantics<core_parallel>, #tpu.dimension_semantics<subcore_parallel>], iteration_bounds = array<i64: 2, 16>, scalar_prefetch = 0 : i64, scratch_operands = 9 : i64, tpu.core_type = #tpu.core_type<sc_vector_subcore>, window_params = [{transform_indices = #map}, {transform_indices = #map}, {transform_indices = #map}, {transform_indices = #map1}, {transform_indices = #map2}]} {
    %scan3A = arith.constant 0 : i32
    %scan3A_0 = arith.constant 48 : i32
    %scan3A_1 = arith.addi %scan3A, %scan3A_0 : i32
    %scan3A_2 = arith.constant 1 : i32
    scf.for %scan3A_23 = %scan3A to %scan3A_1 step %scan3A_2  : i32 {
      %mul3A_24 = arith.constant 1 : i32
      %mul3A_25 = arith.muli %scan3A_23, %mul3A_24 : i32
      %add3A_26 = arith.constant 0 : i32
      %add3A_27 = arith.addi %add3A_26, %mul3A_25 : i32
      %scan3A_28 = arith.constant 0 : i32
      %scan3A_29 = arith.constant 4 : i32
      %scan3A_30 = arith.addi %scan3A_28, %scan3A_29 : i32
      %scan3A_31 = arith.constant 1 : i32
      scf.for %scan3A_33 = %scan3A_28 to %scan3A_30 step %scan3A_31  : i32 {
        %mul3A_34 = arith.constant 16 : i32
        %mul3A_35 = arith.muli %scan3A_33, %mul3A_34 : i32
        %add3A_36 = arith.constant 0 : i32
        %add3A_37 = arith.addi %add3A_36, %mul3A_35 : i32
        %broadcast_in_dim3A = arith.constant 0.000000e+00 : f32
        %broadcast_in_dim3A_38 = vector.broadcast %broadcast_in_dim3A : f32 to vector<16xf32>
        %swap3A = arith.index_cast %add3A_27 : i32 to index
        %swap3A_39 = arith.index_cast %add3A_37 : i32 to index
        %swap3A_40 = tpu.vector_load %arg12[%swap3A, %swap3A_39] {strides = array<i32>} : memref<48x64xf32, #tpu.memory_space<vmem>>, vector<1x16xf32>,
        %swap3A_41 = vector.shape_cast %swap3A_40 : vector<1x16xf32> to vector<16xf32>
        %swap3A_42 = vector.shape_cast %broadcast_in_dim3A_38 : vector<16xf32> to vector<1x16xf32>
        tpu.vector_store %arg12[%swap3A, %swap3A_39], %swap3A_42 {strides = array<i32>} : memref<48x64xf32, #tpu.memory_space<vmem>>, vector<1x16xf32>,
      }
      %scan3A_32 = arith.constant 4 : i32
    }
    %scan3A_3 = arith.constant 48 : i32
    %scan3A_4 = arith.constant 0 : i32
    %scan3A_5 = arith.constant 20 : i32
    %scan3A_6 = arith.addi %scan3A_4, %scan3A_5 : i32
    %scan3A_7 = arith.constant 1 : i32
    scf.for %scan3A_23 = %scan3A_4 to %scan3A_6 step %scan3A_7  : i32 {
      %mul3A_24 = arith.constant 48 : i32
      %mul3A_25 = arith.muli %scan3A_23, %mul3A_24 : i32
      %add3A_26 = arith.constant 0 : i32
      %add3A_27 = arith.addi %add3A_26, %mul3A_25 : i32
      %mul3A_28 = arith.constant 960 : i32
      %mul3A_29 = arith.muli %arg1, %mul3A_28 : i32
      %add3A_30 = arith.addi %mul3A_29, %add3A_27 : i32
      "tpu.region"() ({
        %run_scoped3A = tpu.sem_alloc : memref<!tpu.dma_semaphore, #tpu.memory_space<semaphore_mem>>
        %dma_start3A = arith.constant 0 : i32
        %dma_start3A_31 = tpu.memref_slice %arg13[%add3A_30, %dma_start3A] : memref<15360x64xf32, #tpu.memory_space<vmem_shared>> -> memref<48x64xf32, #tpu.memory_space<vmem_shared>>
        %dma_start3A_32 = arith.constant 0 : i32
        %dma_start3A_33 = tpu.memref_slice %arg13[%add3A_30, %dma_start3A_32] : memref<15360x64xf32, #tpu.memory_space<vmem_shared>> -> memref<48x64xf32, #tpu.memory_space<vmem_shared>>
        tpu.enqueue_dma source(%arg12 : memref<48x64xf32, #tpu.memory_space<vmem>>) target(%dma_start3A_33 : memref<48x64xf32, #tpu.memory_space<vmem_shared>>) target_semaphore(%run_scoped3A : memref<!tpu.dma_semaphore, #tpu.memory_space<semaphore_mem>>)
        %dma_wait3A = arith.constant 0 : i32
        %dma_wait3A_34 = tpu.memref_slice %arg13[%add3A_30, %dma_wait3A] : memref<15360x64xf32, #tpu.memory_space<vmem_shared>> -> memref<48x64xf32, #tpu.memory_space<vmem_shared>>
        %dma_wait3A_35 = arith.constant 0 : i32
        %dma_wait3A_36 = tpu.memref_slice %arg13[%add3A_30, %dma_wait3A_35] : memref<15360x64xf32, #tpu.memory_space<vmem_shared>> -> memref<48x64xf32, #tpu.memory_space<vmem_shared>>
        tpu.wait_dma2 semaphore(%run_scoped3A : memref<!tpu.dma_semaphore, #tpu.memory_space<semaphore_mem>>) src(%arg12 : memref<48x64xf32, #tpu.memory_space<vmem>>) dst(%dma_wait3A_36 : memref<48x64xf32, #tpu.memory_space<vmem_shared>>)
        tpu.yield
      }) : () -> ()
    }
    %scan3A_8 = arith.constant 20 : i32
    "tpu.region"() ({
      %run_scoped3A = tpu.sem_alloc : memref<!tpu.dma_semaphore, #tpu.memory_space<semaphore_mem>>
      tpu.enqueue_dma source(%arg5 : memref<128xf32, #tpu.memory_space<hbm>>) target(%arg7 : memref<128xf32, #tpu.memory_space<vmem>>) target_semaphore(%run_scoped3A : memref<!tpu.dma_semaphore, #tpu.memory_space<semaphore_mem>>)
      tpu.wait_dma2 semaphore(%run_scoped3A : memref<!tpu.dma_semaphore, #tpu.memory_space<semaphore_mem>>) src(%arg5 : memref<128xf32, #tpu.memory_space<hbm>>) dst(%arg7 : memref<128xf32, #tpu.memory_space<vmem>>)
      tpu.yield
    }) : () -> ()
    %mul3A = arith.constant 160 : i32
    %mul3A_9 = arith.muli %arg1, %mul3A : i32
    "tpu.region"() ({
      %run_scoped3A = tpu.sem_alloc : memref<!tpu.dma_semaphore, #tpu.memory_space<semaphore_mem>>
      %dma_start3A = arith.constant 0 : i32
      %dma_start3A_23 = arith.constant 0 : i32
      %dma_start3A_24 = tpu.memref_slice %arg8[%dma_start3A, %dma_start3A_23] : memref<161x128xi32, #tpu.memory_space<vmem>> -> memref<160x128xi32, #tpu.memory_space<vmem>>
      %dma_start3A_25 = arith.constant 0 : i32
      %dma_start3A_26 = tpu.memref_slice %arg3[%mul3A_9, %dma_start3A_25] : memref<2560x128xi32, #tpu.memory_space<hbm>> -> memref<160x128xi32, #tpu.memory_space<hbm>>
      %dma_start3A_27 = arith.constant 0 : i32
      %dma_start3A_28 = arith.constant 0 : i32
      %dma_start3A_29 = tpu.memref_slice %arg8[%dma_start3A_27, %dma_start3A_28] : memref<161x128xi32, #tpu.memory_space<vmem>> -> memref<160x128xi32, #tpu.memory_space<vmem>>
      %dma_start3A_30 = arith.constant 0 : i32
      %dma_start3A_31 = tpu.memref_slice %arg3[%mul3A_9, %dma_start3A_30] : memref<2560x128xi32, #tpu.memory_space<hbm>> -> memref<160x128xi32, #tpu.memory_space<hbm>>
      tpu.enqueue_dma source(%dma_start3A_31 : memref<160x128xi32, #tpu.memory_space<hbm>>) target(%dma_start3A_29 : memref<160x128xi32, #tpu.memory_space<vmem>>) target_semaphore(%run_scoped3A : memref<!tpu.dma_semaphore, #tpu.memory_space<semaphore_mem>>)
      %dma_wait3A = arith.constant 0 : i32
      %dma_wait3A_32 = arith.constant 0 : i32
      %dma_wait3A_33 = tpu.memref_slice %arg8[%dma_wait3A, %dma_wait3A_32] : memref<161x128xi32, #tpu.memory_space<vmem>> -> memref<160x128xi32, #tpu.memory_space<vmem>>
      %dma_wait3A_34 = arith.constant 0 : i32
      %dma_wait3A_35 = tpu.memref_slice %arg3[%mul3A_9, %dma_wait3A_34] : memref<2560x128xi32, #tpu.memory_space<hbm>> -> memref<160x128xi32, #tpu.memory_space<hbm>>
      %dma_wait3A_36 = arith.constant 0 : i32
      %dma_wait3A_37 = arith.constant 0 : i32
      %dma_wait3A_38 = tpu.memref_slice %arg8[%dma_wait3A_36, %dma_wait3A_37] : memref<161x128xi32, #tpu.memory_space<vmem>> -> memref<160x128xi32, #tpu.memory_space<vmem>>
      %dma_wait3A_39 = arith.constant 0 : i32
      %dma_wait3A_40 = tpu.memref_slice %arg3[%mul3A_9, %dma_wait3A_39] : memref<2560x128xi32, #tpu.memory_space<hbm>> -> memref<160x128xi32, #tpu.memory_space<hbm>>
      tpu.wait_dma2 semaphore(%run_scoped3A : memref<!tpu.dma_semaphore, #tpu.memory_space<semaphore_mem>>) src(%dma_wait3A_40 : memref<160x128xi32, #tpu.memory_space<hbm>>) dst(%dma_wait3A_38 : memref<160x128xi32, #tpu.memory_space<vmem>>)
      tpu.yield
    }) : () -> ()
    %mul3A_10 = arith.constant 2560 : i32
    %mul3A_11 = arith.muli %arg0, %mul3A_10 : i32
    %add3A = arith.addi %mul3A_11, %mul3A_9 : i32
    "tpu.region"() ({
      %run_scoped3A = tpu.sem_alloc : memref<!tpu.dma_semaphore, #tpu.memory_space<semaphore_mem>>
      %dma_start3A = arith.constant 0 : i32
      %dma_start3A_23 = arith.constant 0 : i32
      %dma_start3A_24 = tpu.memref_slice %arg9[%dma_start3A, %dma_start3A_23] : memref<161x128xi32, #tpu.memory_space<vmem>> -> memref<160x128xi32, #tpu.memory_space<vmem>>
      %dma_start3A_25 = arith.constant 0 : i32
      %dma_start3A_26 = tpu.memref_slice %arg4[%add3A, %dma_start3A_25] : memref<5120x128xi32, #tpu.memory_space<hbm>> -> memref<160x128xi32, #tpu.memory_space<hbm>>
      %dma_start3A_27 = arith.constant 0 : i32
      %dma_start3A_28 = arith.constant 0 : i32
      %dma_start3A_29 = tpu.memref_slice %arg9[%dma_start3A_27, %dma_start3A_28] : memref<161x128xi32, #tpu.memory_space<vmem>> -> memref<160x128xi32, #tpu.memory_space<vmem>>
      %dma_start3A_30 = arith.constant 0 : i32
      %dma_start3A_31 = tpu.memref_slice %arg4[%add3A, %dma_start3A_30] : memref<5120x128xi32, #tpu.memory_space<hbm>> -> memref<160x128xi32, #tpu.memory_space<hbm>>
      tpu.enqueue_dma source(%dma_start3A_31 : memref<160x128xi32, #tpu.memory_space<hbm>>) target(%dma_start3A_29 : memref<160x128xi32, #tpu.memory_space<vmem>>) target_semaphore(%run_scoped3A : memref<!tpu.dma_semaphore, #tpu.memory_space<semaphore_mem>>)
      %dma_wait3A = arith.constant 0 : i32
      %dma_wait3A_32 = arith.constant 0 : i32
      %dma_wait3A_33 = tpu.memref_slice %arg9[%dma_wait3A, %dma_wait3A_32] : memref<161x128xi32, #tpu.memory_space<vmem>> -> memref<160x128xi32, #tpu.memory_space<vmem>>
      %dma_wait3A_34 = arith.constant 0 : i32
      %dma_wait3A_35 = tpu.memref_slice %arg4[%add3A, %dma_wait3A_34] : memref<5120x128xi32, #tpu.memory_space<hbm>> -> memref<160x128xi32, #tpu.memory_space<hbm>>
      %dma_wait3A_36 = arith.constant 0 : i32
      %dma_wait3A_37 = arith.constant 0 : i32
      %dma_wait3A_38 = tpu.memref_slice %arg9[%dma_wait3A_36, %dma_wait3A_37] : memref<161x128xi32, #tpu.memory_space<vmem>> -> memref<160x128xi32, #tpu.memory_space<vmem>>
      %dma_wait3A_39 = arith.constant 0 : i32
      %dma_wait3A_40 = tpu.memref_slice %arg4[%add3A, %dma_wait3A_39] : memref<5120x128xi32, #tpu.memory_space<hbm>> -> memref<160x128xi32, #tpu.memory_space<hbm>>
      tpu.wait_dma2 semaphore(%run_scoped3A : memref<!tpu.dma_semaphore, #tpu.memory_space<semaphore_mem>>) src(%dma_wait3A_40 : memref<160x128xi32, #tpu.memory_space<hbm>>) dst(%dma_wait3A_38 : memref<160x128xi32, #tpu.memory_space<vmem>>)
      tpu.yield
    }) : () -> ()
    %barrier3A = arith.constant 0 : index
    tpu.barrier barrier_id(%barrier3A)
    %scan3A_12 = arith.constant 0 : i32
    %scan3A_13 = arith.constant 0 : i32
    %scan3A_14 = arith.constant 160 : i32
    %scan3A_15 = arith.addi %scan3A_13, %scan3A_14 : i32
    %scan3A_16 = arith.constant 1 : i32
    scf.for %scan3A_23 = %scan3A_13 to %scan3A_15 step %scan3A_16  : i32 {
      "tpu.region"() ({
        %run_scoped3A = tpu.sem_alloc : memref<!tpu.dma_semaphore, #tpu.memory_space<semaphore_mem>>
        %dma_start3A = arith.constant 0 : i32
        %dma_start3A_24 = tpu.memref_slice %arg8[%scan3A_23, %dma_start3A] : memref<161x128xi32, #tpu.memory_space<vmem>> -> memref<1x128xi32, #tpu.memory_space<vmem>>
        %dma_start3A_25 = tpu.memref_squeeze %dma_start3A_24 : memref<1x128xi32, #tpu.memory_space<vmem>> -> memref<128xi32, #tpu.memory_space<vmem>>
        %dma_start3A_26 = arith.constant 0 : i32
        %dma_start3A_27 = arith.constant 0 : i32
        %dma_start3A_28 = tpu.memref_slice %arg2[%dma_start3A_26, %dma_start3A_27] : memref<30000x64xf32, #tpu.memory_space<hbm>> -> memref<30000x64xf32, #tpu.memory_space<hbm>>
        tpu.enqueue_indirect_dma source(%dma_start3A_28 : memref<30000x64xf32, #tpu.memory_space<hbm>>) target(%arg10 : memref<128x64xf32, #tpu.memory_space<vmem>>) offsets(%dma_start3A_25 : memref<128xi32, #tpu.memory_space<vmem>>) semaphore(%run_scoped3A : memref<!tpu.dma_semaphore, #tpu.memory_space<semaphore_mem>>)
        %dma_wait3A = arith.constant 0 : i32
        %dma_wait3A_29 = tpu.memref_slice %arg8[%scan3A_23, %dma_wait3A] : memref<161x128xi32, #tpu.memory_space<vmem>> -> memref<1x128xi32, #tpu.memory_space<vmem>>
        %dma_wait3A_30 = tpu.memref_squeeze %dma_wait3A_29 : memref<1x128xi32, #tpu.memory_space<vmem>> -> memref<128xi32, #tpu.memory_space<vmem>>
        %dma_wait3A_31 = arith.constant 0 : i32
        %dma_wait3A_32 = arith.constant 0 : i32
        %dma_wait3A_33 = tpu.memref_slice %arg2[%dma_wait3A_31, %dma_wait3A_32] : memref<30000x64xf32, #tpu.memory_space<hbm>> -> memref<30000x64xf32, #tpu.memory_space<hbm>>
        tpu.wait_indirect_dma semaphore(%run_scoped3A : memref<!tpu.dma_semaphore, #tpu.memory_space<semaphore_mem>>) src(%dma_wait3A_33 : memref<30000x64xf32, #tpu.memory_space<hbm>>) dst(%arg10 : memref<128x64xf32, #tpu.memory_space<vmem>>)
        tpu.yield
      }) : () -> ()
      "tpu.region"() ({
        %run_scoped3A = tpu.sem_alloc : memref<!tpu.dma_semaphore, #tpu.memory_space<semaphore_mem>>
        %dma_start3A = arith.constant 0 : i32
        %dma_start3A_24 = tpu.memref_slice %arg9[%scan3A_23, %dma_start3A] : memref<161x128xi32, #tpu.memory_space<vmem>> -> memref<1x128xi32, #tpu.memory_space<vmem>>
        %dma_start3A_25 = tpu.memref_squeeze %dma_start3A_24 : memref<1x128xi32, #tpu.memory_space<vmem>> -> memref<128xi32, #tpu.memory_space<vmem>>
        %dma_start3A_26 = arith.constant 0 : i32
        %dma_start3A_27 = arith.constant 0 : i32
        %dma_start3A_28 = tpu.memref_slice %arg13[%dma_start3A_26, %dma_start3A_27] : memref<15360x64xf32, #tpu.memory_space<vmem_shared>> -> memref<15360x64xf32, #tpu.memory_space<vmem_shared>>
        tpu.enqueue_indirect_dma source(%arg10 : memref<128x64xf32, #tpu.memory_space<vmem>>) target(%dma_start3A_28 : memref<15360x64xf32, #tpu.memory_space<vmem_shared>>) offsets(%dma_start3A_25 : memref<128xi32, #tpu.memory_space<vmem>>) semaphore(%run_scoped3A : memref<!tpu.dma_semaphore, #tpu.memory_space<semaphore_mem>>) {add = true}
        %dma_wait3A = arith.constant 0 : i32
        %dma_wait3A_29 = tpu.memref_slice %arg9[%scan3A_23, %dma_wait3A] : memref<161x128xi32, #tpu.memory_space<vmem>> -> memref<1x128xi32, #tpu.memory_space<vmem>>
        %dma_wait3A_30 = tpu.memref_squeeze %dma_wait3A_29 : memref<1x128xi32, #tpu.memory_space<vmem>> -> memref<128xi32, #tpu.memory_space<vmem>>
        %dma_wait3A_31 = arith.constant 0 : i32
        %dma_wait3A_32 = arith.constant 0 : i32
        %dma_wait3A_33 = tpu.memref_slice %arg13[%dma_wait3A_31, %dma_wait3A_32] : memref<15360x64xf32, #tpu.memory_space<vmem_shared>> -> memref<15360x64xf32, #tpu.memory_space<vmem_shared>>
        tpu.wait_indirect_dma semaphore(%run_scoped3A : memref<!tpu.dma_semaphore, #tpu.memory_space<semaphore_mem>>) src(%arg10 : memref<128x64xf32, #tpu.memory_space<vmem>>) dst(%dma_wait3A_33 : memref<15360x64xf32, #tpu.memory_space<vmem_shared>>)
        tpu.yield
      }) : () -> ()
    }
    %scan3A_17 = arith.constant 160 : i32
    %barrier3A_18 = arith.constant 0 : index
    tpu.barrier barrier_id(%barrier3A_18)
    %mul3A_19 = arith.constant 960 : i32
    %mul3A_20 = arith.muli %arg1, %mul3A_19 : i32
    %mul3A_21 = arith.constant 960 : i32
    %mul3A_22 = arith.muli %arg1, %mul3A_21 : i32
    "tpu.region"() ({
      %run_scoped3A = tpu.sem_alloc : memref<!tpu.dma_semaphore, #tpu.memory_space<semaphore_mem>>
      %dma_start3A = arith.constant 0 : i32
      %dma_start3A_23 = tpu.memref_slice %arg6[%arg0, %mul3A_22, %dma_start3A] : memref<2x15360x64xf32, #tpu.memory_space<hbm>> -> memref<1x960x64xf32, #tpu.memory_space<hbm>>
      %dma_start3A_24 = tpu.memref_squeeze %dma_start3A_23 : memref<1x960x64xf32, #tpu.memory_space<hbm>> -> memref<960x64xf32, #tpu.memory_space<hbm>>
      %dma_start3A_25 = arith.constant 0 : i32
      %dma_start3A_26 = tpu.memref_slice %arg13[%mul3A_20, %dma_start3A_25] : memref<15360x64xf32, #tpu.memory_space<vmem_shared>> -> memref<960x64xf32, #tpu.memory_space<vmem_shared>>
      tpu.enqueue_dma source(%dma_start3A_26 : memref<960x64xf32, #tpu.memory_space<vmem_shared>>) target(%dma_start3A_24 : memref<960x64xf32, #tpu.memory_space<hbm>>) target_semaphore(%run_scoped3A : memref<!tpu.dma_semaphore, #tpu.memory_space<semaphore_mem>>)
      %dma_wait3A = arith.constant 0 : i32
      %dma_wait3A_27 = tpu.memref_slice %arg6[%arg0, %mul3A_22, %dma_wait3A] : memref<2x15360x64xf32, #tpu.memory_space<hbm>> -> memref<1x960x64xf32, #tpu.memory_space<hbm>>
      %dma_wait3A_28 = tpu.memref_squeeze %dma_wait3A_27 : memref<1x960x64xf32, #tpu.memory_space<hbm>> -> memref<960x64xf32, #tpu.memory_space<hbm>>
      %dma_wait3A_29 = arith.constant 0 : i32
      %dma_wait3A_30 = tpu.memref_slice %arg13[%mul3A_20, %dma_wait3A_29] : memref<15360x64xf32, #tpu.memory_space<vmem_shared>> -> memref<960x64xf32, #tpu.memory_space<vmem_shared>>
      tpu.wait_dma2 semaphore(%run_scoped3A : memref<!tpu.dma_semaphore, #tpu.memory_space<semaphore_mem>>) src(%dma_wait3A_30 : memref<960x64xf32, #tpu.memory_space<vmem_shared>>) dst(%dma_wait3A_28 : memref<960x64xf32, #tpu.memory_space<hbm>>)
      tpu.yield
    }) : () -> ()
    return
  }
}

#map = affine_map<(d0, d1) -> (0, 0)>
#map1 = affine_map<(d0, d1) -> (0)>
#map2 = affine_map<(d0, d1) -> (0, 0, 0)>
module attributes {stable_mosaic.version = 14 : i64} {
  func.func @_ksc_agg_body(%arg0: i32, %arg1: i32, %arg2: memref<30000x64xf32, #tpu.memory_space<hbm>>, %arg3: memref<2560x128xi32, #tpu.memory_space<hbm>>, %arg4: memref<5120x128xi32, #tpu.memory_space<hbm>>, %arg5: memref<128xf32, #tpu.memory_space<hbm>>, %arg6: memref<2x15360x64xf32, #tpu.memory_space<hbm>>, %arg7: memref<128xf32, #tpu.memory_space<vmem>>, %arg8: memref<161x128xi32, #tpu.memory_space<vmem>>, %arg9: memref<161x128xi32, #tpu.memory_space<vmem>>, %arg10: memref<128x64xf32, #tpu.memory_space<vmem>>, %arg11: memref<128x64xf32, #tpu.memory_space<vmem>>, %arg12: memref<48x64xf32, #tpu.memory_space<vmem>>, %arg13: memref<15360x64xf32, #tpu.memory_space<vmem_shared>>, %arg14: memref<!tpu.dma_semaphore, #tpu.memory_space<semaphore_mem>>, %arg15: memref<!tpu.dma_semaphore, #tpu.memory_space<semaphore_mem>>) attributes {dimension_semantics = [#tpu.dimension_semantics<core_parallel>, #tpu.dimension_semantics<subcore_parallel>], iteration_bounds = array<i64: 2, 16>, scalar_prefetch = 0 : i64, scratch_operands = 9 : i64, tpu.core_type = #tpu.core_type<sc_vector_subcore>, window_params = [{transform_indices = #map}, {transform_indices = #map}, {transform_indices = #map}, {transform_indices = #map1}, {transform_indices = #map2}]} {
    %scan3A = arith.constant 0 : i32
    %scan3A_0 = arith.constant 48 : i32
    %scan3A_1 = arith.addi %scan3A, %scan3A_0 : i32
    %scan3A_2 = arith.constant 1 : i32
    scf.for %scan3A_23 = %scan3A to %scan3A_1 step %scan3A_2  : i32 {
      %mul3A_24 = arith.constant 1 : i32
      %mul3A_25 = arith.muli %scan3A_23, %mul3A_24 : i32
      %add3A_26 = arith.constant 0 : i32
      %add3A_27 = arith.addi %add3A_26, %mul3A_25 : i32
      %scan3A_28 = arith.constant 0 : i32
      %scan3A_29 = arith.constant 4 : i32
      %scan3A_30 = arith.addi %scan3A_28, %scan3A_29 : i32
      %scan3A_31 = arith.constant 1 : i32
      scf.for %scan3A_33 = %scan3A_28 to %scan3A_30 step %scan3A_31  : i32 {
        %mul3A_34 = arith.constant 16 : i32
        %mul3A_35 = arith.muli %scan3A_33, %mul3A_34 : i32
        %add3A_36 = arith.constant 0 : i32
        %add3A_37 = arith.addi %add3A_36, %mul3A_35 : i32
        %broadcast_in_dim3A = arith.constant 0.000000e+00 : f32
        %broadcast_in_dim3A_38 = vector.broadcast %broadcast_in_dim3A : f32 to vector<16xf32>
        %swap3A = arith.index_cast %add3A_27 : i32 to index
        %swap3A_39 = arith.index_cast %add3A_37 : i32 to index
        %swap3A_40 = tpu.vector_load %arg12[%swap3A, %swap3A_39] {strides = array<i32>} : memref<48x64xf32, #tpu.memory_space<vmem>>, vector<1x16xf32>,
        %swap3A_41 = vector.shape_cast %swap3A_40 : vector<1x16xf32> to vector<16xf32>
        %swap3A_42 = vector.shape_cast %broadcast_in_dim3A_38 : vector<16xf32> to vector<1x16xf32>
        tpu.vector_store %arg12[%swap3A, %swap3A_39], %swap3A_42 {strides = array<i32>} : memref<48x64xf32, #tpu.memory_space<vmem>>, vector<1x16xf32>,
      }
      %scan3A_32 = arith.constant 4 : i32
    }
    %scan3A_3 = arith.constant 48 : i32
    %scan3A_4 = arith.constant 0 : i32
    %scan3A_5 = arith.constant 20 : i32
    %scan3A_6 = arith.addi %scan3A_4, %scan3A_5 : i32
    %scan3A_7 = arith.constant 1 : i32
    scf.for %scan3A_23 = %scan3A_4 to %scan3A_6 step %scan3A_7  : i32 {
      %mul3A_24 = arith.constant 48 : i32
      %mul3A_25 = arith.muli %scan3A_23, %mul3A_24 : i32
      %add3A_26 = arith.constant 0 : i32
      %add3A_27 = arith.addi %add3A_26, %mul3A_25 : i32
      %mul3A_28 = arith.constant 960 : i32
      %mul3A_29 = arith.muli %arg1, %mul3A_28 : i32
      %add3A_30 = arith.addi %mul3A_29, %add3A_27 : i32
      "tpu.region"() ({
        %run_scoped3A = tpu.sem_alloc : memref<!tpu.dma_semaphore, #tpu.memory_space<semaphore_mem>>
        %dma_start3A = arith.constant 0 : i32
        %dma_start3A_31 = tpu.memref_slice %arg13[%add3A_30, %dma_start3A] : memref<15360x64xf32, #tpu.memory_space<vmem_shared>> -> memref<48x64xf32, #tpu.memory_space<vmem_shared>>
        %dma_start3A_32 = arith.constant 0 : i32
        %dma_start3A_33 = tpu.memref_slice %arg13[%add3A_30, %dma_start3A_32] : memref<15360x64xf32, #tpu.memory_space<vmem_shared>> -> memref<48x64xf32, #tpu.memory_space<vmem_shared>>
        tpu.enqueue_dma source(%arg12 : memref<48x64xf32, #tpu.memory_space<vmem>>) target(%dma_start3A_33 : memref<48x64xf32, #tpu.memory_space<vmem_shared>>) target_semaphore(%run_scoped3A : memref<!tpu.dma_semaphore, #tpu.memory_space<semaphore_mem>>)
        %dma_wait3A = arith.constant 0 : i32
        %dma_wait3A_34 = tpu.memref_slice %arg13[%add3A_30, %dma_wait3A] : memref<15360x64xf32, #tpu.memory_space<vmem_shared>> -> memref<48x64xf32, #tpu.memory_space<vmem_shared>>
        %dma_wait3A_35 = arith.constant 0 : i32
        %dma_wait3A_36 = tpu.memref_slice %arg13[%add3A_30, %dma_wait3A_35] : memref<15360x64xf32, #tpu.memory_space<vmem_shared>> -> memref<48x64xf32, #tpu.memory_space<vmem_shared>>
        tpu.wait_dma2 semaphore(%run_scoped3A : memref<!tpu.dma_semaphore, #tpu.memory_space<semaphore_mem>>) src(%arg12 : memref<48x64xf32, #tpu.memory_space<vmem>>) dst(%dma_wait3A_36 : memref<48x64xf32, #tpu.memory_space<vmem_shared>>)
        tpu.yield
      }) : () -> ()
    }
    %scan3A_8 = arith.constant 20 : i32
    "tpu.region"() ({
      %run_scoped3A = tpu.sem_alloc : memref<!tpu.dma_semaphore, #tpu.memory_space<semaphore_mem>>
      tpu.enqueue_dma source(%arg5 : memref<128xf32, #tpu.memory_space<hbm>>) target(%arg7 : memref<128xf32, #tpu.memory_space<vmem>>) target_semaphore(%run_scoped3A : memref<!tpu.dma_semaphore, #tpu.memory_space<semaphore_mem>>)
      tpu.wait_dma2 semaphore(%run_scoped3A : memref<!tpu.dma_semaphore, #tpu.memory_space<semaphore_mem>>) src(%arg5 : memref<128xf32, #tpu.memory_space<hbm>>) dst(%arg7 : memref<128xf32, #tpu.memory_space<vmem>>)
      tpu.yield
    }) : () -> ()
    %mul3A = arith.constant 160 : i32
    %mul3A_9 = arith.muli %arg1, %mul3A : i32
    "tpu.region"() ({
      %run_scoped3A = tpu.sem_alloc : memref<!tpu.dma_semaphore, #tpu.memory_space<semaphore_mem>>
      %dma_start3A = arith.constant 0 : i32
      %dma_start3A_23 = arith.constant 0 : i32
      %dma_start3A_24 = tpu.memref_slice %arg8[%dma_start3A, %dma_start3A_23] : memref<161x128xi32, #tpu.memory_space<vmem>> -> memref<160x128xi32, #tpu.memory_space<vmem>>
      %dma_start3A_25 = arith.constant 0 : i32
      %dma_start3A_26 = tpu.memref_slice %arg3[%mul3A_9, %dma_start3A_25] : memref<2560x128xi32, #tpu.memory_space<hbm>> -> memref<160x128xi32, #tpu.memory_space<hbm>>
      %dma_start3A_27 = arith.constant 0 : i32
      %dma_start3A_28 = arith.constant 0 : i32
      %dma_start3A_29 = tpu.memref_slice %arg8[%dma_start3A_27, %dma_start3A_28] : memref<161x128xi32, #tpu.memory_space<vmem>> -> memref<160x128xi32, #tpu.memory_space<vmem>>
      %dma_start3A_30 = arith.constant 0 : i32
      %dma_start3A_31 = tpu.memref_slice %arg3[%mul3A_9, %dma_start3A_30] : memref<2560x128xi32, #tpu.memory_space<hbm>> -> memref<160x128xi32, #tpu.memory_space<hbm>>
      tpu.enqueue_dma source(%dma_start3A_31 : memref<160x128xi32, #tpu.memory_space<hbm>>) target(%dma_start3A_29 : memref<160x128xi32, #tpu.memory_space<vmem>>) target_semaphore(%run_scoped3A : memref<!tpu.dma_semaphore, #tpu.memory_space<semaphore_mem>>)
      %dma_wait3A = arith.constant 0 : i32
      %dma_wait3A_32 = arith.constant 0 : i32
      %dma_wait3A_33 = tpu.memref_slice %arg8[%dma_wait3A, %dma_wait3A_32] : memref<161x128xi32, #tpu.memory_space<vmem>> -> memref<160x128xi32, #tpu.memory_space<vmem>>
      %dma_wait3A_34 = arith.constant 0 : i32
      %dma_wait3A_35 = tpu.memref_slice %arg3[%mul3A_9, %dma_wait3A_34] : memref<2560x128xi32, #tpu.memory_space<hbm>> -> memref<160x128xi32, #tpu.memory_space<hbm>>
      %dma_wait3A_36 = arith.constant 0 : i32
      %dma_wait3A_37 = arith.constant 0 : i32
      %dma_wait3A_38 = tpu.memref_slice %arg8[%dma_wait3A_36, %dma_wait3A_37] : memref<161x128xi32, #tpu.memory_space<vmem>> -> memref<160x128xi32, #tpu.memory_space<vmem>>
      %dma_wait3A_39 = arith.constant 0 : i32
      %dma_wait3A_40 = tpu.memref_slice %arg3[%mul3A_9, %dma_wait3A_39] : memref<2560x128xi32, #tpu.memory_space<hbm>> -> memref<160x128xi32, #tpu.memory_space<hbm>>
      tpu.wait_dma2 semaphore(%run_scoped3A : memref<!tpu.dma_semaphore, #tpu.memory_space<semaphore_mem>>) src(%dma_wait3A_40 : memref<160x128xi32, #tpu.memory_space<hbm>>) dst(%dma_wait3A_38 : memref<160x128xi32, #tpu.memory_space<vmem>>)
      tpu.yield
    }) : () -> ()
    %mul3A_10 = arith.constant 2560 : i32
    %mul3A_11 = arith.muli %arg0, %mul3A_10 : i32
    %add3A = arith.addi %mul3A_11, %mul3A_9 : i32
    "tpu.region"() ({
      %run_scoped3A = tpu.sem_alloc : memref<!tpu.dma_semaphore, #tpu.memory_space<semaphore_mem>>
      %dma_start3A = arith.constant 0 : i32
      %dma_start3A_23 = arith.constant 0 : i32
      %dma_start3A_24 = tpu.memref_slice %arg9[%dma_start3A, %dma_start3A_23] : memref<161x128xi32, #tpu.memory_space<vmem>> -> memref<160x128xi32, #tpu.memory_space<vmem>>
      %dma_start3A_25 = arith.constant 0 : i32
      %dma_start3A_26 = tpu.memref_slice %arg4[%add3A, %dma_start3A_25] : memref<5120x128xi32, #tpu.memory_space<hbm>> -> memref<160x128xi32, #tpu.memory_space<hbm>>
      %dma_start3A_27 = arith.constant 0 : i32
      %dma_start3A_28 = arith.constant 0 : i32
      %dma_start3A_29 = tpu.memref_slice %arg9[%dma_start3A_27, %dma_start3A_28] : memref<161x128xi32, #tpu.memory_space<vmem>> -> memref<160x128xi32, #tpu.memory_space<vmem>>
      %dma_start3A_30 = arith.constant 0 : i32
      %dma_start3A_31 = tpu.memref_slice %arg4[%add3A, %dma_start3A_30] : memref<5120x128xi32, #tpu.memory_space<hbm>> -> memref<160x128xi32, #tpu.memory_space<hbm>>
      tpu.enqueue_dma source(%dma_start3A_31 : memref<160x128xi32, #tpu.memory_space<hbm>>) target(%dma_start3A_29 : memref<160x128xi32, #tpu.memory_space<vmem>>) target_semaphore(%run_scoped3A : memref<!tpu.dma_semaphore, #tpu.memory_space<semaphore_mem>>)
      %dma_wait3A = arith.constant 0 : i32
      %dma_wait3A_32 = arith.constant 0 : i32
      %dma_wait3A_33 = tpu.memref_slice %arg9[%dma_wait3A, %dma_wait3A_32] : memref<161x128xi32, #tpu.memory_space<vmem>> -> memref<160x128xi32, #tpu.memory_space<vmem>>
      %dma_wait3A_34 = arith.constant 0 : i32
      %dma_wait3A_35 = tpu.memref_slice %arg4[%add3A, %dma_wait3A_34] : memref<5120x128xi32, #tpu.memory_space<hbm>> -> memref<160x128xi32, #tpu.memory_space<hbm>>
      %dma_wait3A_36 = arith.constant 0 : i32
      %dma_wait3A_37 = arith.constant 0 : i32
      %dma_wait3A_38 = tpu.memref_slice %arg9[%dma_wait3A_36, %dma_wait3A_37] : memref<161x128xi32, #tpu.memory_space<vmem>> -> memref<160x128xi32, #tpu.memory_space<vmem>>
      %dma_wait3A_39 = arith.constant 0 : i32
      %dma_wait3A_40 = tpu.memref_slice %arg4[%add3A, %dma_wait3A_39] : memref<5120x128xi32, #tpu.memory_space<hbm>> -> memref<160x128xi32, #tpu.memory_space<hbm>>
      tpu.wait_dma2 semaphore(%run_scoped3A : memref<!tpu.dma_semaphore, #tpu.memory_space<semaphore_mem>>) src(%dma_wait3A_40 : memref<160x128xi32, #tpu.memory_space<hbm>>) dst(%dma_wait3A_38 : memref<160x128xi32, #tpu.memory_space<vmem>>)
      tpu.yield
    }) : () -> ()
    %barrier3A = arith.constant 0 : index
    tpu.barrier barrier_id(%barrier3A)
    %scan3A_12 = arith.constant 0 : i32
    %scan3A_13 = arith.constant 0 : i32
    %scan3A_14 = arith.constant 160 : i32
    %scan3A_15 = arith.addi %scan3A_13, %scan3A_14 : i32
    %scan3A_16 = arith.constant 1 : i32
    scf.for %scan3A_23 = %scan3A_13 to %scan3A_15 step %scan3A_16  : i32 {
      "tpu.region"() ({
        %run_scoped3A = tpu.sem_alloc : memref<!tpu.dma_semaphore, #tpu.memory_space<semaphore_mem>>
        %dma_start3A = arith.constant 0 : i32
        %dma_start3A_24 = tpu.memref_slice %arg8[%scan3A_23, %dma_start3A] : memref<161x128xi32, #tpu.memory_space<vmem>> -> memref<1x128xi32, #tpu.memory_space<vmem>>
        %dma_start3A_25 = tpu.memref_squeeze %dma_start3A_24 : memref<1x128xi32, #tpu.memory_space<vmem>> -> memref<128xi32, #tpu.memory_space<vmem>>
        %dma_start3A_26 = arith.constant 0 : i32
        %dma_start3A_27 = arith.constant 0 : i32
        %dma_start3A_28 = tpu.memref_slice %arg2[%dma_start3A_26, %dma_start3A_27] : memref<30000x64xf32, #tpu.memory_space<hbm>> -> memref<30000x64xf32, #tpu.memory_space<hbm>>
        tpu.enqueue_indirect_dma source(%dma_start3A_28 : memref<30000x64xf32, #tpu.memory_space<hbm>>) target(%arg10 : memref<128x64xf32, #tpu.memory_space<vmem>>) offsets(%dma_start3A_25 : memref<128xi32, #tpu.memory_space<vmem>>) semaphore(%run_scoped3A : memref<!tpu.dma_semaphore, #tpu.memory_space<semaphore_mem>>)
        %dma_wait3A = arith.constant 0 : i32
        %dma_wait3A_29 = tpu.memref_slice %arg8[%scan3A_23, %dma_wait3A] : memref<161x128xi32, #tpu.memory_space<vmem>> -> memref<1x128xi32, #tpu.memory_space<vmem>>
        %dma_wait3A_30 = tpu.memref_squeeze %dma_wait3A_29 : memref<1x128xi32, #tpu.memory_space<vmem>> -> memref<128xi32, #tpu.memory_space<vmem>>
        %dma_wait3A_31 = arith.constant 0 : i32
        %dma_wait3A_32 = arith.constant 0 : i32
        %dma_wait3A_33 = tpu.memref_slice %arg2[%dma_wait3A_31, %dma_wait3A_32] : memref<30000x64xf32, #tpu.memory_space<hbm>> -> memref<30000x64xf32, #tpu.memory_space<hbm>>
        tpu.wait_indirect_dma semaphore(%run_scoped3A : memref<!tpu.dma_semaphore, #tpu.memory_space<semaphore_mem>>) src(%dma_wait3A_33 : memref<30000x64xf32, #tpu.memory_space<hbm>>) dst(%arg10 : memref<128x64xf32, #tpu.memory_space<vmem>>)
        tpu.yield
      }) : () -> ()
      "tpu.region"() ({
        %run_scoped3A = tpu.sem_alloc : memref<!tpu.dma_semaphore, #tpu.memory_space<semaphore_mem>>
        %dma_start3A = arith.constant 0 : i32
        %dma_start3A_24 = tpu.memref_slice %arg9[%scan3A_23, %dma_start3A] : memref<161x128xi32, #tpu.memory_space<vmem>> -> memref<1x128xi32, #tpu.memory_space<vmem>>
        %dma_start3A_25 = tpu.memref_squeeze %dma_start3A_24 : memref<1x128xi32, #tpu.memory_space<vmem>> -> memref<128xi32, #tpu.memory_space<vmem>>
        %dma_start3A_26 = arith.constant 0 : i32
        %dma_start3A_27 = arith.constant 0 : i32
        %dma_start3A_28 = tpu.memref_slice %arg13[%dma_start3A_26, %dma_start3A_27] : memref<15360x64xf32, #tpu.memory_space<vmem_shared>> -> memref<15360x64xf32, #tpu.memory_space<vmem_shared>>
        tpu.enqueue_indirect_dma source(%arg10 : memref<128x64xf32, #tpu.memory_space<vmem>>) target(%dma_start3A_28 : memref<15360x64xf32, #tpu.memory_space<vmem_shared>>) offsets(%dma_start3A_25 : memref<128xi32, #tpu.memory_space<vmem>>) semaphore(%run_scoped3A : memref<!tpu.dma_semaphore, #tpu.memory_space<semaphore_mem>>) {add = true}
        %dma_wait3A = arith.constant 0 : i32
        %dma_wait3A_29 = tpu.memref_slice %arg9[%scan3A_23, %dma_wait3A] : memref<161x128xi32, #tpu.memory_space<vmem>> -> memref<1x128xi32, #tpu.memory_space<vmem>>
        %dma_wait3A_30 = tpu.memref_squeeze %dma_wait3A_29 : memref<1x128xi32, #tpu.memory_space<vmem>> -> memref<128xi32, #tpu.memory_space<vmem>>
        %dma_wait3A_31 = arith.constant 0 : i32
        %dma_wait3A_32 = arith.constant 0 : i32
        %dma_wait3A_33 = tpu.memref_slice %arg13[%dma_wait3A_31, %dma_wait3A_32] : memref<15360x64xf32, #tpu.memory_space<vmem_shared>> -> memref<15360x64xf32, #tpu.memory_space<vmem_shared>>
        tpu.wait_indirect_dma semaphore(%run_scoped3A : memref<!tpu.dma_semaphore, #tpu.memory_space<semaphore_mem>>) src(%arg10 : memref<128x64xf32, #tpu.memory_space<vmem>>) dst(%dma_wait3A_33 : memref<15360x64xf32, #tpu.memory_space<vmem_shared>>)
        tpu.yield
      }) : () -> ()
    }
    %scan3A_17 = arith.constant 160 : i32
    %barrier3A_18 = arith.constant 0 : index
    tpu.barrier barrier_id(%barrier3A_18)
    %mul3A_19 = arith.constant 960 : i32
    %mul3A_20 = arith.muli %arg1, %mul3A_19 : i32
    %mul3A_21 = arith.constant 960 : i32
    %mul3A_22 = arith.muli %arg1, %mul3A_21 : i32
    "tpu.region"() ({
      %run_scoped3A = tpu.sem_alloc : memref<!tpu.dma_semaphore, #tpu.memory_space<semaphore_mem>>
      %dma_start3A = arith.constant 0 : i32
      %dma_start3A_23 = tpu.memref_slice %arg6[%arg0, %mul3A_22, %dma_start3A] : memref<2x15360x64xf32, #tpu.memory_space<hbm>> -> memref<1x960x64xf32, #tpu.memory_space<hbm>>
      %dma_start3A_24 = tpu.memref_squeeze %dma_start3A_23 : memref<1x960x64xf32, #tpu.memory_space<hbm>> -> memref<960x64xf32, #tpu.memory_space<hbm>>
      %dma_start3A_25 = arith.constant 0 : i32
      %dma_start3A_26 = tpu.memref_slice %arg13[%mul3A_20, %dma_start3A_25] : memref<15360x64xf32, #tpu.memory_space<vmem_shared>> -> memref<960x64xf32, #tpu.memory_space<vmem_shared>>
      tpu.enqueue_dma source(%dma_start3A_26 : memref<960x64xf32, #tpu.memory_space<vmem_shared>>) target(%dma_start3A_24 : memref<960x64xf32, #tpu.memory_space<hbm>>) target_semaphore(%run_scoped3A : memref<!tpu.dma_semaphore, #tpu.memory_space<semaphore_mem>>)
      %dma_wait3A = arith.constant 0 : i32
      %dma_wait3A_27 = tpu.memref_slice %arg6[%arg0, %mul3A_22, %dma_wait3A] : memref<2x15360x64xf32, #tpu.memory_space<hbm>> -> memref<1x960x64xf32, #tpu.memory_space<hbm>>
      %dma_wait3A_28 = tpu.memref_squeeze %dma_wait3A_27 : memref<1x960x64xf32, #tpu.memory_space<hbm>> -> memref<960x64xf32, #tpu.memory_space<hbm>>
      %dma_wait3A_29 = arith.constant 0 : i32
      %dma_wait3A_30 = tpu.memref_slice %arg13[%mul3A_20, %dma_wait3A_29] : memref<15360x64xf32, #tpu.memory_space<vmem_shared>> -> memref<960x64xf32, #tpu.memory_space<vmem_shared>>
      tpu.wait_dma2 semaphore(%run_scoped3A : memref<!tpu.dma_semaphore, #tpu.memory_space<semaphore_mem>>) src(%dma_wait3A_30 : memref<960x64xf32, #tpu.memory_space<vmem_shared>>) dst(%dma_wait3A_28 : memref<960x64xf32, #tpu.memory_space<hbm>>)
      tpu.yield
    }) : () -> ()
    return
  }
}

#map = affine_map<(d0, d1) -> (0, 0)>
#map1 = affine_map<(d0, d1) -> (0)>
#map2 = affine_map<(d0, d1) -> (0, 0, 0)>
module attributes {stable_mosaic.version = 14 : i64} {
  func.func @_ksc_agg_body(%arg0: i32, %arg1: i32, %arg2: memref<30000x64xf32, #tpu.memory_space<hbm>>, %arg3: memref<2560x128xi32, #tpu.memory_space<hbm>>, %arg4: memref<5120x128xi32, #tpu.memory_space<hbm>>, %arg5: memref<128xf32, #tpu.memory_space<hbm>>, %arg6: memref<2x15360x64xf32, #tpu.memory_space<hbm>>, %arg7: memref<128xf32, #tpu.memory_space<vmem>>, %arg8: memref<161x128xi32, #tpu.memory_space<vmem>>, %arg9: memref<161x128xi32, #tpu.memory_space<vmem>>, %arg10: memref<128x64xf32, #tpu.memory_space<vmem>>, %arg11: memref<128x64xf32, #tpu.memory_space<vmem>>, %arg12: memref<48x64xf32, #tpu.memory_space<vmem>>, %arg13: memref<15360x64xf32, #tpu.memory_space<vmem_shared>>, %arg14: memref<!tpu.dma_semaphore, #tpu.memory_space<semaphore_mem>>, %arg15: memref<!tpu.dma_semaphore, #tpu.memory_space<semaphore_mem>>) attributes {dimension_semantics = [#tpu.dimension_semantics<core_parallel>, #tpu.dimension_semantics<subcore_parallel>], iteration_bounds = array<i64: 2, 16>, scalar_prefetch = 0 : i64, scratch_operands = 9 : i64, tpu.core_type = #tpu.core_type<sc_vector_subcore>, window_params = [{transform_indices = #map}, {transform_indices = #map}, {transform_indices = #map}, {transform_indices = #map1}, {transform_indices = #map2}]} {
    %scan3A = arith.constant 0 : i32
    %scan3A_0 = arith.constant 48 : i32
    %scan3A_1 = arith.addi %scan3A, %scan3A_0 : i32
    %scan3A_2 = arith.constant 1 : i32
    scf.for %scan3A_23 = %scan3A to %scan3A_1 step %scan3A_2  : i32 {
      %mul3A_24 = arith.constant 1 : i32
      %mul3A_25 = arith.muli %scan3A_23, %mul3A_24 : i32
      %add3A_26 = arith.constant 0 : i32
      %add3A_27 = arith.addi %add3A_26, %mul3A_25 : i32
      %scan3A_28 = arith.constant 0 : i32
      %scan3A_29 = arith.constant 4 : i32
      %scan3A_30 = arith.addi %scan3A_28, %scan3A_29 : i32
      %scan3A_31 = arith.constant 1 : i32
      scf.for %scan3A_33 = %scan3A_28 to %scan3A_30 step %scan3A_31  : i32 {
        %mul3A_34 = arith.constant 16 : i32
        %mul3A_35 = arith.muli %scan3A_33, %mul3A_34 : i32
        %add3A_36 = arith.constant 0 : i32
        %add3A_37 = arith.addi %add3A_36, %mul3A_35 : i32
        %broadcast_in_dim3A = arith.constant 0.000000e+00 : f32
        %broadcast_in_dim3A_38 = vector.broadcast %broadcast_in_dim3A : f32 to vector<16xf32>
        %swap3A = arith.index_cast %add3A_27 : i32 to index
        %swap3A_39 = arith.index_cast %add3A_37 : i32 to index
        %swap3A_40 = tpu.vector_load %arg12[%swap3A, %swap3A_39] {strides = array<i32>} : memref<48x64xf32, #tpu.memory_space<vmem>>, vector<1x16xf32>,
        %swap3A_41 = vector.shape_cast %swap3A_40 : vector<1x16xf32> to vector<16xf32>
        %swap3A_42 = vector.shape_cast %broadcast_in_dim3A_38 : vector<16xf32> to vector<1x16xf32>
        tpu.vector_store %arg12[%swap3A, %swap3A_39], %swap3A_42 {strides = array<i32>} : memref<48x64xf32, #tpu.memory_space<vmem>>, vector<1x16xf32>,
      }
      %scan3A_32 = arith.constant 4 : i32
    }
    %scan3A_3 = arith.constant 48 : i32
    %scan3A_4 = arith.constant 0 : i32
    %scan3A_5 = arith.constant 20 : i32
    %scan3A_6 = arith.addi %scan3A_4, %scan3A_5 : i32
    %scan3A_7 = arith.constant 1 : i32
    scf.for %scan3A_23 = %scan3A_4 to %scan3A_6 step %scan3A_7  : i32 {
      %mul3A_24 = arith.constant 48 : i32
      %mul3A_25 = arith.muli %scan3A_23, %mul3A_24 : i32
      %add3A_26 = arith.constant 0 : i32
      %add3A_27 = arith.addi %add3A_26, %mul3A_25 : i32
      %mul3A_28 = arith.constant 960 : i32
      %mul3A_29 = arith.muli %arg1, %mul3A_28 : i32
      %add3A_30 = arith.addi %mul3A_29, %add3A_27 : i32
      "tpu.region"() ({
        %run_scoped3A = tpu.sem_alloc : memref<!tpu.dma_semaphore, #tpu.memory_space<semaphore_mem>>
        %dma_start3A = arith.constant 0 : i32
        %dma_start3A_31 = tpu.memref_slice %arg13[%add3A_30, %dma_start3A] : memref<15360x64xf32, #tpu.memory_space<vmem_shared>> -> memref<48x64xf32, #tpu.memory_space<vmem_shared>>
        %dma_start3A_32 = arith.constant 0 : i32
        %dma_start3A_33 = tpu.memref_slice %arg13[%add3A_30, %dma_start3A_32] : memref<15360x64xf32, #tpu.memory_space<vmem_shared>> -> memref<48x64xf32, #tpu.memory_space<vmem_shared>>
        tpu.enqueue_dma source(%arg12 : memref<48x64xf32, #tpu.memory_space<vmem>>) target(%dma_start3A_33 : memref<48x64xf32, #tpu.memory_space<vmem_shared>>) target_semaphore(%run_scoped3A : memref<!tpu.dma_semaphore, #tpu.memory_space<semaphore_mem>>)
        %dma_wait3A = arith.constant 0 : i32
        %dma_wait3A_34 = tpu.memref_slice %arg13[%add3A_30, %dma_wait3A] : memref<15360x64xf32, #tpu.memory_space<vmem_shared>> -> memref<48x64xf32, #tpu.memory_space<vmem_shared>>
        %dma_wait3A_35 = arith.constant 0 : i32
        %dma_wait3A_36 = tpu.memref_slice %arg13[%add3A_30, %dma_wait3A_35] : memref<15360x64xf32, #tpu.memory_space<vmem_shared>> -> memref<48x64xf32, #tpu.memory_space<vmem_shared>>
        tpu.wait_dma2 semaphore(%run_scoped3A : memref<!tpu.dma_semaphore, #tpu.memory_space<semaphore_mem>>) src(%arg12 : memref<48x64xf32, #tpu.memory_space<vmem>>) dst(%dma_wait3A_36 : memref<48x64xf32, #tpu.memory_space<vmem_shared>>)
        tpu.yield
      }) : () -> ()
    }
    %scan3A_8 = arith.constant 20 : i32
    "tpu.region"() ({
      %run_scoped3A = tpu.sem_alloc : memref<!tpu.dma_semaphore, #tpu.memory_space<semaphore_mem>>
      tpu.enqueue_dma source(%arg5 : memref<128xf32, #tpu.memory_space<hbm>>) target(%arg7 : memref<128xf32, #tpu.memory_space<vmem>>) target_semaphore(%run_scoped3A : memref<!tpu.dma_semaphore, #tpu.memory_space<semaphore_mem>>)
      tpu.wait_dma2 semaphore(%run_scoped3A : memref<!tpu.dma_semaphore, #tpu.memory_space<semaphore_mem>>) src(%arg5 : memref<128xf32, #tpu.memory_space<hbm>>) dst(%arg7 : memref<128xf32, #tpu.memory_space<vmem>>)
      tpu.yield
    }) : () -> ()
    %mul3A = arith.constant 160 : i32
    %mul3A_9 = arith.muli %arg1, %mul3A : i32
    "tpu.region"() ({
      %run_scoped3A = tpu.sem_alloc : memref<!tpu.dma_semaphore, #tpu.memory_space<semaphore_mem>>
      %dma_start3A = arith.constant 0 : i32
      %dma_start3A_23 = arith.constant 0 : i32
      %dma_start3A_24 = tpu.memref_slice %arg8[%dma_start3A, %dma_start3A_23] : memref<161x128xi32, #tpu.memory_space<vmem>> -> memref<160x128xi32, #tpu.memory_space<vmem>>
      %dma_start3A_25 = arith.constant 0 : i32
      %dma_start3A_26 = tpu.memref_slice %arg3[%mul3A_9, %dma_start3A_25] : memref<2560x128xi32, #tpu.memory_space<hbm>> -> memref<160x128xi32, #tpu.memory_space<hbm>>
      %dma_start3A_27 = arith.constant 0 : i32
      %dma_start3A_28 = arith.constant 0 : i32
      %dma_start3A_29 = tpu.memref_slice %arg8[%dma_start3A_27, %dma_start3A_28] : memref<161x128xi32, #tpu.memory_space<vmem>> -> memref<160x128xi32, #tpu.memory_space<vmem>>
      %dma_start3A_30 = arith.constant 0 : i32
      %dma_start3A_31 = tpu.memref_slice %arg3[%mul3A_9, %dma_start3A_30] : memref<2560x128xi32, #tpu.memory_space<hbm>> -> memref<160x128xi32, #tpu.memory_space<hbm>>
      tpu.enqueue_dma source(%dma_start3A_31 : memref<160x128xi32, #tpu.memory_space<hbm>>) target(%dma_start3A_29 : memref<160x128xi32, #tpu.memory_space<vmem>>) target_semaphore(%run_scoped3A : memref<!tpu.dma_semaphore, #tpu.memory_space<semaphore_mem>>)
      %dma_wait3A = arith.constant 0 : i32
      %dma_wait3A_32 = arith.constant 0 : i32
      %dma_wait3A_33 = tpu.memref_slice %arg8[%dma_wait3A, %dma_wait3A_32] : memref<161x128xi32, #tpu.memory_space<vmem>> -> memref<160x128xi32, #tpu.memory_space<vmem>>
      %dma_wait3A_34 = arith.constant 0 : i32
      %dma_wait3A_35 = tpu.memref_slice %arg3[%mul3A_9, %dma_wait3A_34] : memref<2560x128xi32, #tpu.memory_space<hbm>> -> memref<160x128xi32, #tpu.memory_space<hbm>>
      %dma_wait3A_36 = arith.constant 0 : i32
      %dma_wait3A_37 = arith.constant 0 : i32
      %dma_wait3A_38 = tpu.memref_slice %arg8[%dma_wait3A_36, %dma_wait3A_37] : memref<161x128xi32, #tpu.memory_space<vmem>> -> memref<160x128xi32, #tpu.memory_space<vmem>>
      %dma_wait3A_39 = arith.constant 0 : i32
      %dma_wait3A_40 = tpu.memref_slice %arg3[%mul3A_9, %dma_wait3A_39] : memref<2560x128xi32, #tpu.memory_space<hbm>> -> memref<160x128xi32, #tpu.memory_space<hbm>>
      tpu.wait_dma2 semaphore(%run_scoped3A : memref<!tpu.dma_semaphore, #tpu.memory_space<semaphore_mem>>) src(%dma_wait3A_40 : memref<160x128xi32, #tpu.memory_space<hbm>>) dst(%dma_wait3A_38 : memref<160x128xi32, #tpu.memory_space<vmem>>)
      tpu.yield
    }) : () -> ()
    %mul3A_10 = arith.constant 2560 : i32
    %mul3A_11 = arith.muli %arg0, %mul3A_10 : i32
    %add3A = arith.addi %mul3A_11, %mul3A_9 : i32
    "tpu.region"() ({
      %run_scoped3A = tpu.sem_alloc : memref<!tpu.dma_semaphore, #tpu.memory_space<semaphore_mem>>
      %dma_start3A = arith.constant 0 : i32
      %dma_start3A_23 = arith.constant 0 : i32
      %dma_start3A_24 = tpu.memref_slice %arg9[%dma_start3A, %dma_start3A_23] : memref<161x128xi32, #tpu.memory_space<vmem>> -> memref<160x128xi32, #tpu.memory_space<vmem>>
      %dma_start3A_25 = arith.constant 0 : i32
      %dma_start3A_26 = tpu.memref_slice %arg4[%add3A, %dma_start3A_25] : memref<5120x128xi32, #tpu.memory_space<hbm>> -> memref<160x128xi32, #tpu.memory_space<hbm>>
      %dma_start3A_27 = arith.constant 0 : i32
      %dma_start3A_28 = arith.constant 0 : i32
      %dma_start3A_29 = tpu.memref_slice %arg9[%dma_start3A_27, %dma_start3A_28] : memref<161x128xi32, #tpu.memory_space<vmem>> -> memref<160x128xi32, #tpu.memory_space<vmem>>
      %dma_start3A_30 = arith.constant 0 : i32
      %dma_start3A_31 = tpu.memref_slice %arg4[%add3A, %dma_start3A_30] : memref<5120x128xi32, #tpu.memory_space<hbm>> -> memref<160x128xi32, #tpu.memory_space<hbm>>
      tpu.enqueue_dma source(%dma_start3A_31 : memref<160x128xi32, #tpu.memory_space<hbm>>) target(%dma_start3A_29 : memref<160x128xi32, #tpu.memory_space<vmem>>) target_semaphore(%run_scoped3A : memref<!tpu.dma_semaphore, #tpu.memory_space<semaphore_mem>>)
      %dma_wait3A = arith.constant 0 : i32
      %dma_wait3A_32 = arith.constant 0 : i32
      %dma_wait3A_33 = tpu.memref_slice %arg9[%dma_wait3A, %dma_wait3A_32] : memref<161x128xi32, #tpu.memory_space<vmem>> -> memref<160x128xi32, #tpu.memory_space<vmem>>
      %dma_wait3A_34 = arith.constant 0 : i32
      %dma_wait3A_35 = tpu.memref_slice %arg4[%add3A, %dma_wait3A_34] : memref<5120x128xi32, #tpu.memory_space<hbm>> -> memref<160x128xi32, #tpu.memory_space<hbm>>
      %dma_wait3A_36 = arith.constant 0 : i32
      %dma_wait3A_37 = arith.constant 0 : i32
      %dma_wait3A_38 = tpu.memref_slice %arg9[%dma_wait3A_36, %dma_wait3A_37] : memref<161x128xi32, #tpu.memory_space<vmem>> -> memref<160x128xi32, #tpu.memory_space<vmem>>
      %dma_wait3A_39 = arith.constant 0 : i32
      %dma_wait3A_40 = tpu.memref_slice %arg4[%add3A, %dma_wait3A_39] : memref<5120x128xi32, #tpu.memory_space<hbm>> -> memref<160x128xi32, #tpu.memory_space<hbm>>
      tpu.wait_dma2 semaphore(%run_scoped3A : memref<!tpu.dma_semaphore, #tpu.memory_space<semaphore_mem>>) src(%dma_wait3A_40 : memref<160x128xi32, #tpu.memory_space<hbm>>) dst(%dma_wait3A_38 : memref<160x128xi32, #tpu.memory_space<vmem>>)
      tpu.yield
    }) : () -> ()
    %barrier3A = arith.constant 0 : index
    tpu.barrier barrier_id(%barrier3A)
    %scan3A_12 = arith.constant 0 : i32
    %scan3A_13 = arith.constant 0 : i32
    %scan3A_14 = arith.constant 160 : i32
    %scan3A_15 = arith.addi %scan3A_13, %scan3A_14 : i32
    %scan3A_16 = arith.constant 1 : i32
    scf.for %scan3A_23 = %scan3A_13 to %scan3A_15 step %scan3A_16  : i32 {
      "tpu.region"() ({
        %run_scoped3A = tpu.sem_alloc : memref<!tpu.dma_semaphore, #tpu.memory_space<semaphore_mem>>
        %dma_start3A = arith.constant 0 : i32
        %dma_start3A_24 = tpu.memref_slice %arg8[%scan3A_23, %dma_start3A] : memref<161x128xi32, #tpu.memory_space<vmem>> -> memref<1x128xi32, #tpu.memory_space<vmem>>
        %dma_start3A_25 = tpu.memref_squeeze %dma_start3A_24 : memref<1x128xi32, #tpu.memory_space<vmem>> -> memref<128xi32, #tpu.memory_space<vmem>>
        %dma_start3A_26 = arith.constant 0 : i32
        %dma_start3A_27 = arith.constant 0 : i32
        %dma_start3A_28 = tpu.memref_slice %arg2[%dma_start3A_26, %dma_start3A_27] : memref<30000x64xf32, #tpu.memory_space<hbm>> -> memref<30000x64xf32, #tpu.memory_space<hbm>>
        tpu.enqueue_indirect_dma source(%dma_start3A_28 : memref<30000x64xf32, #tpu.memory_space<hbm>>) target(%arg10 : memref<128x64xf32, #tpu.memory_space<vmem>>) offsets(%dma_start3A_25 : memref<128xi32, #tpu.memory_space<vmem>>) semaphore(%run_scoped3A : memref<!tpu.dma_semaphore, #tpu.memory_space<semaphore_mem>>)
        %dma_wait3A = arith.constant 0 : i32
        %dma_wait3A_29 = tpu.memref_slice %arg8[%scan3A_23, %dma_wait3A] : memref<161x128xi32, #tpu.memory_space<vmem>> -> memref<1x128xi32, #tpu.memory_space<vmem>>
        %dma_wait3A_30 = tpu.memref_squeeze %dma_wait3A_29 : memref<1x128xi32, #tpu.memory_space<vmem>> -> memref<128xi32, #tpu.memory_space<vmem>>
        %dma_wait3A_31 = arith.constant 0 : i32
        %dma_wait3A_32 = arith.constant 0 : i32
        %dma_wait3A_33 = tpu.memref_slice %arg2[%dma_wait3A_31, %dma_wait3A_32] : memref<30000x64xf32, #tpu.memory_space<hbm>> -> memref<30000x64xf32, #tpu.memory_space<hbm>>
        tpu.wait_indirect_dma semaphore(%run_scoped3A : memref<!tpu.dma_semaphore, #tpu.memory_space<semaphore_mem>>) src(%dma_wait3A_33 : memref<30000x64xf32, #tpu.memory_space<hbm>>) dst(%arg10 : memref<128x64xf32, #tpu.memory_space<vmem>>)
        tpu.yield
      }) : () -> ()
      "tpu.region"() ({
        %run_scoped3A = tpu.sem_alloc : memref<!tpu.dma_semaphore, #tpu.memory_space<semaphore_mem>>
        %dma_start3A = arith.constant 0 : i32
        %dma_start3A_24 = tpu.memref_slice %arg9[%scan3A_23, %dma_start3A] : memref<161x128xi32, #tpu.memory_space<vmem>> -> memref<1x128xi32, #tpu.memory_space<vmem>>
        %dma_start3A_25 = tpu.memref_squeeze %dma_start3A_24 : memref<1x128xi32, #tpu.memory_space<vmem>> -> memref<128xi32, #tpu.memory_space<vmem>>
        %dma_start3A_26 = arith.constant 0 : i32
        %dma_start3A_27 = arith.constant 0 : i32
        %dma_start3A_28 = tpu.memref_slice %arg13[%dma_start3A_26, %dma_start3A_27] : memref<15360x64xf32, #tpu.memory_space<vmem_shared>> -> memref<15360x64xf32, #tpu.memory_space<vmem_shared>>
        tpu.enqueue_indirect_dma source(%arg10 : memref<128x64xf32, #tpu.memory_space<vmem>>) target(%dma_start3A_28 : memref<15360x64xf32, #tpu.memory_space<vmem_shared>>) offsets(%dma_start3A_25 : memref<128xi32, #tpu.memory_space<vmem>>) semaphore(%run_scoped3A : memref<!tpu.dma_semaphore, #tpu.memory_space<semaphore_mem>>) {add = true}
        %dma_wait3A = arith.constant 0 : i32
        %dma_wait3A_29 = tpu.memref_slice %arg9[%scan3A_23, %dma_wait3A] : memref<161x128xi32, #tpu.memory_space<vmem>> -> memref<1x128xi32, #tpu.memory_space<vmem>>
        %dma_wait3A_30 = tpu.memref_squeeze %dma_wait3A_29 : memref<1x128xi32, #tpu.memory_space<vmem>> -> memref<128xi32, #tpu.memory_space<vmem>>
        %dma_wait3A_31 = arith.constant 0 : i32
        %dma_wait3A_32 = arith.constant 0 : i32
        %dma_wait3A_33 = tpu.memref_slice %arg13[%dma_wait3A_31, %dma_wait3A_32] : memref<15360x64xf32, #tpu.memory_space<vmem_shared>> -> memref<15360x64xf32, #tpu.memory_space<vmem_shared>>
        tpu.wait_indirect_dma semaphore(%run_scoped3A : memref<!tpu.dma_semaphore, #tpu.memory_space<semaphore_mem>>) src(%arg10 : memref<128x64xf32, #tpu.memory_space<vmem>>) dst(%dma_wait3A_33 : memref<15360x64xf32, #tpu.memory_space<vmem_shared>>)
        tpu.yield
      }) : () -> ()
    }
    %scan3A_17 = arith.constant 160 : i32
    %barrier3A_18 = arith.constant 0 : index
    tpu.barrier barrier_id(%barrier3A_18)
    %mul3A_19 = arith.constant 960 : i32
    %mul3A_20 = arith.muli %arg1, %mul3A_19 : i32
    %mul3A_21 = arith.constant 960 : i32
    %mul3A_22 = arith.muli %arg1, %mul3A_21 : i32
    "tpu.region"() ({
      %run_scoped3A = tpu.sem_alloc : memref<!tpu.dma_semaphore, #tpu.memory_space<semaphore_mem>>
      %dma_start3A = arith.constant 0 : i32
      %dma_start3A_23 = tpu.memref_slice %arg6[%arg0, %mul3A_22, %dma_start3A] : memref<2x15360x64xf32, #tpu.memory_space<hbm>> -> memref<1x960x64xf32, #tpu.memory_space<hbm>>
      %dma_start3A_24 = tpu.memref_squeeze %dma_start3A_23 : memref<1x960x64xf32, #tpu.memory_space<hbm>> -> memref<960x64xf32, #tpu.memory_space<hbm>>
      %dma_start3A_25 = arith.constant 0 : i32
      %dma_start3A_26 = tpu.memref_slice %arg13[%mul3A_20, %dma_start3A_25] : memref<15360x64xf32, #tpu.memory_space<vmem_shared>> -> memref<960x64xf32, #tpu.memory_space<vmem_shared>>
      tpu.enqueue_dma source(%dma_start3A_26 : memref<960x64xf32, #tpu.memory_space<vmem_shared>>) target(%dma_start3A_24 : memref<960x64xf32, #tpu.memory_space<hbm>>) target_semaphore(%run_scoped3A : memref<!tpu.dma_semaphore, #tpu.memory_space<semaphore_mem>>)
      %dma_wait3A = arith.constant 0 : i32
      %dma_wait3A_27 = tpu.memref_slice %arg6[%arg0, %mul3A_22, %dma_wait3A] : memref<2x15360x64xf32, #tpu.memory_space<hbm>> -> memref<1x960x64xf32, #tpu.memory_space<hbm>>
      %dma_wait3A_28 = tpu.memref_squeeze %dma_wait3A_27 : memref<1x960x64xf32, #tpu.memory_space<hbm>> -> memref<960x64xf32, #tpu.memory_space<hbm>>
      %dma_wait3A_29 = arith.constant 0 : i32
      %dma_wait3A_30 = tpu.memref_slice %arg13[%mul3A_20, %dma_wait3A_29] : memref<15360x64xf32, #tpu.memory_space<vmem_shared>> -> memref<960x64xf32, #tpu.memory_space<vmem_shared>>
      tpu.wait_dma2 semaphore(%run_scoped3A : memref<!tpu.dma_semaphore, #tpu.memory_space<semaphore_mem>>) src(%dma_wait3A_30 : memref<960x64xf32, #tpu.memory_space<vmem_shared>>) dst(%dma_wait3A_28 : memref<960x64xf32, #tpu.memory_space<hbm>>)
      tpu.yield
    }) : () -> ()
    return
  }
}

module attributes {stable_mosaic.version = 14 : i64} {
  func.func @_k0_body(%arg0: i32, %arg1: i32, %arg2: memref<128x128xi32, #tpu.memory_space<vmem>>, %arg3: memref<128x128xi32, #tpu.memory_space<vmem>>, %arg4: memref<128x128xi32, #tpu.memory_space<vmem>>, %arg5: memref<128x128xi32, #tpu.memory_space<vmem>>, %arg6: memref<128x128xi32, #tpu.memory_space<vmem>>, %arg7: memref<128x128xi32, #tpu.memory_space<vmem>>, %arg8: memref<128x128xi32, #tpu.memory_space<vmem>>, %arg9: memref<128x128xi32, #tpu.memory_space<vmem>>, %arg10: memref<128x128xi32, #tpu.memory_space<vmem>>, %arg11: memref<128xf32, #tpu.memory_space<vmem>>, %arg12: memref<1x1xf32, #tpu.memory_space<vmem>>, %arg13: memref<1x1xf32, #tpu.memory_space<vmem>>, %arg14: memref<1x1xf32, #tpu.memory_space<vmem>>, %arg15: memref<1x1xf32, #tpu.memory_space<vmem>>) attributes {dimension_semantics = [#tpu.dimension_semantics<arbitrary>, #tpu.dimension_semantics<arbitrary>], iteration_bounds = array<i64: 2, 20>, scalar_prefetch = 0 : i64, scratch_operands = 4 : i64, tpu.core_type = #tpu.core_type<tc>, window_params = [{transform_indices = @transform_0, window_bounds = array<i64: 128, 128>}, {transform_indices = @transform_1, window_bounds = array<i64: 128, 128>}, {transform_indices = @transform_2, window_bounds = array<i64: 128, 128>}, {transform_indices = @transform_3, window_bounds = array<i64: 128, 128>}, {transform_indices = @transform_4, window_bounds = array<i64: 128, 128>}, {transform_indices = @transform_5, window_bounds = array<i64: 128, 128>}, {transform_indices = @transform_6, window_bounds = array<i64: 128, 128>}, {transform_indices = @transform_7, window_bounds = array<i64: 128, 128>}, {transform_indices = @transform_8, window_bounds = array<i64: 128, 128>}, {pipeline_mode = #tpu.pipeline_mode<synchronous>, transform_indices = @transform_9, window_bounds = array<i64: 128>}]} {
    %get3A = arith.constant 0 : index
    %get3A_0 = arith.constant 0 : index
    %get3A_1 = vector.load %arg2[%get3A, %get3A_0] : memref<128x128xi32, #tpu.memory_space<vmem>>, vector<128x128xi32>
    %get3A_2 = arith.constant 0 : index
    %get3A_3 = arith.constant 0 : index
    %get3A_4 = vector.load %arg3[%get3A_2, %get3A_3] : memref<128x128xi32, #tpu.memory_space<vmem>>, vector<128x128xi32>
    %get3A_5 = arith.constant 0 : index
    %get3A_6 = arith.constant 0 : index
    %get3A_7 = vector.load %arg4[%get3A_5, %get3A_6] : memref<128x128xi32, #tpu.memory_space<vmem>>, vector<128x128xi32>
    %lt3A = arith.constant 10000 : i32
    %lt3A_8 = vector.broadcast %lt3A : i32 to vector<128x128xi32>
    %lt3A_9 = arith.cmpi slt, %get3A_4, %lt3A_8 : vector<128x128xi32>
    %ge3A = arith.constant 5000 : i32
    %ge3A_10 = vector.broadcast %ge3A : i32 to vector<128x128xi32>
    %ge3A_11 = arith.cmpi sge, %get3A_4, %ge3A_10 : vector<128x128xi32>
    %not3A = arith.constant dense<true> : vector<128x128xi1>
    %not3A_12 = arith.xori %ge3A_11, %not3A : vector<128x128xi1>
    %and3A = arith.andi %lt3A_9, %not3A_12 : vector<128x128xi1>
    %and3A_13 = arith.andi %lt3A_9, %ge3A_11 : vector<128x128xi1>
    %eq3A = arith.constant 0 : i32
    %eq3A_14 = arith.cmpi eq, %arg0, %eq3A : i32
    %convert_element_type3A = arith.extui %eq3A_14 : i1 to i32
    %cond3A = arith.constant 0 : i32
    %cond3A_15 = arith.cmpi ne, %convert_element_type3A, %cond3A : i32
    scf.if %cond3A_15 {
      %eq3A_21 = arith.constant 0 : i32
      %eq3A_22 = arith.cmpi eq, %arg1, %eq3A_21 : i32
      %convert_element_type3A_23 = arith.extui %eq3A_22 : i1 to i32
      %cond3A_24 = arith.constant 0 : i32
      %cond3A_25 = arith.cmpi ne, %convert_element_type3A_23, %cond3A_24 : i32
      scf.if %cond3A_25 {
        %broadcast_in_dim3A = arith.constant 0.000000e+00 : f32
        %broadcast_in_dim3A_52 = vector.broadcast %broadcast_in_dim3A : f32 to vector<1x1xf32>
        %swap3A_53 = arith.constant 0 : index
        %swap3A_54 = arith.constant 0 : index
        %swap3A_55 = vector.load %arg12[%swap3A_53, %swap3A_54] : memref<1x1xf32, #tpu.memory_space<vmem>>, vector<1x1xf32>
        tpu.vector_store %arg12[%swap3A_53, %swap3A_54], %broadcast_in_dim3A_52 {strides = array<i32>} : memref<1x1xf32, #tpu.memory_space<vmem>>, vector<1x1xf32>,
        %broadcast_in_dim3A_56 = arith.constant 0.000000e+00 : f32
        %broadcast_in_dim3A_57 = vector.broadcast %broadcast_in_dim3A_56 : f32 to vector<1x1xf32>
        %swap3A_58 = arith.constant 0 : index
        %swap3A_59 = arith.constant 0 : index
        %swap3A_60 = vector.load %arg13[%swap3A_58, %swap3A_59] : memref<1x1xf32, #tpu.memory_space<vmem>>, vector<1x1xf32>
        tpu.vector_store %arg13[%swap3A_58, %swap3A_59], %broadcast_in_dim3A_57 {strides = array<i32>} : memref<1x1xf32, #tpu.memory_space<vmem>>, vector<1x1xf32>,
      } else {
      }
      %get3A_26 = arith.constant 0 : index
      %get3A_27 = arith.constant 0 : index
      %get3A_28 = vector.load %arg12[%get3A_26, %get3A_27] : memref<1x1xf32, #tpu.memory_space<vmem>>, vector<1x1xf32>
      %convert_element_type3A_29 = arith.extui %and3A : vector<128x128xi1> to vector<128x128xi32>
      %convert_element_type3A_30 = arith.sitofp %convert_element_type3A_29 : vector<128x128xi32> to vector<128x128xf32>
      %reduce_sum3A = vector.shape_cast %convert_element_type3A_30 : vector<128x128xf32> to vector<1x128x128xf32>
      %reduce_sum3A_31 = arith.constant dense<0.000000e+00> : vector<1xf32>
      %reduce_sum3A_32 = vector.multi_reduction <add>, %reduce_sum3A, %reduce_sum3A_31 [1, 2] : vector<1x128x128xf32> to vector<1xf32>
      %reduce_sum3A_33 = vector.shape_cast %reduce_sum3A_32 : vector<1xf32> to vector<1x1x1xf32>
      %reduce_sum3A_34 = vector.extract %reduce_sum3A_33[0, 0, 0] : f32 from vector<1x1x1xf32>
      %reshape3A = vector.broadcast %reduce_sum3A_34 : f32 to vector<1x1xf32>
      %add3A = arith.addf %get3A_28, %reshape3A : vector<1x1xf32>
      %swap3A = arith.constant 0 : index
      %swap3A_35 = arith.constant 0 : index
      %swap3A_36 = vector.load %arg12[%swap3A, %swap3A_35] : memref<1x1xf32, #tpu.memory_space<vmem>>, vector<1x1xf32>
      tpu.vector_store %arg12[%swap3A, %swap3A_35], %add3A {strides = array<i32>} : memref<1x1xf32, #tpu.memory_space<vmem>>, vector<1x1xf32>,
      %get3A_37 = arith.constant 0 : index
      %get3A_38 = arith.constant 0 : index
      %get3A_39 = vector.load %arg13[%get3A_37, %get3A_38] : memref<1x1xf32, #tpu.memory_space<vmem>>, vector<1x1xf32>
      %convert_element_type3A_40 = arith.extui %and3A_13 : vector<128x128xi1> to vector<128x128xi32>
      %convert_element_type3A_41 = arith.sitofp %convert_element_type3A_40 : vector<128x128xi32> to vector<128x128xf32>
      %reduce_sum3A_42 = vector.shape_cast %convert_element_type3A_41 : vector<128x128xf32> to vector<1x128x128xf32>
      %reduce_sum3A_43 = arith.constant dense<0.000000e+00> : vector<1xf32>
      %reduce_sum3A_44 = vector.multi_reduction <add>, %reduce_sum3A_42, %reduce_sum3A_43 [1, 2] : vector<1x128x128xf32> to vector<1xf32>
      %reduce_sum3A_45 = vector.shape_cast %reduce_sum3A_44 : vector<1xf32> to vector<1x1x1xf32>
      %reduce_sum3A_46 = vector.extract %reduce_sum3A_45[0, 0, 0] : f32 from vector<1x1x1xf32>
      %reshape3A_47 = vector.broadcast %reduce_sum3A_46 : f32 to vector<1x1xf32>
      %add3A_48 = arith.addf %get3A_39, %reshape3A_47 : vector<1x1xf32>
      %swap3A_49 = arith.constant 0 : index
      %swap3A_50 = arith.constant 0 : index
      %swap3A_51 = vector.load %arg13[%swap3A_49, %swap3A_50] : memref<1x1xf32, #tpu.memory_space<vmem>>, vector<1x1xf32>
      tpu.vector_store %arg13[%swap3A_49, %swap3A_50], %add3A_48 {strides = array<i32>} : memref<1x1xf32, #tpu.memory_space<vmem>>, vector<1x1xf32>,
    } else {
    }
    %eq3A_16 = arith.constant 1 : i32
    %eq3A_17 = arith.cmpi eq, %arg0, %eq3A_16 : i32
    %convert_element_type3A_18 = arith.extui %eq3A_17 : i1 to i32
    %cond3A_19 = arith.constant 0 : i32
    %cond3A_20 = arith.cmpi ne, %convert_element_type3A_18, %cond3A_19 : i32
    scf.if %cond3A_20 {
      %mul3A = arith.constant 10000 : i32
      %mul3A_21 = vector.broadcast %mul3A : i32 to vector<128x128xi32>
      %mul3A_22 = arith.muli %get3A_7, %mul3A_21 : vector<128x128xi32>
      %add3A = arith.addi %mul3A_22, %get3A_1 : vector<128x128xi32>
      %jit3A = arith.constant 0 : i32
      %broadcast_in_dim3A = vector.broadcast %jit3A : i32 to vector<128x128xi32>
      %select_n3A = arith.select %lt3A_9, %add3A, %broadcast_in_dim3A : vector<128x128xi1>, vector<128x128xi32>
      %swap3A = arith.constant 0 : index
      %swap3A_23 = arith.constant 0 : index
      %swap3A_24 = vector.load %arg5[%swap3A, %swap3A_23] : memref<128x128xi32, #tpu.memory_space<vmem>>, vector<128x128xi32>
      tpu.vector_store %arg5[%swap3A, %swap3A_23], %select_n3A {strides = array<i32>} : memref<128x128xi32, #tpu.memory_space<vmem>>, vector<128x128xi32>,
      %mul3A_25 = arith.constant 10000 : i32
      %mul3A_26 = vector.broadcast %mul3A_25 : i32 to vector<128x128xi32>
      %mul3A_27 = arith.muli %get3A_7, %mul3A_26 : vector<128x128xi32>
      %add3A_28 = arith.addi %mul3A_27, %get3A_1 : vector<128x128xi32>
      %jit3A_29 = arith.constant 30000 : i32
      %broadcast_in_dim3A_30 = vector.broadcast %jit3A_29 : i32 to vector<128x128xi32>
      %select_n3A_31 = arith.select %lt3A_9, %add3A_28, %broadcast_in_dim3A_30 : vector<128x128xi1>, vector<128x128xi32>
      %swap3A_32 = arith.constant 0 : index
      %swap3A_33 = arith.constant 0 : index
      %swap3A_34 = vector.load %arg6[%swap3A_32, %swap3A_33] : memref<128x128xi32, #tpu.memory_space<vmem>>, vector<128x128xi32>
      tpu.vector_store %arg6[%swap3A_32, %swap3A_33], %select_n3A_31 {strides = array<i32>} : memref<128x128xi32, #tpu.memory_space<vmem>>, vector<128x128xi32>,
      %mul3A_35 = arith.constant 10000 : i32
      %mul3A_36 = vector.broadcast %mul3A_35 : i32 to vector<128x128xi32>
      %mul3A_37 = arith.muli %get3A_7, %mul3A_36 : vector<128x128xi32>
      %add3A_38 = arith.constant 30720 : i32
      %add3A_39 = vector.broadcast %add3A_38 : i32 to vector<128x128xi32>
      %add3A_40 = arith.addi %add3A_39, %mul3A_37 : vector<128x128xi32>
      %add3A_41 = arith.addi %add3A_40, %get3A_4 : vector<128x128xi32>
      %jit3A_42 = arith.constant 30000 : i32
      %broadcast_in_dim3A_43 = vector.broadcast %jit3A_42 : i32 to vector<128x128xi32>
      %select_n3A_44 = arith.select %lt3A_9, %add3A_41, %broadcast_in_dim3A_43 : vector<128x128xi1>, vector<128x128xi32>
      %swap3A_45 = arith.constant 0 : index
      %swap3A_46 = arith.constant 0 : index
      %swap3A_47 = vector.load %arg7[%swap3A_45, %swap3A_46] : memref<128x128xi32, #tpu.memory_space<vmem>>, vector<128x128xi32>
      tpu.vector_store %arg7[%swap3A_45, %swap3A_46], %select_n3A_44 {strides = array<i32>} : memref<128x128xi32, #tpu.memory_space<vmem>>, vector<128x128xi32>,
      %mul3A_48 = arith.constant 5120 : i32
      %mul3A_49 = vector.broadcast %mul3A_48 : i32 to vector<128x128xi32>
      %mul3A_50 = arith.muli %get3A_7, %mul3A_49 : vector<128x128xi32>
      %add3A_51 = arith.addi %mul3A_50, %get3A_4 : vector<128x128xi32>
      %jit3A_52 = arith.constant 5000 : i32
      %broadcast_in_dim3A_53 = vector.broadcast %jit3A_52 : i32 to vector<128x128xi32>
      %select_n3A_54 = arith.select %and3A, %add3A_51, %broadcast_in_dim3A_53 : vector<128x128xi1>, vector<128x128xi32>
      %swap3A_55 = arith.constant 0 : index
      %swap3A_56 = arith.constant 0 : index
      %swap3A_57 = vector.load %arg8[%swap3A_55, %swap3A_56] : memref<128x128xi32, #tpu.memory_space<vmem>>, vector<128x128xi32>
      tpu.vector_store %arg8[%swap3A_55, %swap3A_56], %select_n3A_54 {strides = array<i32>} : memref<128x128xi32, #tpu.memory_space<vmem>>, vector<128x128xi32>,
      %mul3A_58 = arith.constant 5120 : i32
      %mul3A_59 = vector.broadcast %mul3A_58 : i32 to vector<128x128xi32>
      %mul3A_60 = arith.muli %get3A_7, %mul3A_59 : vector<128x128xi32>
      %add3A_61 = arith.addi %mul3A_60, %get3A_4 : vector<128x128xi32>
      %sub3A = arith.constant 5000 : i32
      %sub3A_62 = vector.broadcast %sub3A : i32 to vector<128x128xi32>
      %sub3A_63 = arith.subi %add3A_61, %sub3A_62 : vector<128x128xi32>
      %jit3A_64 = arith.constant 5000 : i32
      %broadcast_in_dim3A_65 = vector.broadcast %jit3A_64 : i32 to vector<128x128xi32>
      %select_n3A_66 = arith.select %and3A_13, %sub3A_63, %broadcast_in_dim3A_65 : vector<128x128xi1>, vector<128x128xi32>
      %swap3A_67 = arith.constant 0 : index
      %swap3A_68 = arith.constant 0 : index
      %swap3A_69 = vector.load %arg9[%swap3A_67, %swap3A_68] : memref<128x128xi32, #tpu.memory_space<vmem>>, vector<128x128xi32>
      tpu.vector_store %arg9[%swap3A_67, %swap3A_68], %select_n3A_66 {strides = array<i32>} : memref<128x128xi32, #tpu.memory_space<vmem>>, vector<128x128xi32>,
      %eq3A_70 = arith.constant 0 : i32
      %eq3A_71 = arith.cmpi eq, %arg1, %eq3A_70 : i32
      %convert_element_type3A_72 = arith.extui %eq3A_71 : i1 to i32
      %cond3A_73 = arith.constant 0 : i32
      %cond3A_74 = arith.cmpi ne, %convert_element_type3A_72, %cond3A_73 : i32
      scf.if %cond3A_74 {
        %broadcast_in_dim3A_243 = arith.constant 0.000000e+00 : f32
        %broadcast_in_dim3A_244 = vector.broadcast %broadcast_in_dim3A_243 : f32 to vector<1x1xf32>
        %swap3A_245 = arith.constant 0 : index
        %swap3A_246 = arith.constant 0 : index
        %swap3A_247 = vector.load %arg14[%swap3A_245, %swap3A_246] : memref<1x1xf32, #tpu.memory_space<vmem>>, vector<1x1xf32>
        tpu.vector_store %arg14[%swap3A_245, %swap3A_246], %broadcast_in_dim3A_244 {strides = array<i32>} : memref<1x1xf32, #tpu.memory_space<vmem>>, vector<1x1xf32>,
        %broadcast_in_dim3A_248 = arith.constant 0.000000e+00 : f32
        %broadcast_in_dim3A_249 = vector.broadcast %broadcast_in_dim3A_248 : f32 to vector<1x1xf32>
        %swap3A_250 = arith.constant 0 : index
        %swap3A_251 = arith.constant 0 : index
        %swap3A_252 = vector.load %arg15[%swap3A_250, %swap3A_251] : memref<1x1xf32, #tpu.memory_space<vmem>>, vector<1x1xf32>
        tpu.vector_store %arg15[%swap3A_250, %swap3A_251], %broadcast_in_dim3A_249 {strides = array<i32>} : memref<1x1xf32, #tpu.memory_space<vmem>>, vector<1x1xf32>,
      } else {
      }
      %get3A_75 = arith.constant 0 : index
      %get3A_76 = arith.constant 0 : index
      %get3A_77 = vector.load %arg14[%get3A_75, %get3A_76] : memref<1x1xf32, #tpu.memory_space<vmem>>, vector<1x1xf32>
      %get3A_78 = vector.extract %get3A_77[0, 0] : f32 from vector<1x1xf32>
      %get3A_79 = arith.constant 0 : index
      %get3A_80 = arith.constant 0 : index
      %get3A_81 = vector.load %arg15[%get3A_79, %get3A_80] : memref<1x1xf32, #tpu.memory_space<vmem>>, vector<1x1xf32>
      %get3A_82 = vector.extract %get3A_81[0, 0] : f32 from vector<1x1xf32>
      %convert_element_type3A_83 = arith.extui %and3A : vector<128x128xi1> to vector<128x128xi32>
      %convert_element_type3A_84 = arith.sitofp %convert_element_type3A_83 : vector<128x128xi32> to vector<128x128xf32>
      %iota3A = tpu.iota {dimensions = array<i32: 0>} : vector<128x128xi32>
      %iota3A_85 = tpu.iota {dimensions = array<i32: 1>} : vector<128x128xi32>
      %le3A = arith.cmpi sle, %iota3A, %iota3A_85 : vector<128x128xi32>
      %convert_element_type3A_86 = arith.extui %le3A : vector<128x128xi1> to vector<128x128xi32>
      %convert_element_type3A_87 = arith.sitofp %convert_element_type3A_86 : vector<128x128xi32> to vector<128x128xf32>
      %gt3A = arith.cmpi sgt, %iota3A, %iota3A_85 : vector<128x128xi32>
      %convert_element_type3A_88 = arith.extui %gt3A : vector<128x128xi1> to vector<128x128xi32>
      %convert_element_type3A_89 = arith.sitofp %convert_element_type3A_88 : vector<128x128xi32> to vector<128x128xf32>
      %dot_general3A = arith.constant dense<0.000000e+00> : vector<128x128xf32>
      %dot_general3A_90 = tpu.matmul %convert_element_type3A_84, %convert_element_type3A_87, %dot_general3A {dimension_numbers = #tpu.dot_dimension_numbers<[1], [0], [0], [1], [0, 0, 1, 1], [], []>, precision = #tpu.contract_precision<fp32>, transpose_lhs_hint = false} : vector<128x128xf32>, vector<128x128xf32>, vector<128x128xf32> -> vector<128x128xf32>
      %slice3A = vector.extract_strided_slice %dot_general3A_90 {offsets = [0, 127], sizes = [128, 1], strides = [1, 1]} : vector<128x128xf32> to vector<128x1xf32>
      %dot_general3A_91 = arith.constant dense<0.000000e+00> : vector<128x1xf32>
      %dot_general3A_92 = tpu.matmul %convert_element_type3A_89, %slice3A, %dot_general3A_91 {dimension_numbers = #tpu.dot_dimension_numbers<[1], [0], [0], [1], [0, 0, 1, 1], [], []>, precision = #tpu.contract_precision<fp32>, transpose_lhs_hint = false} : vector<128x128xf32>, vector<128x1xf32>, vector<128x1xf32> -> vector<128x1xf32>
      %add3A_93 = vector.broadcast %dot_general3A_92 : vector<128x1xf32> to vector<128x128xf32>
      %add3A_94 = arith.addf %add3A_93, %dot_general3A_90 : vector<128x128xf32>
      %sub3A_95 = arith.subf %add3A_94, %convert_element_type3A_84 : vector<128x128xf32>
      %add3A_96 = vector.broadcast %get3A_78 : f32 to vector<128x128xf32>
      %add3A_97 = arith.addf %sub3A_95, %add3A_96 : vector<128x128xf32>
      %reduce_sum3A = vector.shape_cast %convert_element_type3A_84 : vector<128x128xf32> to vector<1x128x128xf32>
      %reduce_sum3A_98 = arith.constant dense<0.000000e+00> : vector<1xf32>
      %reduce_sum3A_99 = vector.multi_reduction <add>, %reduce_sum3A, %reduce_sum3A_98 [1, 2] : vector<1x128x128xf32> to vector<1xf32>
      %reduce_sum3A_100 = vector.shape_cast %reduce_sum3A_99 : vector<1xf32> to vector<1x1x1xf32>
      %reduce_sum3A_101 = vector.extract %reduce_sum3A_100[0, 0, 0] : f32 from vector<1x1x1xf32>
      %convert_element_type3A_102 = arith.extui %and3A_13 : vector<128x128xi1> to vector<128x128xi32>
      %convert_element_type3A_103 = arith.sitofp %convert_element_type3A_102 : vector<128x128xi32> to vector<128x128xf32>
      %iota3A_104 = tpu.iota {dimensions = array<i32: 0>} : vector<128x128xi32>
      %iota3A_105 = tpu.iota {dimensions = array<i32: 1>} : vector<128x128xi32>
      %le3A_106 = arith.cmpi sle, %iota3A_104, %iota3A_105 : vector<128x128xi32>
      %convert_element_type3A_107 = arith.extui %le3A_106 : vector<128x128xi1> to vector<128x128xi32>
      %convert_element_type3A_108 = arith.sitofp %convert_element_type3A_107 : vector<128x128xi32> to vector<128x128xf32>
      %gt3A_109 = arith.cmpi sgt, %iota3A_104, %iota3A_105 : vector<128x128xi32>
      %convert_element_type3A_110 = arith.extui %gt3A_109 : vector<128x128xi1> to vector<128x128xi32>
      %convert_element_type3A_111 = arith.sitofp %convert_element_type3A_110 : vector<128x128xi32> to vector<128x128xf32>
      %dot_general3A_112 = arith.constant dense<0.000000e+00> : vector<128x128xf32>
      %dot_general3A_113 = tpu.matmul %convert_element_type3A_103, %convert_element_type3A_108, %dot_general3A_112 {dimension_numbers = #tpu.dot_dimension_numbers<[1], [0], [0], [1], [0, 0, 1, 1], [], []>, precision = #tpu.contract_precision<fp32>, transpose_lhs_hint = false} : vector<128x128xf32>, vector<128x128xf32>, vector<128x128xf32> -> vector<128x128xf32>
      %slice3A_114 = vector.extract_strided_slice %dot_general3A_113 {offsets = [0, 127], sizes = [128, 1], strides = [1, 1]} : vector<128x128xf32> to vector<128x1xf32>
      %dot_general3A_115 = arith.constant dense<0.000000e+00> : vector<128x1xf32>
      %dot_general3A_116 = tpu.matmul %convert_element_type3A_111, %slice3A_114, %dot_general3A_115 {dimension_numbers = #tpu.dot_dimension_numbers<[1], [0], [0], [1], [0, 0, 1, 1], [], []>, precision = #tpu.contract_precision<fp32>, transpose_lhs_hint = false} : vector<128x128xf32>, vector<128x1xf32>, vector<128x1xf32> -> vector<128x1xf32>
      %add3A_117 = vector.broadcast %dot_general3A_116 : vector<128x1xf32> to vector<128x128xf32>
      %add3A_118 = arith.addf %add3A_117, %dot_general3A_113 : vector<128x128xf32>
      %sub3A_119 = arith.subf %add3A_118, %convert_element_type3A_103 : vector<128x128xf32>
      %add3A_120 = vector.broadcast %get3A_82 : f32 to vector<128x128xf32>
      %add3A_121 = arith.addf %sub3A_119, %add3A_120 : vector<128x128xf32>
      %reduce_sum3A_122 = vector.shape_cast %convert_element_type3A_103 : vector<128x128xf32> to vector<1x128x128xf32>
      %reduce_sum3A_123 = arith.constant dense<0.000000e+00> : vector<1xf32>
      %reduce_sum3A_124 = vector.multi_reduction <add>, %reduce_sum3A_122, %reduce_sum3A_123 [1, 2] : vector<1x128x128xf32> to vector<1xf32>
      %reduce_sum3A_125 = vector.shape_cast %reduce_sum3A_124 : vector<1xf32> to vector<1x1x1xf32>
      %reduce_sum3A_126 = vector.extract %reduce_sum3A_125[0, 0, 0] : f32 from vector<1x1x1xf32>
      %add3A_127 = arith.addf %get3A_78, %reduce_sum3A_101 : f32
      %reshape3A = vector.broadcast %add3A_127 : f32 to vector<1x1xf32>
      %swap3A_128 = arith.constant 0 : index
      %swap3A_129 = arith.constant 0 : index
      %swap3A_130 = vector.load %arg14[%swap3A_128, %swap3A_129] : memref<1x1xf32, #tpu.memory_space<vmem>>, vector<1x1xf32>
      tpu.vector_store %arg14[%swap3A_128, %swap3A_129], %reshape3A {strides = array<i32>} : memref<1x1xf32, #tpu.memory_space<vmem>>, vector<1x1xf32>,
      %add3A_131 = arith.addf %get3A_82, %reduce_sum3A_126 : f32
      %reshape3A_132 = vector.broadcast %add3A_131 : f32 to vector<1x1xf32>
      %swap3A_133 = arith.constant 0 : index
      %swap3A_134 = arith.constant 0 : index
      %swap3A_135 = vector.load %arg15[%swap3A_133, %swap3A_134] : memref<1x1xf32, #tpu.memory_space<vmem>>, vector<1x1xf32>
      tpu.vector_store %arg15[%swap3A_133, %swap3A_134], %reshape3A_132 {strides = array<i32>} : memref<1x1xf32, #tpu.memory_space<vmem>>, vector<1x1xf32>,
      %get3A_136 = arith.constant 0 : index
      %get3A_137 = arith.constant 0 : index
      %get3A_138 = vector.load %arg12[%get3A_136, %get3A_137] : memref<1x1xf32, #tpu.memory_space<vmem>>, vector<1x1xf32>
      %get3A_139 = vector.extract %get3A_138[0, 0] : f32 from vector<1x1xf32>
      %convert_element_type3A_140 = arith.fptosi %get3A_139 : f32 to i32
      %get3A_141 = arith.constant 0 : index
      %get3A_142 = arith.constant 0 : index
      %get3A_143 = vector.load %arg13[%get3A_141, %get3A_142] : memref<1x1xf32, #tpu.memory_space<vmem>>, vector<1x1xf32>
      %get3A_144 = vector.extract %get3A_143[0, 0] : f32 from vector<1x1xf32>
      %convert_element_type3A_145 = arith.fptosi %get3A_144 : f32 to i32
      %add3A_146 = arith.constant 128 : i32
      %add3A_147 = arith.addi %convert_element_type3A_140, %add3A_146 : i32
      %sub3A_148 = arith.constant 1 : i32
      %sub3A_149 = arith.subi %add3A_147, %sub3A_148 : i32
      %jit3A_150 = arith.constant 128 : i32
      %div3A = arith.divsi %sub3A_149, %jit3A_150 : i32
      %sign3A = arith.constant 0 : i32
      %sign3A_151 = arith.cmpi sgt, %sub3A_149, %sign3A : i32
      %sign3A_152 = arith.extui %sign3A_151 : i1 to i32
      %sign3A_153 = arith.constant 0 : i32
      %sign3A_154 = arith.cmpi slt, %sub3A_149, %sign3A_153 : i32
      %sign3A_155 = arith.extui %sign3A_154 : i1 to i32
      %sign3A_156 = arith.subi %sign3A_152, %sign3A_155 : i32
      %sign3A_157 = arith.constant 0 : i32
      %sign3A_158 = arith.cmpi sgt, %jit3A_150, %sign3A_157 : i32
      %sign3A_159 = arith.extui %sign3A_158 : i1 to i32
      %sign3A_160 = arith.constant 0 : i32
      %sign3A_161 = arith.cmpi slt, %jit3A_150, %sign3A_160 : i32
      %sign3A_162 = arith.extui %sign3A_161 : i1 to i32
      %sign3A_163 = arith.subi %sign3A_159, %sign3A_162 : i32
      %ne3A = arith.cmpi ne, %sign3A_156, %sign3A_163 : i32
      %rem3A = arith.remsi %sub3A_149, %jit3A_150 : i32
      %ne3A_164 = arith.constant 0 : i32
      %ne3A_165 = arith.cmpi ne, %rem3A, %ne3A_164 : i32
      %and3A_166 = arith.andi %ne3A, %ne3A_165 : i1
      %sub3A_167 = arith.constant 1 : i32
      %sub3A_168 = arith.subi %div3A, %sub3A_167 : i32
      %select_n3A_169 = arith.select %and3A_166, %sub3A_168, %div3A : i32
      %add3A_170 = arith.constant 128 : i32
      %add3A_171 = arith.addi %convert_element_type3A_145, %add3A_170 : i32
      %sub3A_172 = arith.constant 1 : i32
      %sub3A_173 = arith.subi %add3A_171, %sub3A_172 : i32
      %jit3A_174 = arith.constant 128 : i32
      %div3A_175 = arith.divsi %sub3A_173, %jit3A_174 : i32
      %sign3A_176 = arith.constant 0 : i32
      %sign3A_177 = arith.cmpi sgt, %sub3A_173, %sign3A_176 : i32
      %sign3A_178 = arith.extui %sign3A_177 : i1 to i32
      %sign3A_179 = arith.constant 0 : i32
      %sign3A_180 = arith.cmpi slt, %sub3A_173, %sign3A_179 : i32
      %sign3A_181 = arith.extui %sign3A_180 : i1 to i32
      %sign3A_182 = arith.subi %sign3A_178, %sign3A_181 : i32
      %sign3A_183 = arith.constant 0 : i32
      %sign3A_184 = arith.cmpi sgt, %jit3A_174, %sign3A_183 : i32
      %sign3A_185 = arith.extui %sign3A_184 : i1 to i32
      %sign3A_186 = arith.constant 0 : i32
      %sign3A_187 = arith.cmpi slt, %jit3A_174, %sign3A_186 : i32
      %sign3A_188 = arith.extui %sign3A_187 : i1 to i32
      %sign3A_189 = arith.subi %sign3A_185, %sign3A_188 : i32
      %ne3A_190 = arith.cmpi ne, %sign3A_182, %sign3A_189 : i32
      %rem3A_191 = arith.remsi %sub3A_173, %jit3A_174 : i32
      %ne3A_192 = arith.constant 0 : i32
      %ne3A_193 = arith.cmpi ne, %rem3A_191, %ne3A_192 : i32
      %and3A_194 = arith.andi %ne3A_190, %ne3A_193 : i1
      %sub3A_195 = arith.constant 1 : i32
      %sub3A_196 = arith.subi %div3A_175, %sub3A_195 : i32
      %select_n3A_197 = arith.select %and3A_194, %sub3A_196, %div3A_175 : i32
      %add3A_198 = arith.addi %select_n3A_169, %select_n3A_197 : i32
      %mul3A_199 = arith.constant 128 : i32
      %mul3A_200 = arith.muli %select_n3A_169, %mul3A_199 : i32
      %sub3A_201 = arith.subi %mul3A_200, %convert_element_type3A_140 : i32
      %iota3A_202 = tpu.iota {dimensions = array<i32: 0>} : vector<128x128xi32>
      %mul3A_203 = arith.constant 128 : i32
      %mul3A_204 = arith.muli %arg1, %mul3A_203 : i32
      %add3A_205 = vector.broadcast %mul3A_204 : i32 to vector<128x128xi32>
      %add3A_206 = arith.addi %iota3A_202, %add3A_205 : vector<128x128xi32>
      %mul3A_207 = arith.constant 128 : i32
      %mul3A_208 = vector.broadcast %mul3A_207 : i32 to vector<128x128xi32>
      %mul3A_209 = arith.muli %add3A_206, %mul3A_208 : vector<128x128xi32>
      %iota3A_210 = tpu.iota {dimensions = array<i32: 1>} : vector<128x128xi32>
      %add3A_211 = arith.addi %mul3A_209, %iota3A_210 : vector<128x128xi32>
      %sub3A_212 = arith.constant 320000 : i32
      %sub3A_213 = vector.broadcast %sub3A_212 : i32 to vector<128x128xi32>
      %sub3A_214 = arith.subi %add3A_211, %sub3A_213 : vector<128x128xi32>
      %lt3A_215 = vector.broadcast %sub3A_201 : i32 to vector<128x128xi32>
      %lt3A_216 = arith.cmpi slt, %sub3A_214, %lt3A_215 : vector<128x128xi32>
      %add3A_217 = vector.broadcast %convert_element_type3A_140 : i32 to vector<128x128xi32>
      %add3A_218 = arith.addi %add3A_217, %sub3A_214 : vector<128x128xi32>
      %mul3A_219 = arith.constant 128 : i32
      %mul3A_220 = arith.muli %select_n3A_169, %mul3A_219 : i32
      %add3A_221 = arith.addi %mul3A_220, %convert_element_type3A_145 : i32
      %sub3A_222 = vector.broadcast %sub3A_201 : i32 to vector<128x128xi32>
      %sub3A_223 = arith.subi %sub3A_214, %sub3A_222 : vector<128x128xi32>
      %add3A_224 = vector.broadcast %add3A_221 : i32 to vector<128x128xi32>
      %add3A_225 = arith.addi %add3A_224, %sub3A_223 : vector<128x128xi32>
      %select_n3A_226 = arith.select %lt3A_216, %add3A_218, %add3A_225 : vector<128x128xi1>, vector<128x128xi32>
      %convert_element_type3A_227 = arith.fptosi %add3A_97 : vector<128x128xf32> to vector<128x128xi32>
      %mul3A_228 = arith.constant 128 : i32
      %mul3A_229 = arith.muli %select_n3A_169, %mul3A_228 : i32
      %convert_element_type3A_230 = arith.fptosi %add3A_121 : vector<128x128xf32> to vector<128x128xi32>
      %add3A_231 = vector.broadcast %mul3A_229 : i32 to vector<128x128xi32>
      %add3A_232 = arith.addi %add3A_231, %convert_element_type3A_230 : vector<128x128xi32>
      %select_n3A_233 = arith.select %and3A_13, %add3A_232, %select_n3A_226 : vector<128x128xi1>, vector<128x128xi32>
      %select_n3A_234 = arith.select %and3A, %convert_element_type3A_227, %select_n3A_233 : vector<128x128xi1>, vector<128x128xi32>
      %swap3A_235 = arith.constant 0 : index
      %swap3A_236 = arith.constant 0 : index
      %swap3A_237 = vector.load %arg10[%swap3A_235, %swap3A_236] : memref<128x128xi32, #tpu.memory_space<vmem>>, vector<128x128xi32>
      tpu.vector_store %arg10[%swap3A_235, %swap3A_236], %select_n3A_234 {strides = array<i32>} : memref<128x128xi32, #tpu.memory_space<vmem>>, vector<128x128xi32>,
      %eq3A_238 = arith.constant 19 : i32
      %eq3A_239 = arith.cmpi eq, %arg1, %eq3A_238 : i32
      %convert_element_type3A_240 = arith.extui %eq3A_239 : i1 to i32
      %cond3A_241 = arith.constant 0 : i32
      %cond3A_242 = arith.cmpi ne, %convert_element_type3A_240, %cond3A_241 : i32
      scf.if %cond3A_242 {
        %iota3A_243 = tpu.iota {dimensions = array<i32: 1>} : vector<1x128xi32>
        %iota3A_244 = vector.shape_cast %iota3A_243 : vector<1x128xi32> to vector<128xi32>
        %eq3A_245 = arith.constant 0 : i32
        %eq3A_246 = vector.broadcast %eq3A_245 : i32 to vector<128xi32>
        %eq3A_247 = arith.cmpi eq, %iota3A_244, %eq3A_246 : vector<128xi32>
        %jit3A_248 = arith.constant 0 : i32
        %broadcast_in_dim3A_249 = vector.broadcast %select_n3A_169 : i32 to vector<128xi32>
        %broadcast_in_dim3A_250 = vector.broadcast %jit3A_248 : i32 to vector<128xi32>
        %select_n3A_251 = arith.select %eq3A_247, %broadcast_in_dim3A_249, %broadcast_in_dim3A_250 : vector<128xi1>, vector<128xi32>
        %eq3A_252 = arith.constant 1 : i32
        %eq3A_253 = vector.broadcast %eq3A_252 : i32 to vector<128xi32>
        %eq3A_254 = arith.cmpi eq, %iota3A_244, %eq3A_253 : vector<128xi32>
        %sub3A_255 = arith.subi %add3A_198, %select_n3A_169 : i32
        %jit3A_256 = arith.constant 0 : i32
        %broadcast_in_dim3A_257 = vector.broadcast %sub3A_255 : i32 to vector<128xi32>
        %broadcast_in_dim3A_258 = vector.broadcast %jit3A_256 : i32 to vector<128xi32>
        %select_n3A_259 = arith.select %eq3A_254, %broadcast_in_dim3A_257, %broadcast_in_dim3A_258 : vector<128xi1>, vector<128xi32>
        %add3A_260 = arith.addi %select_n3A_251, %select_n3A_259 : vector<128xi32>
        %eq3A_261 = arith.constant 3 : i32
        %eq3A_262 = vector.broadcast %eq3A_261 : i32 to vector<128xi32>
        %eq3A_263 = arith.cmpi eq, %iota3A_244, %eq3A_262 : vector<128xi32>
        %jit3A_264 = arith.constant 0 : i32
        %broadcast_in_dim3A_265 = vector.broadcast %select_n3A_169 : i32 to vector<128xi32>
        %broadcast_in_dim3A_266 = vector.broadcast %jit3A_264 : i32 to vector<128xi32>
        %select_n3A_267 = arith.select %eq3A_263, %broadcast_in_dim3A_265, %broadcast_in_dim3A_266 : vector<128xi1>, vector<128xi32>
        %add3A_268 = arith.addi %add3A_260, %select_n3A_267 : vector<128xi32>
        %convert_element_type3A_269 = arith.sitofp %add3A_268 : vector<128xi32> to vector<128xf32>
        %swap3A_270 = arith.constant 0 : index
        %swap3A_271 = vector.load %arg11[%swap3A_270] : memref<128xf32, #tpu.memory_space<vmem>>, vector<128xf32>
        tpu.vector_store %arg11[%swap3A_270], %convert_element_type3A_269 {strides = array<i32>} : memref<128xf32, #tpu.memory_space<vmem>>, vector<128xf32>,
      } else {
      }
    } else {
    }
    return
  }
  func.func @transform_0(%arg0: i32, %arg1: i32) -> (i32, i32) {
    %c0_i32 = arith.constant 0 : i32
    %c0_i32_0 = arith.constant 0 : i32
    return %arg1, %c0_i32 : i32, i32
  }
  func.func @transform_1(%arg0: i32, %arg1: i32) -> (i32, i32) {
    %c0_i32 = arith.constant 0 : i32
    %c0_i32_0 = arith.constant 0 : i32
    return %arg1, %c0_i32 : i32, i32
  }
  func.func @transform_2(%arg0: i32, %arg1: i32) -> (i32, i32) {
    %c0_i32 = arith.constant 0 : i32
    %c0_i32_0 = arith.constant 0 : i32
    return %arg1, %c0_i32 : i32, i32
  }
  func.func @transform_3(%arg0: i32, %arg1: i32) -> (i32, i32) {
    %c0_i32 = arith.constant 0 : i32
    %c0_i32_0 = arith.constant 0 : i32
    return %arg1, %c0_i32 : i32, i32
  }
  func.func @transform_4(%arg0: i32, %arg1: i32) -> (i32, i32) {
    %c0_i32 = arith.constant 0 : i32
    %c0_i32_0 = arith.constant 0 : i32
    return %arg1, %c0_i32 : i32, i32
  }
  func.func @transform_5(%arg0: i32, %arg1: i32) -> (i32, i32) {
    %c0_i32 = arith.constant 0 : i32
    %c0_i32_0 = arith.constant 0 : i32
    return %arg1, %c0_i32 : i32, i32
  }
  func.func @transform_6(%arg0: i32, %arg1: i32) -> (i32, i32) {
    %c0_i32 = arith.constant 0 : i32
    %c0_i32_0 = arith.constant 0 : i32
    return %arg1, %c0_i32 : i32, i32
  }
  func.func @transform_7(%arg0: i32, %arg1: i32) -> (i32, i32) {
    %c0_i32 = arith.constant 0 : i32
    %c0_i32_0 = arith.constant 0 : i32
    return %arg1, %c0_i32 : i32, i32
  }
  func.func @transform_8(%arg0: i32, %arg1: i32) -> (i32, i32) {
    %c0_i32 = arith.constant 0 : i32
    %c0_i32_0 = arith.constant 0 : i32
    return %arg1, %c0_i32 : i32, i32
  }
  func.func @transform_9(%arg0: i32, %arg1: i32) -> i32 {
    %c0_i32 = arith.constant 0 : i32
    %c0_i32_0 = arith.constant 0 : i32
    return %c0_i32 : i32
  }
}

module attributes {stable_mosaic.version = 14 : i64} {
  func.func @_k2_body(%arg0: i32, %arg1: memref<1000x128xf32, #tpu.memory_space<vmem>>, %arg2: memref<1000x1xf32, #tpu.memory_space<vmem>>, %arg3: memref<1000x1xf32, #tpu.memory_space<vmem>>, %arg4: memref<1000x64xf32, #tpu.memory_space<vmem>>, %arg5: memref<1000x64xf32, #tpu.memory_space<vmem>>) attributes {dimension_semantics = [#tpu.dimension_semantics<arbitrary>], iteration_bounds = array<i64: 30>, scalar_prefetch = 0 : i64, scratch_operands = 0 : i64, tpu.core_type = #tpu.core_type<tc>, window_params = [{transform_indices = @transform_0, window_bounds = array<i64: 1000, 128>}, {transform_indices = @transform_1, window_bounds = array<i64: 1000, 1>}, {transform_indices = @transform_2, window_bounds = array<i64: 1000, 1>}, {transform_indices = @transform_3, window_bounds = array<i64: 1000, 64>}, {transform_indices = @transform_4, window_bounds = array<i64: 1000, 64>}]} {
    %get3A = arith.constant 0 : index
    %get3A_0 = arith.constant 0 : index
    %get3A_1 = vector.load %arg2[%get3A, %get3A_0] : memref<1000x1xf32, #tpu.memory_space<vmem>>, vector<1000x1xf32>
    %get3A_2 = arith.constant 0 : index
    %get3A_3 = arith.constant 0 : index
    %get3A_4 = vector.load %arg3[%get3A_2, %get3A_3] : memref<1000x1xf32, #tpu.memory_space<vmem>>, vector<1000x1xf32>
    %add3A = arith.addf %get3A_1, %get3A_4 : vector<1000x1xf32>
    %max3A = arith.constant 1.000000e+00 : f32
    %max3A_5 = vector.broadcast %max3A : f32 to vector<1000x1xf32>
    %max3A_6 = arith.maximumf %add3A, %max3A_5 : vector<1000x1xf32>
    %rsqrt3A = math.rsqrt %max3A_6 : vector<1000x1xf32>
    %get3A_7 = arith.constant 0 : index
    %get3A_8 = arith.constant 0 : index
    %get3A_9 = vector.load %arg1[%get3A_7, %get3A_8] : memref<1000x128xf32, #tpu.memory_space<vmem>>, vector<1000x128xf32>
    %mul3A = vector.broadcast %rsqrt3A : vector<1000x1xf32> to vector<1000x128xf32>
    %mul3A_10 = arith.mulf %get3A_9, %mul3A : vector<1000x128xf32>
    %slice3A = vector.extract_strided_slice %mul3A_10 {offsets = [0, 0], sizes = [1000, 64], strides = [1, 1]} : vector<1000x128xf32> to vector<1000x64xf32>
    %swap3A = arith.constant 0 : index
    %swap3A_11 = arith.constant 0 : index
    %swap3A_12 = vector.load %arg4[%swap3A, %swap3A_11] : memref<1000x64xf32, #tpu.memory_space<vmem>>, vector<1000x64xf32>
    tpu.vector_store %arg4[%swap3A, %swap3A_11], %slice3A {strides = array<i32>} : memref<1000x64xf32, #tpu.memory_space<vmem>>, vector<1000x64xf32>,
    %slice3A_13 = vector.extract_strided_slice %mul3A_10 {offsets = [0, 64], sizes = [1000, 64], strides = [1, 1]} : vector<1000x128xf32> to vector<1000x64xf32>
    %swap3A_14 = arith.constant 0 : index
    %swap3A_15 = arith.constant 0 : index
    %swap3A_16 = vector.load %arg5[%swap3A_14, %swap3A_15] : memref<1000x64xf32, #tpu.memory_space<vmem>>, vector<1000x64xf32>
    tpu.vector_store %arg5[%swap3A_14, %swap3A_15], %slice3A_13 {strides = array<i32>} : memref<1000x64xf32, #tpu.memory_space<vmem>>, vector<1000x64xf32>,
    return
  }
  func.func @transform_0(%arg0: i32) -> (i32, i32) {
    %jit3A = arith.constant 10 : i32
    %eq3A = arith.constant 0 : i32
    %eq3A_0 = arith.cmpi eq, %jit3A, %eq3A : i32
    %jit3A_1 = arith.constant 1 : i32
    %select_n3A = arith.select %eq3A_0, %jit3A_1, %jit3A : i32
    %rem3A = arith.remsi %arg0, %select_n3A : i32
    %ne3A = arith.constant 0 : i32
    %ne3A_2 = arith.cmpi ne, %rem3A, %ne3A : i32
    %lt3A = arith.constant 0 : i32
    %lt3A_3 = arith.cmpi slt, %rem3A, %lt3A : i32
    %lt3A_4 = arith.constant 0 : i32
    %lt3A_5 = arith.cmpi slt, %select_n3A, %lt3A_4 : i32
    %ne3A_6 = arith.xori %lt3A_3, %lt3A_5 : i1
    %and3A = arith.andi %ne3A_6, %ne3A_2 : i1
    %add3A = arith.addi %rem3A, %select_n3A : i32
    %select_n3A_7 = arith.select %and3A, %add3A, %rem3A : i32
    %c0_i32 = arith.constant 0 : i32
    %c0_i32_8 = arith.constant 0 : i32
    return %select_n3A_7, %c0_i32 : i32, i32
  }
  func.func @transform_1(%arg0: i32) -> (i32, i32) {
    %c0_i32 = arith.constant 0 : i32
    %c0_i32_0 = arith.constant 0 : i32
    return %arg0, %c0_i32 : i32, i32
  }
  func.func @transform_2(%arg0: i32) -> (i32, i32) {
    %c0_i32 = arith.constant 0 : i32
    %c0_i32_0 = arith.constant 0 : i32
    return %arg0, %c0_i32 : i32, i32
  }
  func.func @transform_3(%arg0: i32) -> (i32, i32) {
    %c0_i32 = arith.constant 0 : i32
    %c0_i32_0 = arith.constant 0 : i32
    return %arg0, %c0_i32 : i32, i32
  }
  func.func @transform_4(%arg0: i32) -> (i32, i32) {
    %c0_i32 = arith.constant 0 : i32
    %c0_i32_0 = arith.constant 0 : i32
    return %arg0, %c0_i32 : i32, i32
  }
}

module attributes {stable_mosaic.version = 14 : i64} {
  func.func @_k4_body(%arg0: i32, %arg1: memref<1x3x1000x64xf32, #tpu.memory_space<vmem>>, %arg2: memref<1x3x1000x64xf32, #tpu.memory_space<vmem>>, %arg3: memref<3x1000x1xf32, #tpu.memory_space<vmem>>, %arg4: memref<3x1000x1xf32, #tpu.memory_space<vmem>>, %arg5: memref<3x1000x1xf32, #tpu.memory_space<vmem>>, %arg6: memref<3x1000x1xf32, #tpu.memory_space<vmem>>, %arg7: memref<3x128x128xf32, #tpu.memory_space<vmem>>, %arg8: memref<3x1x128xf32, #tpu.memory_space<vmem>>, %arg9: memref<3x1000x64xf32, #tpu.memory_space<vmem>>, %arg10: memref<3x1000x64xf32, #tpu.memory_space<vmem>>) attributes {dimension_semantics = [#tpu.dimension_semantics<arbitrary>], iteration_bounds = array<i64: 10>, scalar_prefetch = 0 : i64, scratch_operands = 0 : i64, tpu.core_type = #tpu.core_type<tc>, window_params = [{transform_indices = @transform_0, window_bounds = array<i64: 1, 3, 1000, 64>}, {transform_indices = @transform_1, window_bounds = array<i64: 1, 3, 1000, 64>}, {transform_indices = @transform_2, window_bounds = array<i64: 3, 1000, 1>}, {transform_indices = @transform_3, window_bounds = array<i64: 3, 1000, 1>}, {transform_indices = @transform_4, window_bounds = array<i64: 3, 1000, 1>}, {transform_indices = @transform_5, window_bounds = array<i64: 3, 1000, 1>}, {pipeline_mode = #tpu.pipeline_mode<synchronous>, transform_indices = @transform_6, window_bounds = array<i64: 3, 128, 128>}, {pipeline_mode = #tpu.pipeline_mode<synchronous>, transform_indices = @transform_7, window_bounds = array<i64: 3, 1, 128>}, {transform_indices = @transform_8, window_bounds = array<i64: 3, 1000, 64>}, {transform_indices = @transform_9, window_bounds = array<i64: 3, 1000, 64>}]} {
    %get3A = arith.constant 0 : index
    %get3A_0 = arith.constant 0 : index
    %get3A_1 = arith.constant 0 : index
    %get3A_2 = arith.constant 0 : index
    %get3A_3 = vector.load %arg1[%get3A, %get3A_0, %get3A_1, %get3A_2] : memref<1x3x1000x64xf32, #tpu.memory_space<vmem>>, vector<1x3x1000x64xf32>
    %get3A_4 = vector.shape_cast %get3A_3 : vector<1x3x1000x64xf32> to vector<3x1000x64xf32>
    %get3A_5 = arith.constant 0 : index
    %get3A_6 = arith.constant 0 : index
    %get3A_7 = arith.constant 0 : index
    %get3A_8 = arith.constant 0 : index
    %get3A_9 = vector.load %arg2[%get3A_5, %get3A_6, %get3A_7, %get3A_8] : memref<1x3x1000x64xf32, #tpu.memory_space<vmem>>, vector<1x3x1000x64xf32>
    %get3A_10 = vector.shape_cast %get3A_9 : vector<1x3x1000x64xf32> to vector<3x1000x64xf32>
    %concatenate3A = tpu.concatenate %get3A_4, %get3A_10 in 2 : vector<3x1000x64xf32>, vector<3x1000x64xf32> -> vector<3x1000x128xf32>
    %get3A_11 = arith.constant 0 : index
    %get3A_12 = arith.constant 0 : index
    %get3A_13 = arith.constant 0 : index
    %get3A_14 = vector.load %arg3[%get3A_11, %get3A_12, %get3A_13] : memref<3x1000x1xf32, #tpu.memory_space<vmem>>, vector<3x1000x1xf32>
    %get3A_15 = arith.constant 0 : index
    %get3A_16 = arith.constant 0 : index
    %get3A_17 = arith.constant 0 : index
    %get3A_18 = vector.load %arg4[%get3A_15, %get3A_16, %get3A_17] : memref<3x1000x1xf32, #tpu.memory_space<vmem>>, vector<3x1000x1xf32>
    %add3A = arith.addf %get3A_14, %get3A_18 : vector<3x1000x1xf32>
    %max3A = arith.constant 1.000000e+00 : f32
    %max3A_19 = vector.broadcast %max3A : f32 to vector<3x1000x1xf32>
    %max3A_20 = arith.maximumf %add3A, %max3A_19 : vector<3x1000x1xf32>
    %rsqrt3A = math.rsqrt %max3A_20 : vector<3x1000x1xf32>
    %broadcast_in_dim3A = arith.constant 0.000000e+00 : f32
    %broadcast_in_dim3A_21 = vector.broadcast %broadcast_in_dim3A : f32 to vector<1000x128xf32>
    %slice3A = vector.extract_strided_slice %concatenate3A {offsets = [0, 0, 0], sizes = [1, 1000, 128], strides = [1, 1, 1]} : vector<3x1000x128xf32> to vector<1x1000x128xf32>
    %squeeze3A = vector.shape_cast %slice3A : vector<1x1000x128xf32> to vector<1000x128xf32>
    %slice3A_22 = vector.extract_strided_slice %rsqrt3A {offsets = [0, 0, 0], sizes = [1, 1000, 1], strides = [1, 1, 1]} : vector<3x1000x1xf32> to vector<1x1000x1xf32>
    %squeeze3A_23 = vector.shape_cast %slice3A_22 : vector<1x1000x1xf32> to vector<1000x1xf32>
    %mul3A = vector.broadcast %squeeze3A_23 : vector<1000x1xf32> to vector<1000x128xf32>
    %mul3A_24 = arith.mulf %squeeze3A, %mul3A : vector<1000x128xf32>
    %get3A_25 = arith.constant 0 : index
    %get3A_26 = arith.constant 0 : index
    %get3A_27 = arith.constant 0 : index
    %get3A_28 = vector.load %arg7[%get3A_25, %get3A_26, %get3A_27] : memref<3x128x128xf32, #tpu.memory_space<vmem>>, vector<1x128x128xf32>
    %get3A_29 = vector.shape_cast %get3A_28 : vector<1x128x128xf32> to vector<128x128xf32>
    %dot_general3A = arith.constant dense<0.000000e+00> : vector<1000x128xf32>
    %dot_general3A_30 = tpu.matmul %mul3A_24, %get3A_29, %dot_general3A {dimension_numbers = #tpu.dot_dimension_numbers<[1], [0], [0], [1], [0, 0, 1, 1], [], []>, precision = #tpu.contract_precision<fp32>, transpose_lhs_hint = false} : vector<1000x128xf32>, vector<128x128xf32>, vector<1000x128xf32> -> vector<1000x128xf32>
    %add3A_31 = arith.addf %broadcast_in_dim3A_21, %dot_general3A_30 : vector<1000x128xf32>
    %slice3A_32 = vector.extract_strided_slice %concatenate3A {offsets = [1, 0, 0], sizes = [1, 1000, 128], strides = [1, 1, 1]} : vector<3x1000x128xf32> to vector<1x1000x128xf32>
    %squeeze3A_33 = vector.shape_cast %slice3A_32 : vector<1x1000x128xf32> to vector<1000x128xf32>
    %slice3A_34 = vector.extract_strided_slice %rsqrt3A {offsets = [1, 0, 0], sizes = [1, 1000, 1], strides = [1, 1, 1]} : vector<3x1000x1xf32> to vector<1x1000x1xf32>
    %squeeze3A_35 = vector.shape_cast %slice3A_34 : vector<1x1000x1xf32> to vector<1000x1xf32>
    %mul3A_36 = vector.broadcast %squeeze3A_35 : vector<1000x1xf32> to vector<1000x128xf32>
    %mul3A_37 = arith.mulf %squeeze3A_33, %mul3A_36 : vector<1000x128xf32>
    %get3A_38 = arith.constant 1 : index
    %get3A_39 = arith.constant 0 : index
    %get3A_40 = arith.constant 0 : index
    %get3A_41 = vector.load %arg7[%get3A_38, %get3A_39, %get3A_40] : memref<3x128x128xf32, #tpu.memory_space<vmem>>, vector<1x128x128xf32>
    %get3A_42 = vector.shape_cast %get3A_41 : vector<1x128x128xf32> to vector<128x128xf32>
    %dot_general3A_43 = arith.constant dense<0.000000e+00> : vector<1000x128xf32>
    %dot_general3A_44 = tpu.matmul %mul3A_37, %get3A_42, %dot_general3A_43 {dimension_numbers = #tpu.dot_dimension_numbers<[1], [0], [0], [1], [0, 0, 1, 1], [], []>, precision = #tpu.contract_precision<fp32>, transpose_lhs_hint = false} : vector<1000x128xf32>, vector<128x128xf32>, vector<1000x128xf32> -> vector<1000x128xf32>
    %add3A_45 = arith.addf %add3A_31, %dot_general3A_44 : vector<1000x128xf32>
    %slice3A_46 = vector.extract_strided_slice %concatenate3A {offsets = [2, 0, 0], sizes = [1, 1000, 128], strides = [1, 1, 1]} : vector<3x1000x128xf32> to vector<1x1000x128xf32>
    %squeeze3A_47 = vector.shape_cast %slice3A_46 : vector<1x1000x128xf32> to vector<1000x128xf32>
    %slice3A_48 = vector.extract_strided_slice %rsqrt3A {offsets = [2, 0, 0], sizes = [1, 1000, 1], strides = [1, 1, 1]} : vector<3x1000x1xf32> to vector<1x1000x1xf32>
    %squeeze3A_49 = vector.shape_cast %slice3A_48 : vector<1x1000x1xf32> to vector<1000x1xf32>
    %mul3A_50 = vector.broadcast %squeeze3A_49 : vector<1000x1xf32> to vector<1000x128xf32>
    %mul3A_51 = arith.mulf %squeeze3A_47, %mul3A_50 : vector<1000x128xf32>
    %get3A_52 = arith.constant 2 : index
    %get3A_53 = arith.constant 0 : index
    %get3A_54 = arith.constant 0 : index
    %get3A_55 = vector.load %arg7[%get3A_52, %get3A_53, %get3A_54] : memref<3x128x128xf32, #tpu.memory_space<vmem>>, vector<1x128x128xf32>
    %get3A_56 = vector.shape_cast %get3A_55 : vector<1x128x128xf32> to vector<128x128xf32>
    %dot_general3A_57 = arith.constant dense<0.000000e+00> : vector<1000x128xf32>
    %dot_general3A_58 = tpu.matmul %mul3A_51, %get3A_56, %dot_general3A_57 {dimension_numbers = #tpu.dot_dimension_numbers<[1], [0], [0], [1], [0, 0, 1, 1], [], []>, precision = #tpu.contract_precision<fp32>, transpose_lhs_hint = false} : vector<1000x128xf32>, vector<128x128xf32>, vector<1000x128xf32> -> vector<1000x128xf32>
    %add3A_59 = arith.addf %add3A_45, %dot_general3A_58 : vector<1000x128xf32>
    %get3A_60 = arith.constant 0 : index
    %get3A_61 = arith.constant 0 : index
    %get3A_62 = arith.constant 0 : index
    %get3A_63 = vector.load %arg8[%get3A_60, %get3A_61, %get3A_62] : memref<3x1x128xf32, #tpu.memory_space<vmem>>, vector<3x1x128xf32>
    %reduce_sum3A = arith.constant dense<0.000000e+00> : vector<1x128xf32>
    %reduce_sum3A_64 = vector.multi_reduction <add>, %get3A_63, %reduce_sum3A [0] : vector<3x1x128xf32> to vector<1x128xf32>
    %add3A_65 = vector.broadcast %reduce_sum3A_64 : vector<1x128xf32> to vector<1000x128xf32>
    %add3A_66 = arith.addf %add3A_59, %add3A_65 : vector<1000x128xf32>
    %max3A_67 = arith.constant 0.000000e+00 : f32
    %max3A_68 = vector.broadcast %max3A_67 : f32 to vector<1000x128xf32>
    %max3A_69 = arith.maximumf %add3A_66, %max3A_68 : vector<1000x128xf32>
    %get3A_70 = arith.constant 0 : index
    %get3A_71 = arith.constant 0 : index
    %get3A_72 = arith.constant 0 : index
    %get3A_73 = vector.load %arg5[%get3A_70, %get3A_71, %get3A_72] : memref<3x1000x1xf32, #tpu.memory_space<vmem>>, vector<3x1000x1xf32>
    %get3A_74 = arith.constant 0 : index
    %get3A_75 = arith.constant 0 : index
    %get3A_76 = arith.constant 0 : index
    %get3A_77 = vector.load %arg6[%get3A_74, %get3A_75, %get3A_76] : memref<3x1000x1xf32, #tpu.memory_space<vmem>>, vector<3x1000x1xf32>
    %add3A_78 = arith.addf %get3A_73, %get3A_77 : vector<3x1000x1xf32>
    %max3A_79 = arith.constant 1.000000e+00 : f32
    %max3A_80 = vector.broadcast %max3A_79 : f32 to vector<3x1000x1xf32>
    %max3A_81 = arith.maximumf %add3A_78, %max3A_80 : vector<3x1000x1xf32>
    %rsqrt3A_82 = math.rsqrt %max3A_81 : vector<3x1000x1xf32>
    %broadcast_in_dim3A_83 = vector.shape_cast %max3A_69 : vector<1000x128xf32> to vector<1x1000x128xf32>
    %mul3A_84 = vector.broadcast %broadcast_in_dim3A_83 : vector<1x1000x128xf32> to vector<3x1000x128xf32>
    %mul3A_85 = vector.broadcast %rsqrt3A_82 : vector<3x1000x1xf32> to vector<3x1000x128xf32>
    %mul3A_86 = arith.mulf %mul3A_84, %mul3A_85 : vector<3x1000x128xf32>
    %slice3A_87 = vector.extract_strided_slice %mul3A_86 {offsets = [0, 0, 0], sizes = [3, 1000, 64], strides = [1, 1, 1]} : vector<3x1000x128xf32> to vector<3x1000x64xf32>
    %swap3A = arith.constant 0 : index
    %swap3A_88 = arith.constant 0 : index
    %swap3A_89 = arith.constant 0 : index
    %swap3A_90 = vector.load %arg9[%swap3A, %swap3A_88, %swap3A_89] : memref<3x1000x64xf32, #tpu.memory_space<vmem>>, vector<3x1000x64xf32>
    tpu.vector_store %arg9[%swap3A, %swap3A_88, %swap3A_89], %slice3A_87 {strides = array<i32>} : memref<3x1000x64xf32, #tpu.memory_space<vmem>>, vector<3x1000x64xf32>,
    %slice3A_91 = vector.extract_strided_slice %mul3A_86 {offsets = [0, 0, 64], sizes = [3, 1000, 64], strides = [1, 1, 1]} : vector<3x1000x128xf32> to vector<3x1000x64xf32>
    %swap3A_92 = arith.constant 0 : index
    %swap3A_93 = arith.constant 0 : index
    %swap3A_94 = arith.constant 0 : index
    %swap3A_95 = vector.load %arg10[%swap3A_92, %swap3A_93, %swap3A_94] : memref<3x1000x64xf32, #tpu.memory_space<vmem>>, vector<3x1000x64xf32>
    tpu.vector_store %arg10[%swap3A_92, %swap3A_93, %swap3A_94], %slice3A_91 {strides = array<i32>} : memref<3x1000x64xf32, #tpu.memory_space<vmem>>, vector<3x1000x64xf32>,
    return
  }
  func.func @transform_0(%arg0: i32) -> (i32, i32, i32, i32) {
    %jit3A = arith.constant 5 : i32
    %div3A = arith.divsi %arg0, %jit3A : i32
    %sign3A = arith.constant 0 : i32
    %sign3A_0 = arith.cmpi sgt, %arg0, %sign3A : i32
    %sign3A_1 = arith.extui %sign3A_0 : i1 to i32
    %sign3A_2 = arith.constant 0 : i32
    %sign3A_3 = arith.cmpi slt, %arg0, %sign3A_2 : i32
    %sign3A_4 = arith.extui %sign3A_3 : i1 to i32
    %sign3A_5 = arith.subi %sign3A_1, %sign3A_4 : i32
    %sign3A_6 = arith.constant 0 : i32
    %sign3A_7 = arith.cmpi sgt, %jit3A, %sign3A_6 : i32
    %sign3A_8 = arith.extui %sign3A_7 : i1 to i32
    %sign3A_9 = arith.constant 0 : i32
    %sign3A_10 = arith.cmpi slt, %jit3A, %sign3A_9 : i32
    %sign3A_11 = arith.extui %sign3A_10 : i1 to i32
    %sign3A_12 = arith.subi %sign3A_8, %sign3A_11 : i32
    %ne3A = arith.cmpi ne, %sign3A_5, %sign3A_12 : i32
    %rem3A = arith.remsi %arg0, %jit3A : i32
    %ne3A_13 = arith.constant 0 : i32
    %ne3A_14 = arith.cmpi ne, %rem3A, %ne3A_13 : i32
    %and3A = arith.andi %ne3A, %ne3A_14 : i1
    %sub3A = arith.constant 1 : i32
    %sub3A_15 = arith.subi %div3A, %sub3A : i32
    %select_n3A = arith.select %and3A, %sub3A_15, %div3A : i32
    %jit3A_16 = arith.constant 5 : i32
    %eq3A = arith.constant 0 : i32
    %eq3A_17 = arith.cmpi eq, %jit3A_16, %eq3A : i32
    %jit3A_18 = arith.constant 1 : i32
    %select_n3A_19 = arith.select %eq3A_17, %jit3A_18, %jit3A_16 : i32
    %rem3A_20 = arith.remsi %arg0, %select_n3A_19 : i32
    %ne3A_21 = arith.constant 0 : i32
    %ne3A_22 = arith.cmpi ne, %rem3A_20, %ne3A_21 : i32
    %lt3A = arith.constant 0 : i32
    %lt3A_23 = arith.cmpi slt, %rem3A_20, %lt3A : i32
    %lt3A_24 = arith.constant 0 : i32
    %lt3A_25 = arith.cmpi slt, %select_n3A_19, %lt3A_24 : i32
    %ne3A_26 = arith.xori %lt3A_23, %lt3A_25 : i1
    %and3A_27 = arith.andi %ne3A_26, %ne3A_22 : i1
    %add3A = arith.addi %rem3A_20, %select_n3A_19 : i32
    %select_n3A_28 = arith.select %and3A_27, %add3A, %rem3A_20 : i32
    %c0_i32 = arith.constant 0 : i32
    %c0_i32_29 = arith.constant 0 : i32
    %c0_i32_30 = arith.constant 0 : i32
    return %select_n3A, %c0_i32, %select_n3A_28, %c0_i32_29 : i32, i32, i32, i32
  }
  func.func @transform_1(%arg0: i32) -> (i32, i32, i32, i32) {
    %jit3A = arith.constant 5 : i32
    %div3A = arith.divsi %arg0, %jit3A : i32
    %sign3A = arith.constant 0 : i32
    %sign3A_0 = arith.cmpi sgt, %arg0, %sign3A : i32
    %sign3A_1 = arith.extui %sign3A_0 : i1 to i32
    %sign3A_2 = arith.constant 0 : i32
    %sign3A_3 = arith.cmpi slt, %arg0, %sign3A_2 : i32
    %sign3A_4 = arith.extui %sign3A_3 : i1 to i32
    %sign3A_5 = arith.subi %sign3A_1, %sign3A_4 : i32
    %sign3A_6 = arith.constant 0 : i32
    %sign3A_7 = arith.cmpi sgt, %jit3A, %sign3A_6 : i32
    %sign3A_8 = arith.extui %sign3A_7 : i1 to i32
    %sign3A_9 = arith.constant 0 : i32
    %sign3A_10 = arith.cmpi slt, %jit3A, %sign3A_9 : i32
    %sign3A_11 = arith.extui %sign3A_10 : i1 to i32
    %sign3A_12 = arith.subi %sign3A_8, %sign3A_11 : i32
    %ne3A = arith.cmpi ne, %sign3A_5, %sign3A_12 : i32
    %rem3A = arith.remsi %arg0, %jit3A : i32
    %ne3A_13 = arith.constant 0 : i32
    %ne3A_14 = arith.cmpi ne, %rem3A, %ne3A_13 : i32
    %and3A = arith.andi %ne3A, %ne3A_14 : i1
    %sub3A = arith.constant 1 : i32
    %sub3A_15 = arith.subi %div3A, %sub3A : i32
    %select_n3A = arith.select %and3A, %sub3A_15, %div3A : i32
    %jit3A_16 = arith.constant 5 : i32
    %eq3A = arith.constant 0 : i32
    %eq3A_17 = arith.cmpi eq, %jit3A_16, %eq3A : i32
    %jit3A_18 = arith.constant 1 : i32
    %select_n3A_19 = arith.select %eq3A_17, %jit3A_18, %jit3A_16 : i32
    %rem3A_20 = arith.remsi %arg0, %select_n3A_19 : i32
    %ne3A_21 = arith.constant 0 : i32
    %ne3A_22 = arith.cmpi ne, %rem3A_20, %ne3A_21 : i32
    %lt3A = arith.constant 0 : i32
    %lt3A_23 = arith.cmpi slt, %rem3A_20, %lt3A : i32
    %lt3A_24 = arith.constant 0 : i32
    %lt3A_25 = arith.cmpi slt, %select_n3A_19, %lt3A_24 : i32
    %ne3A_26 = arith.xori %lt3A_23, %lt3A_25 : i1
    %and3A_27 = arith.andi %ne3A_26, %ne3A_22 : i1
    %add3A = arith.addi %rem3A_20, %select_n3A_19 : i32
    %select_n3A_28 = arith.select %and3A_27, %add3A, %rem3A_20 : i32
    %c0_i32 = arith.constant 0 : i32
    %c0_i32_29 = arith.constant 0 : i32
    %c0_i32_30 = arith.constant 0 : i32
    return %select_n3A, %c0_i32, %select_n3A_28, %c0_i32_29 : i32, i32, i32, i32
  }
  func.func @transform_2(%arg0: i32) -> (i32, i32, i32) {
    %c0_i32 = arith.constant 0 : i32
    %c0_i32_0 = arith.constant 0 : i32
    %c0_i32_1 = arith.constant 0 : i32
    return %c0_i32, %arg0, %c0_i32_0 : i32, i32, i32
  }
  func.func @transform_3(%arg0: i32) -> (i32, i32, i32) {
    %c0_i32 = arith.constant 0 : i32
    %c0_i32_0 = arith.constant 0 : i32
    %c0_i32_1 = arith.constant 0 : i32
    return %c0_i32, %arg0, %c0_i32_0 : i32, i32, i32
  }
  func.func @transform_4(%arg0: i32) -> (i32, i32, i32) {
    %c0_i32 = arith.constant 0 : i32
    %c0_i32_0 = arith.constant 0 : i32
    %c0_i32_1 = arith.constant 0 : i32
    return %c0_i32, %arg0, %c0_i32_0 : i32, i32, i32
  }
  func.func @transform_5(%arg0: i32) -> (i32, i32, i32) {
    %c0_i32 = arith.constant 0 : i32
    %c0_i32_0 = arith.constant 0 : i32
    %c0_i32_1 = arith.constant 0 : i32
    return %c0_i32, %arg0, %c0_i32_0 : i32, i32, i32
  }
  func.func @transform_6(%arg0: i32) -> (i32, i32, i32) {
    %c0_i32 = arith.constant 0 : i32
    %c0_i32_0 = arith.constant 0 : i32
    %c0_i32_1 = arith.constant 0 : i32
    %c0_i32_2 = arith.constant 0 : i32
    return %c0_i32, %c0_i32_0, %c0_i32_1 : i32, i32, i32
  }
  func.func @transform_7(%arg0: i32) -> (i32, i32, i32) {
    %c0_i32 = arith.constant 0 : i32
    %c0_i32_0 = arith.constant 0 : i32
    %c0_i32_1 = arith.constant 0 : i32
    %c0_i32_2 = arith.constant 0 : i32
    return %c0_i32, %c0_i32_0, %c0_i32_1 : i32, i32, i32
  }
  func.func @transform_8(%arg0: i32) -> (i32, i32, i32) {
    %c0_i32 = arith.constant 0 : i32
    %c0_i32_0 = arith.constant 0 : i32
    %c0_i32_1 = arith.constant 0 : i32
    return %c0_i32, %arg0, %c0_i32_0 : i32, i32, i32
  }
  func.func @transform_9(%arg0: i32) -> (i32, i32, i32) {
    %c0_i32 = arith.constant 0 : i32
    %c0_i32_0 = arith.constant 0 : i32
    %c0_i32_1 = arith.constant 0 : i32
    return %c0_i32, %arg0, %c0_i32_0 : i32, i32, i32
  }
}

module attributes {stable_mosaic.version = 14 : i64} {
  func.func @_k6_body(%arg0: i32, %arg1: memref<1x3x1000x64xf32, #tpu.memory_space<vmem>>, %arg2: memref<1x3x1000x64xf32, #tpu.memory_space<vmem>>, %arg3: memref<3x1000x1xf32, #tpu.memory_space<vmem>>, %arg4: memref<3x1000x1xf32, #tpu.memory_space<vmem>>, %arg5: memref<3x128x128xf32, #tpu.memory_space<vmem>>, %arg6: memref<3x1x128xf32, #tpu.memory_space<vmem>>, %arg7: memref<1000x1xi32, #tpu.memory_space<vmem>>, %arg8: memref<64x128xf32, #tpu.memory_space<vmem>>, %arg9: memref<64x128xf32, #tpu.memory_space<vmem>>, %arg10: memref<64x128xf32, #tpu.memory_space<vmem>>) attributes {dimension_semantics = [#tpu.dimension_semantics<arbitrary>], iteration_bounds = array<i64: 10>, scalar_prefetch = 0 : i64, scratch_operands = 2 : i64, tpu.core_type = #tpu.core_type<tc>, window_params = [{transform_indices = @transform_0, window_bounds = array<i64: 1, 3, 1000, 64>}, {transform_indices = @transform_1, window_bounds = array<i64: 1, 3, 1000, 64>}, {transform_indices = @transform_2, window_bounds = array<i64: 3, 1000, 1>}, {transform_indices = @transform_3, window_bounds = array<i64: 3, 1000, 1>}, {pipeline_mode = #tpu.pipeline_mode<synchronous>, transform_indices = @transform_4, window_bounds = array<i64: 3, 128, 128>}, {pipeline_mode = #tpu.pipeline_mode<synchronous>, transform_indices = @transform_5, window_bounds = array<i64: 3, 1, 128>}, {transform_indices = @transform_6, window_bounds = array<i64: 1000, 1>}, {pipeline_mode = #tpu.pipeline_mode<synchronous>, transform_indices = @transform_7, window_bounds = array<i64: 64, 128>}]} {
    %get3A = arith.constant 0 : index
    %get3A_0 = arith.constant 0 : index
    %get3A_1 = arith.constant 0 : index
    %get3A_2 = arith.constant 0 : index
    %get3A_3 = vector.load %arg1[%get3A, %get3A_0, %get3A_1, %get3A_2] : memref<1x3x1000x64xf32, #tpu.memory_space<vmem>>, vector<1x3x1000x64xf32>
    %get3A_4 = vector.shape_cast %get3A_3 : vector<1x3x1000x64xf32> to vector<3x1000x64xf32>
    %get3A_5 = arith.constant 0 : index
    %get3A_6 = arith.constant 0 : index
    %get3A_7 = arith.constant 0 : index
    %get3A_8 = arith.constant 0 : index
    %get3A_9 = vector.load %arg2[%get3A_5, %get3A_6, %get3A_7, %get3A_8] : memref<1x3x1000x64xf32, #tpu.memory_space<vmem>>, vector<1x3x1000x64xf32>
    %get3A_10 = vector.shape_cast %get3A_9 : vector<1x3x1000x64xf32> to vector<3x1000x64xf32>
    %concatenate3A = tpu.concatenate %get3A_4, %get3A_10 in 2 : vector<3x1000x64xf32>, vector<3x1000x64xf32> -> vector<3x1000x128xf32>
    %get3A_11 = arith.constant 0 : index
    %get3A_12 = arith.constant 0 : index
    %get3A_13 = arith.constant 0 : index
    %get3A_14 = vector.load %arg3[%get3A_11, %get3A_12, %get3A_13] : memref<3x1000x1xf32, #tpu.memory_space<vmem>>, vector<3x1000x1xf32>
    %get3A_15 = arith.constant 0 : index
    %get3A_16 = arith.constant 0 : index
    %get3A_17 = arith.constant 0 : index
    %get3A_18 = vector.load %arg4[%get3A_15, %get3A_16, %get3A_17] : memref<3x1000x1xf32, #tpu.memory_space<vmem>>, vector<3x1000x1xf32>
    %add3A = arith.addf %get3A_14, %get3A_18 : vector<3x1000x1xf32>
    %max3A = arith.constant 1.000000e+00 : f32
    %max3A_19 = vector.broadcast %max3A : f32 to vector<3x1000x1xf32>
    %max3A_20 = arith.maximumf %add3A, %max3A_19 : vector<3x1000x1xf32>
    %rsqrt3A = math.rsqrt %max3A_20 : vector<3x1000x1xf32>
    %broadcast_in_dim3A = arith.constant 0.000000e+00 : f32
    %broadcast_in_dim3A_21 = vector.broadcast %broadcast_in_dim3A : f32 to vector<1000x128xf32>
    %slice3A = vector.extract_strided_slice %concatenate3A {offsets = [0, 0, 0], sizes = [1, 1000, 128], strides = [1, 1, 1]} : vector<3x1000x128xf32> to vector<1x1000x128xf32>
    %squeeze3A = vector.shape_cast %slice3A : vector<1x1000x128xf32> to vector<1000x128xf32>
    %slice3A_22 = vector.extract_strided_slice %rsqrt3A {offsets = [0, 0, 0], sizes = [1, 1000, 1], strides = [1, 1, 1]} : vector<3x1000x1xf32> to vector<1x1000x1xf32>
    %squeeze3A_23 = vector.shape_cast %slice3A_22 : vector<1x1000x1xf32> to vector<1000x1xf32>
    %mul3A = vector.broadcast %squeeze3A_23 : vector<1000x1xf32> to vector<1000x128xf32>
    %mul3A_24 = arith.mulf %squeeze3A, %mul3A : vector<1000x128xf32>
    %get3A_25 = arith.constant 0 : index
    %get3A_26 = arith.constant 0 : index
    %get3A_27 = arith.constant 0 : index
    %get3A_28 = vector.load %arg5[%get3A_25, %get3A_26, %get3A_27] : memref<3x128x128xf32, #tpu.memory_space<vmem>>, vector<1x128x128xf32>
    %get3A_29 = vector.shape_cast %get3A_28 : vector<1x128x128xf32> to vector<128x128xf32>
    %dot_general3A = arith.constant dense<0.000000e+00> : vector<1000x128xf32>
    %dot_general3A_30 = tpu.matmul %mul3A_24, %get3A_29, %dot_general3A {dimension_numbers = #tpu.dot_dimension_numbers<[1], [0], [0], [1], [0, 0, 1, 1], [], []>, precision = #tpu.contract_precision<fp32>, transpose_lhs_hint = false} : vector<1000x128xf32>, vector<128x128xf32>, vector<1000x128xf32> -> vector<1000x128xf32>
    %add3A_31 = arith.addf %broadcast_in_dim3A_21, %dot_general3A_30 : vector<1000x128xf32>
    %slice3A_32 = vector.extract_strided_slice %concatenate3A {offsets = [1, 0, 0], sizes = [1, 1000, 128], strides = [1, 1, 1]} : vector<3x1000x128xf32> to vector<1x1000x128xf32>
    %squeeze3A_33 = vector.shape_cast %slice3A_32 : vector<1x1000x128xf32> to vector<1000x128xf32>
    %slice3A_34 = vector.extract_strided_slice %rsqrt3A {offsets = [1, 0, 0], sizes = [1, 1000, 1], strides = [1, 1, 1]} : vector<3x1000x1xf32> to vector<1x1000x1xf32>
    %squeeze3A_35 = vector.shape_cast %slice3A_34 : vector<1x1000x1xf32> to vector<1000x1xf32>
    %mul3A_36 = vector.broadcast %squeeze3A_35 : vector<1000x1xf32> to vector<1000x128xf32>
    %mul3A_37 = arith.mulf %squeeze3A_33, %mul3A_36 : vector<1000x128xf32>
    %get3A_38 = arith.constant 1 : index
    %get3A_39 = arith.constant 0 : index
    %get3A_40 = arith.constant 0 : index
    %get3A_41 = vector.load %arg5[%get3A_38, %get3A_39, %get3A_40] : memref<3x128x128xf32, #tpu.memory_space<vmem>>, vector<1x128x128xf32>
    %get3A_42 = vector.shape_cast %get3A_41 : vector<1x128x128xf32> to vector<128x128xf32>
    %dot_general3A_43 = arith.constant dense<0.000000e+00> : vector<1000x128xf32>
    %dot_general3A_44 = tpu.matmul %mul3A_37, %get3A_42, %dot_general3A_43 {dimension_numbers = #tpu.dot_dimension_numbers<[1], [0], [0], [1], [0, 0, 1, 1], [], []>, precision = #tpu.contract_precision<fp32>, transpose_lhs_hint = false} : vector<1000x128xf32>, vector<128x128xf32>, vector<1000x128xf32> -> vector<1000x128xf32>
    %add3A_45 = arith.addf %add3A_31, %dot_general3A_44 : vector<1000x128xf32>
    %slice3A_46 = vector.extract_strided_slice %concatenate3A {offsets = [2, 0, 0], sizes = [1, 1000, 128], strides = [1, 1, 1]} : vector<3x1000x128xf32> to vector<1x1000x128xf32>
    %squeeze3A_47 = vector.shape_cast %slice3A_46 : vector<1x1000x128xf32> to vector<1000x128xf32>
    %slice3A_48 = vector.extract_strided_slice %rsqrt3A {offsets = [2, 0, 0], sizes = [1, 1000, 1], strides = [1, 1, 1]} : vector<3x1000x1xf32> to vector<1x1000x1xf32>
    %squeeze3A_49 = vector.shape_cast %slice3A_48 : vector<1x1000x1xf32> to vector<1000x1xf32>
    %mul3A_50 = vector.broadcast %squeeze3A_49 : vector<1000x1xf32> to vector<1000x128xf32>
    %mul3A_51 = arith.mulf %squeeze3A_47, %mul3A_50 : vector<1000x128xf32>
    %get3A_52 = arith.constant 2 : index
    %get3A_53 = arith.constant 0 : index
    %get3A_54 = arith.constant 0 : index
    %get3A_55 = vector.load %arg5[%get3A_52, %get3A_53, %get3A_54] : memref<3x128x128xf32, #tpu.memory_space<vmem>>, vector<1x128x128xf32>
    %get3A_56 = vector.shape_cast %get3A_55 : vector<1x128x128xf32> to vector<128x128xf32>
    %dot_general3A_57 = arith.constant dense<0.000000e+00> : vector<1000x128xf32>
    %dot_general3A_58 = tpu.matmul %mul3A_51, %get3A_56, %dot_general3A_57 {dimension_numbers = #tpu.dot_dimension_numbers<[1], [0], [0], [1], [0, 0, 1, 1], [], []>, precision = #tpu.contract_precision<fp32>, transpose_lhs_hint = false} : vector<1000x128xf32>, vector<128x128xf32>, vector<1000x128xf32> -> vector<1000x128xf32>
    %add3A_59 = arith.addf %add3A_45, %dot_general3A_58 : vector<1000x128xf32>
    %get3A_60 = arith.constant 0 : index
    %get3A_61 = arith.constant 0 : index
    %get3A_62 = arith.constant 0 : index
    %get3A_63 = vector.load %arg6[%get3A_60, %get3A_61, %get3A_62] : memref<3x1x128xf32, #tpu.memory_space<vmem>>, vector<3x1x128xf32>
    %reduce_sum3A = arith.constant dense<0.000000e+00> : vector<1x128xf32>
    %reduce_sum3A_64 = vector.multi_reduction <add>, %get3A_63, %reduce_sum3A [0] : vector<3x1x128xf32> to vector<1x128xf32>
    %add3A_65 = vector.broadcast %reduce_sum3A_64 : vector<1x128xf32> to vector<1000x128xf32>
    %add3A_66 = arith.addf %add3A_59, %add3A_65 : vector<1000x128xf32>
    %iota3A = tpu.iota {dimensions = array<i32: 1>} : vector<1000x64xi32>
    %get3A_67 = arith.constant 0 : index
    %get3A_68 = arith.constant 0 : index
    %get3A_69 = vector.load %arg7[%get3A_67, %get3A_68] : memref<1000x1xi32, #tpu.memory_space<vmem>>, vector<1000x1xi32>
    %eq3A = vector.broadcast %get3A_69 : vector<1000x1xi32> to vector<1000x64xi32>
    %eq3A_70 = arith.cmpi eq, %eq3A, %iota3A : vector<1000x64xi32>
    %convert_element_type3A = arith.extui %eq3A_70 : vector<1000x64xi1> to vector<1000x64xi32>
    %convert_element_type3A_71 = arith.sitofp %convert_element_type3A : vector<1000x64xi32> to vector<1000x64xf32>
    %dot_general3A_72 = arith.constant dense<0.000000e+00> : vector<64x128xf32>
    %dot_general3A_73 = tpu.matmul %convert_element_type3A_71, %add3A_66, %dot_general3A_72 {dimension_numbers = #tpu.dot_dimension_numbers<[0], [0], [1], [1], [0, 1, 1, 1], [], []>, precision = #tpu.contract_precision<fp32>, transpose_lhs_hint = false} : vector<1000x64xf32>, vector<1000x128xf32>, vector<64x128xf32> -> vector<64x128xf32>
    %broadcast_in_dim3A_74 = arith.constant 1.000000e+00 : f32
    %broadcast_in_dim3A_75 = vector.broadcast %broadcast_in_dim3A_74 : f32 to vector<1000x128xf32>
    %dot_general3A_76 = arith.constant dense<0.000000e+00> : vector<64x128xf32>
    %dot_general3A_77 = tpu.matmul %convert_element_type3A_71, %broadcast_in_dim3A_75, %dot_general3A_76 {dimension_numbers = #tpu.dot_dimension_numbers<[0], [0], [1], [1], [0, 1, 1, 1], [], []>, precision = #tpu.contract_precision<fp32>, transpose_lhs_hint = false} : vector<1000x64xf32>, vector<1000x128xf32>, vector<64x128xf32> -> vector<64x128xf32>
    %eq3A_78 = arith.constant 0 : i32
    %eq3A_79 = arith.cmpi eq, %arg0, %eq3A_78 : i32
    %convert_element_type3A_80 = arith.extui %eq3A_79 : i1 to i32
    %cond3A = arith.constant 0 : i32
    %cond3A_81 = arith.cmpi ne, %convert_element_type3A_80, %cond3A : i32
    scf.if %cond3A_81 {
      %swap3A = arith.constant 0 : index
      %swap3A_91 = arith.constant 0 : index
      %swap3A_92 = vector.load %arg9[%swap3A, %swap3A_91] : memref<64x128xf32, #tpu.memory_space<vmem>>, vector<64x128xf32>
      tpu.vector_store %arg9[%swap3A, %swap3A_91], %dot_general3A_73 {strides = array<i32>} : memref<64x128xf32, #tpu.memory_space<vmem>>, vector<64x128xf32>,
      %swap3A_93 = arith.constant 0 : index
      %swap3A_94 = arith.constant 0 : index
      %swap3A_95 = vector.load %arg10[%swap3A_93, %swap3A_94] : memref<64x128xf32, #tpu.memory_space<vmem>>, vector<64x128xf32>
      tpu.vector_store %arg10[%swap3A_93, %swap3A_94], %dot_general3A_77 {strides = array<i32>} : memref<64x128xf32, #tpu.memory_space<vmem>>, vector<64x128xf32>,
    } else {
    }
    %gt3A = arith.constant 0 : i32
    %gt3A_82 = arith.cmpi sgt, %arg0, %gt3A : i32
    %convert_element_type3A_83 = arith.extui %gt3A_82 : i1 to i32
    %cond3A_84 = arith.constant 0 : i32
    %cond3A_85 = arith.cmpi ne, %convert_element_type3A_83, %cond3A_84 : i32
    scf.if %cond3A_85 {
      %get3A_91 = arith.constant 0 : index
      %get3A_92 = arith.constant 0 : index
      %get3A_93 = vector.load %arg9[%get3A_91, %get3A_92] : memref<64x128xf32, #tpu.memory_space<vmem>>, vector<64x128xf32>
      %add3A_94 = arith.addf %get3A_93, %dot_general3A_73 : vector<64x128xf32>
      %swap3A = arith.constant 0 : index
      %swap3A_95 = arith.constant 0 : index
      %swap3A_96 = vector.load %arg9[%swap3A, %swap3A_95] : memref<64x128xf32, #tpu.memory_space<vmem>>, vector<64x128xf32>
      tpu.vector_store %arg9[%swap3A, %swap3A_95], %add3A_94 {strides = array<i32>} : memref<64x128xf32, #tpu.memory_space<vmem>>, vector<64x128xf32>,
      %get3A_97 = arith.constant 0 : index
      %get3A_98 = arith.constant 0 : index
      %get3A_99 = vector.load %arg10[%get3A_97, %get3A_98] : memref<64x128xf32, #tpu.memory_space<vmem>>, vector<64x128xf32>
      %add3A_100 = arith.addf %get3A_99, %dot_general3A_77 : vector<64x128xf32>
      %swap3A_101 = arith.constant 0 : index
      %swap3A_102 = arith.constant 0 : index
      %swap3A_103 = vector.load %arg10[%swap3A_101, %swap3A_102] : memref<64x128xf32, #tpu.memory_space<vmem>>, vector<64x128xf32>
      tpu.vector_store %arg10[%swap3A_101, %swap3A_102], %add3A_100 {strides = array<i32>} : memref<64x128xf32, #tpu.memory_space<vmem>>, vector<64x128xf32>,
    } else {
    }
    %eq3A_86 = arith.constant 9 : i32
    %eq3A_87 = arith.cmpi eq, %arg0, %eq3A_86 : i32
    %convert_element_type3A_88 = arith.extui %eq3A_87 : i1 to i32
    %cond3A_89 = arith.constant 0 : i32
    %cond3A_90 = arith.cmpi ne, %convert_element_type3A_88, %cond3A_89 : i32
    scf.if %cond3A_90 {
      %get3A_91 = arith.constant 0 : index
      %get3A_92 = arith.constant 0 : index
      %get3A_93 = vector.load %arg9[%get3A_91, %get3A_92] : memref<64x128xf32, #tpu.memory_space<vmem>>, vector<64x128xf32>
      %get3A_94 = arith.constant 0 : index
      %get3A_95 = arith.constant 0 : index
      %get3A_96 = vector.load %arg10[%get3A_94, %get3A_95] : memref<64x128xf32, #tpu.memory_space<vmem>>, vector<64x128xf32>
      %max3A_97 = arith.constant 1.000000e+00 : f32
      %max3A_98 = vector.broadcast %max3A_97 : f32 to vector<64x128xf32>
      %max3A_99 = arith.maximumf %get3A_96, %max3A_98 : vector<64x128xf32>
      %div3A = arith.divf %get3A_93, %max3A_99 : vector<64x128xf32>
      %swap3A = arith.constant 0 : index
      %swap3A_100 = arith.constant 0 : index
      %swap3A_101 = vector.load %arg8[%swap3A, %swap3A_100] : memref<64x128xf32, #tpu.memory_space<vmem>>, vector<64x128xf32>
      tpu.vector_store %arg8[%swap3A, %swap3A_100], %div3A {strides = array<i32>} : memref<64x128xf32, #tpu.memory_space<vmem>>, vector<64x128xf32>,
    } else {
    }
    return
  }
  func.func @transform_0(%arg0: i32) -> (i32, i32, i32, i32) {
    %jit3A = arith.constant 5 : i32
    %div3A = arith.divsi %arg0, %jit3A : i32
    %sign3A = arith.constant 0 : i32
    %sign3A_0 = arith.cmpi sgt, %arg0, %sign3A : i32
    %sign3A_1 = arith.extui %sign3A_0 : i1 to i32
    %sign3A_2 = arith.constant 0 : i32
    %sign3A_3 = arith.cmpi slt, %arg0, %sign3A_2 : i32
    %sign3A_4 = arith.extui %sign3A_3 : i1 to i32
    %sign3A_5 = arith.subi %sign3A_1, %sign3A_4 : i32
    %sign3A_6 = arith.constant 0 : i32
    %sign3A_7 = arith.cmpi sgt, %jit3A, %sign3A_6 : i32
    %sign3A_8 = arith.extui %sign3A_7 : i1 to i32
    %sign3A_9 = arith.constant 0 : i32
    %sign3A_10 = arith.cmpi slt, %jit3A, %sign3A_9 : i32
    %sign3A_11 = arith.extui %sign3A_10 : i1 to i32
    %sign3A_12 = arith.subi %sign3A_8, %sign3A_11 : i32
    %ne3A = arith.cmpi ne, %sign3A_5, %sign3A_12 : i32
    %rem3A = arith.remsi %arg0, %jit3A : i32
    %ne3A_13 = arith.constant 0 : i32
    %ne3A_14 = arith.cmpi ne, %rem3A, %ne3A_13 : i32
    %and3A = arith.andi %ne3A, %ne3A_14 : i1
    %sub3A = arith.constant 1 : i32
    %sub3A_15 = arith.subi %div3A, %sub3A : i32
    %select_n3A = arith.select %and3A, %sub3A_15, %div3A : i32
    %jit3A_16 = arith.constant 5 : i32
    %eq3A = arith.constant 0 : i32
    %eq3A_17 = arith.cmpi eq, %jit3A_16, %eq3A : i32
    %jit3A_18 = arith.constant 1 : i32
    %select_n3A_19 = arith.select %eq3A_17, %jit3A_18, %jit3A_16 : i32
    %rem3A_20 = arith.remsi %arg0, %select_n3A_19 : i32
    %ne3A_21 = arith.constant 0 : i32
    %ne3A_22 = arith.cmpi ne, %rem3A_20, %ne3A_21 : i32
    %lt3A = arith.constant 0 : i32
    %lt3A_23 = arith.cmpi slt, %rem3A_20, %lt3A : i32
    %lt3A_24 = arith.constant 0 : i32
    %lt3A_25 = arith.cmpi slt, %select_n3A_19, %lt3A_24 : i32
    %ne3A_26 = arith.xori %lt3A_23, %lt3A_25 : i1
    %and3A_27 = arith.andi %ne3A_26, %ne3A_22 : i1
    %add3A = arith.addi %rem3A_20, %select_n3A_19 : i32
    %select_n3A_28 = arith.select %and3A_27, %add3A, %rem3A_20 : i32
    %c0_i32 = arith.constant 0 : i32
    %c0_i32_29 = arith.constant 0 : i32
    %c0_i32_30 = arith.constant 0 : i32
    return %select_n3A, %c0_i32, %select_n3A_28, %c0_i32_29 : i32, i32, i32, i32
  }
  func.func @transform_1(%arg0: i32) -> (i32, i32, i32, i32) {
    %jit3A = arith.constant 5 : i32
    %div3A = arith.divsi %arg0, %jit3A : i32
    %sign3A = arith.constant 0 : i32
    %sign3A_0 = arith.cmpi sgt, %arg0, %sign3A : i32
    %sign3A_1 = arith.extui %sign3A_0 : i1 to i32
    %sign3A_2 = arith.constant 0 : i32
    %sign3A_3 = arith.cmpi slt, %arg0, %sign3A_2 : i32
    %sign3A_4 = arith.extui %sign3A_3 : i1 to i32
    %sign3A_5 = arith.subi %sign3A_1, %sign3A_4 : i32
    %sign3A_6 = arith.constant 0 : i32
    %sign3A_7 = arith.cmpi sgt, %jit3A, %sign3A_6 : i32
    %sign3A_8 = arith.extui %sign3A_7 : i1 to i32
    %sign3A_9 = arith.constant 0 : i32
    %sign3A_10 = arith.cmpi slt, %jit3A, %sign3A_9 : i32
    %sign3A_11 = arith.extui %sign3A_10 : i1 to i32
    %sign3A_12 = arith.subi %sign3A_8, %sign3A_11 : i32
    %ne3A = arith.cmpi ne, %sign3A_5, %sign3A_12 : i32
    %rem3A = arith.remsi %arg0, %jit3A : i32
    %ne3A_13 = arith.constant 0 : i32
    %ne3A_14 = arith.cmpi ne, %rem3A, %ne3A_13 : i32
    %and3A = arith.andi %ne3A, %ne3A_14 : i1
    %sub3A = arith.constant 1 : i32
    %sub3A_15 = arith.subi %div3A, %sub3A : i32
    %select_n3A = arith.select %and3A, %sub3A_15, %div3A : i32
    %jit3A_16 = arith.constant 5 : i32
    %eq3A = arith.constant 0 : i32
    %eq3A_17 = arith.cmpi eq, %jit3A_16, %eq3A : i32
    %jit3A_18 = arith.constant 1 : i32
    %select_n3A_19 = arith.select %eq3A_17, %jit3A_18, %jit3A_16 : i32
    %rem3A_20 = arith.remsi %arg0, %select_n3A_19 : i32
    %ne3A_21 = arith.constant 0 : i32
    %ne3A_22 = arith.cmpi ne, %rem3A_20, %ne3A_21 : i32
    %lt3A = arith.constant 0 : i32
    %lt3A_23 = arith.cmpi slt, %rem3A_20, %lt3A : i32
    %lt3A_24 = arith.constant 0 : i32
    %lt3A_25 = arith.cmpi slt, %select_n3A_19, %lt3A_24 : i32
    %ne3A_26 = arith.xori %lt3A_23, %lt3A_25 : i1
    %and3A_27 = arith.andi %ne3A_26, %ne3A_22 : i1
    %add3A = arith.addi %rem3A_20, %select_n3A_19 : i32
    %select_n3A_28 = arith.select %and3A_27, %add3A, %rem3A_20 : i32
    %c0_i32 = arith.constant 0 : i32
    %c0_i32_29 = arith.constant 0 : i32
    %c0_i32_30 = arith.constant 0 : i32
    return %select_n3A, %c0_i32, %select_n3A_28, %c0_i32_29 : i32, i32, i32, i32
  }
  func.func @transform_2(%arg0: i32) -> (i32, i32, i32) {
    %c0_i32 = arith.constant 0 : i32
    %c0_i32_0 = arith.constant 0 : i32
    %c0_i32_1 = arith.constant 0 : i32
    return %c0_i32, %arg0, %c0_i32_0 : i32, i32, i32
  }
  func.func @transform_3(%arg0: i32) -> (i32, i32, i32) {
    %c0_i32 = arith.constant 0 : i32
    %c0_i32_0 = arith.constant 0 : i32
    %c0_i32_1 = arith.constant 0 : i32
    return %c0_i32, %arg0, %c0_i32_0 : i32, i32, i32
  }
  func.func @transform_4(%arg0: i32) -> (i32, i32, i32) {
    %c0_i32 = arith.constant 0 : i32
    %c0_i32_0 = arith.constant 0 : i32
    %c0_i32_1 = arith.constant 0 : i32
    %c0_i32_2 = arith.constant 0 : i32
    return %c0_i32, %c0_i32_0, %c0_i32_1 : i32, i32, i32
  }
  func.func @transform_5(%arg0: i32) -> (i32, i32, i32) {
    %c0_i32 = arith.constant 0 : i32
    %c0_i32_0 = arith.constant 0 : i32
    %c0_i32_1 = arith.constant 0 : i32
    %c0_i32_2 = arith.constant 0 : i32
    return %c0_i32, %c0_i32_0, %c0_i32_1 : i32, i32, i32
  }
  func.func @transform_6(%arg0: i32) -> (i32, i32) {
    %c0_i32 = arith.constant 0 : i32
    %c0_i32_0 = arith.constant 0 : i32
    return %arg0, %c0_i32 : i32, i32
  }
  func.func @transform_7(%arg0: i32) -> (i32, i32) {
    %c0_i32 = arith.constant 0 : i32
    %c0_i32_0 = arith.constant 0 : i32
    %c0_i32_1 = arith.constant 0 : i32
    return %c0_i32, %c0_i32_0 : i32, i32
  }
}

</mosaic_0001>

<sc_bundles>
// kernel: kernel.11.cloned.1.call-start
scs
__scs_entry_jumppad:
0x0: {  	(pc) =	sbr.rel $0x88, $3  }
0x1: {  	(tag) =	ssettag $0x0;
	lr =	simm.s32 $0x1  }
0x2: {  	[smem:$0x3F99] =	sst lr;
	_ =	strace $0xD0000000  }
0x3: {  	_ = 	snop  }
0x4: {  	_ = 	snop  }
0x5: {  	_ = 	snop  }
0x6: {  	_ = 	snop  }
0x7: {  	_ = 	snop  }
__scs_overlays_trampoline_lowered:
0x8: {  	[smem:$0x3FA8] =	sst s0  }
0x9: {  	[smem:$0x3FA9] =	sst s1  }
0xa: {  	[smem:$0x3FAA] =	sst s2  }
0xb: {  	[smem:$0x3FAB] =	sst s3  }
0xc: {  	[smem:$0x3FAC] =	sst s4  }
0xd: {  	[smem:$0x3FAD] =	sst s5  }
0xe: {  	[smem:$0x3FAE] =	sst s6  }
0xf: {  	[smem:$0x3FAF] =	sst s7  }
0x10: {  	[smem:$0x3FB0] =	sst s8  }
0x11: {  	[smem:$0x3FB1] =	sst s9;
	s0 =	simm.s32 @!p0 $0x0  }
0x12: {  	s1 =	sld [smem:$0x3F97];
	s0 =	simm.s32 @p0 $0x1  }
0x13: {  	[smem:$0x3FB2] =	sst s0;
	s0 =	simm.s32 @!p1 $0x0  }
0x14: {  	s2 =	sld [smem:$0x3F96];
	s0 =	simm.s32 @p1 $0x1  }
0x15: {  	[smem:$0x3FB3] =	sst s0;
	s0 =	simm.s32 @!p2 $0x0  }
0x16: {  	s3 =	sld [smem:$0x3FDB];
	s0 =	simm.s32 @p2 $0x1  }
0x17: {  	s4 =	simm.s32 $0x1BF5;
	[smem:$0x3FB5] =	sst s0  }
0x18: {  	s0 =	sld [smem:$0x3F98];
	_ =	swait.ge [sflag:s4], $0x0  }
0x19: {  	s7 =	sld [smem:$0x3F99]  }
0x1a: {  	s8 =	sadd.s32 $0xFFFFE003, lr  }
0x1b: {  	s9 =	sadd.s32 $0xFFFFFEF7, lr;
	s5 =	simm.s32 $0xFFFFFFFF;
	p2 =	slt.u32 s8, $0xFFFFF086  }
0x1c: {  	p1 =	slt.u32 s9, $0xF7A;
	s5 =	simm.s32 @!p2 $0x0  }
0x1d: {  	s5 =	simm.s32 @p1 $0x1;
	p0 =	seq.s32 s7, s2  }
0x1e: {  	s7 =	smul.u32 @!p0 $0xF7A, s2;
	p2 =	seq.s32 @!p0 s5, $0x0  }
0x1f: {  	s9 =	smul.u32 $0xF7A, s1;
	s8 =	simm.s32 @!p0 $0x1BF5;
	p2 =	por !p2, p0  }
0x20: {  	[sflag:s8] =	ssyncset.s32 @!p0 $0xFFFFF086;
	s6 =	sadd.s32 @!p0 s3, s7;
	s7 =	simm.s32 @!p0 $0x108  }
0x21: {  	s3 =	sadd.s32 s3, s9;
	s6 =	sadd.s32 @!p0 $0x88, s6;
	s7 =	simm.s32 @p2 $0x1082  }
0x22: {  	[simem:s7], [sflag:s8] =	dma.local @!p0 [hbm:s6], $0xF7A  }
0x23: {  	s9 =	sor.u32 $0xD0000000, s2;
	s6 =	simm.s32 $0x108;
	_ =	swait.ge @!p0 [sflag:s8], $0x0  }
0x24: {  	s3 =	sadd.s32 $0x88, s3;
	s6 =	simm.s32 @!p1 $0x1082;
	[sflag:s4] =	ssyncset.s32 $0xFFFFF086  }
0x25: {  	[simem:s6], [sflag:s4] =	dma.local [hbm:s3], $0xF7A  }
0x26: {  	[smem:$0x3F99] =	sst s1;
	(tag) =	ssettag s2;
	_ =	strace s9  }
0x27: {  	s1 =	sld [smem:$0x3FA9]  }
0x28: {  	s2 =	sld [smem:$0x3FAA]  }
0x29: {  	s4 =	sld [smem:$0x3FAC]  }
0x2a: {  	p0 =	seq.s32 s5, $0x0;
	s5 =	sld [smem:$0x3FAD]  }
0x2b: {  	s6 =	sld [smem:$0x3FAE]  }
0x2c: {  	s7 =	sld [smem:$0x3FAF]  }
0x2d: {  	s3 =	simm.s32 $0x108;
	s8 =	sld [smem:$0x3FB0]  }
0x2e: {  	s3 =	simm.s32 @!p0 $0x1082;
	s9 =	sld [smem:$0x3FB1]  }
0x2f: {  	lr =	sadd.s32 s0, s3;
	s0 =	sld [smem:$0x3FA8]  }
0x30: {  	s3 =	sld [smem:$0x3FAB]  }
0x31: {  	[smem:$0x3FB4] =	sst s10  }
0x32: {  	s10 =	sld [smem:$0x3FB2];
	_ =	sdelay $0x3  }
0x33: {  	p0 =	seq.s32 s10, $0x1;
	s10 =	sld [smem:$0x3FB4];
	_ =	sdelay $0x3  }
0x34: {  	[smem:$0x3FB4] =	sst s10  }
0x35: {  	s10 =	sld [smem:$0x3FB3];
	_ =	sdelay $0x3  }
0x36: {  	p1 =	seq.s32 s10, $0x1;
	s10 =	sld [smem:$0x3FB4];
	_ =	sdelay $0x3  }
0x37: {  	[smem:$0x3FB4] =	sst s10  }
0x38: {  	s10 =	sld [smem:$0x3FB5]  }
0x39: {  	_ = 	snop;
	(pc) =	sbr.ind lr, $3  }
0x3a: {  	_ = 	snop  }
0x3b: {  	_ = 	snop  }
0x3c: {  	p2 =	seq.s32 s10, $0x1;
	s10 =	sld [smem:$0x3FB4]  }
0x3d: {  	_ =	shalt  }
0x3e: {  	_ =	shalt  }
0x3f: {  	_ =	shalt  }
0x40: {  	_ =	shalt  }
0x41: {  	_ =	shalt  }
0x42: {  	_ =	shalt  }
0x43: {  	_ =	shalt  }
0x44: {  	_ =	shalt  }
0x45: {  	_ =	shalt  }
0x46: {  	_ =	shalt  }
0x47: {  	_ =	shalt  }
0x48: {  	_ =	shalt  }
0x49: {  	_ =	shalt  }
0x4a: {  	_ =	shalt  }
0x4b: {  	_ =	shalt  }
0x4c: {  	_ =	shalt  }
0x4d: {  	_ =	shalt  }
0x4e: {  	_ =	shalt  }
0x4f: {  	_ =	shalt  }
0x50: {  	_ =	shalt  }
0x51: {  	_ =	shalt  }
0x52: {  	_ =	shalt  }
0x53: {  	_ =	shalt  }
0x54: {  	_ =	shalt  }
0x55: {  	_ =	shalt  }
0x56: {  	_ =	shalt  }
0x57: {  	_ =	shalt  }
0x58: {  	_ =	shalt  }
0x59: {  	_ =	shalt  }
0x5a: {  	_ =	shalt  }
0x5b: {  	_ =	shalt  }
0x5c: {  	_ =	shalt  }
0x5d: {  	_ =	shalt  }
0x5e: {  	_ =	shalt  }
0x5f: {  	_ =	shalt  }
0x60: {  	_ =	shalt  }
0x61: {  	_ =	shalt  }
0x62: {  	_ =	shalt  }
0x63: {  	_ =	shalt  }
0x64: {  	_ =	shalt  }
0x65: {  	_ =	shalt  }
0x66: {  	_ =	shalt  }
0x67: {  	_ =	shalt  }
0x68: {  	_ =	shalt  }
0x69: {  	_ =	shalt  }
0x6a: {  	_ =	shalt  }
0x6b: {  	_ =	shalt  }
0x6c: {  	_ =	shalt  }
0x6d: {  	_ =	shalt  }
0x6e: {  	_ =	shalt  }
0x6f: {  	_ =	shalt  }
0x70: {  	_ =	shalt  }
0x71: {  	_ =	shalt  }
0x72: {  	_ =	shalt  }
0x73: {  	_ =	shalt  }
0x74: {  	_ =	shalt  }
0x75: {  	_ =	shalt  }
0x76: {  	_ =	shalt  }
0x77: {  	_ =	shalt  }
0x78: {  	_ =	shalt  }
0x79: {  	_ =	shalt  }
0x7a: {  	_ =	shalt  }
0x7b: {  	_ =	shalt  }
0x7c: {  	_ =	shalt  }
0x7d: {  	_ =	shalt  }
0x7e: {  	_ =	shalt  }
0x7f: {  	_ =	shalt  }
0x80: {  	_ =	shalt  }
0x81: {  	_ =	shalt  }
0x82: {  	_ =	shalt  }
0x83: {  	_ =	shalt  }
0x84: {  	_ =	shalt  }
0x85: {  	_ =	shalt  }
0x86: {  	_ =	shalt  }
0x87: {  	_ =	shalt  }
.Lfunc_end0:
.L_simem_size_0:
called_computation_lowered:
.L_overlay_start_0:
0x88: {  	s2 =	sld [smem:$0x3FD9]  }
0x89: {  	s3 =	sld [smem:$0x3FFE];
	_ =	sdelay $0x1  }
0x8a: {  	s1 =	srdreg.scid  }
0x8b: {  	s0 =	sand.u32 $0x1, s1  }
0x8c: {  	s16 =	sshll.u32 s0, $0xA;
	s2 =	sadd.s32 s3, s2  }
0x8d: {  	s2 =	sadd.s32 s2, s16  }
0x8e: {  	[smem:$0x3FC0] =	sst s2  }
0x8f: {  	_ = 	snop  }
0x90: {  	(tm) =	ssettm $0x1  }
0x91: {  	s17 =	sld [smem:$0x3FFB];
	_ =	sdelay $0x3  }
0x92: {  	_ =	strace s17  }
0x93: {  	s2 =	sld [smem:$0x3FFC];
	_ =	sdelay $0x3  }
0x94: {  	_ =	strace s2  }
0x95: {  	s2 =	sld [smem:$0x3FFD];
	_ =	sdelay $0x3  }
0x96: {  	_ =	strace s2  }
0x97: {  	_ =	strace $0x8FFFFFFF  }
0x98: {  	s18 =	sld [smem:$0x3FDB];
	_ =	sdelay $0x1  }
0x99: {  	s19 =	simm.s32 $_scs_section_size  }
0x9a: {  	s4 =	simm.s32 $_size__tile_overlayer_lowered;
	s5 =	simm.s32 $_tile_overlayer_lowered  }
0x9b: {  	s22 =	simm.s32 $0x1BFF;
	s21 =	sshll.u32 s5, $0x1;
	s2 =	sadd.s32 s19, s18  }
0x9c: {  	s6 =	simm.s32 $0x0;
	s20 =	sshll.u32 s4, $0x1;
	s4 =	sadd.s32 s21, s2  }
0x9d: {  	[timem:s6], [sflag:s22] =	dma.local [hbm:s4], s20  }
0x9e: {  	_ =	swait.ge [sflag:s22], s20  }
0x9f: {  	s3 =	ssub.s32 $0x0, s20;
	[sflag:s22] =	ssyncset.done $0x0  }
0xa0: {  	[sflag:s22] =	ssyncadd.s32 s3;
	_ =	sdelay $0x1  }
0xa1: {  	s23 =	simm.s32 $0x1B8B  }
0xa2: {  	_ =	swait.ge [sflag:s23], $0x1  }
0xa3: {  	[sflag:s23] =	ssyncset.done $0x0  }
0xa4: {  	s25 =	simm.s32 $0x1B8E;
	s24 =	sld [smem:$0x3FFE];
	[sflag:s23] =	ssyncadd.s32 $0xFFFFFFFF  }
0xa5: {  	s26 =	simm.s32 $execute0_lowered;
	[smem:$0x3FD2] =	sst s25  }
0xa6: {  	s4 =	sshll.u32 s26, $0x1;
	_ =	strace $0x80000046;
	[dreg:$0x1] =	wrdreg $0xFFFFFFFF  }
0xa7: {  	s28 =	simm.s32 $_size_execute0_lowered;
	s2 =	sadd.s32 s2, s4;
	[dreg:$0x0] =	wrdreg $0x0  }
0xa8: {  	s4 =	sshll.u32 s28, $0x1;
	[dreg:$0x2] =	wrdreg s2  }
0xa9: {  	[dreg:$0x3] =	wrdreg s4  }
0xaa: {  	[dreg:$0x4] =	wrdreg $0xC0  }
0xab: {  	_ =	task [dreg:s6], $0x5FFFF  }
0xac: {  	[dreg:$0x1] =	wrdreg $0xFFFFFFFF  }
0xad: {  	[dreg:$0x0] =	wrdreg $0x60  }
0xae: {  	[dreg:$0x2] =	wrdreg s24  }
0xaf: {  	[dreg:$0x3] =	wrdreg $0xC9000  }
0xb0: {  	[dreg:$0x4] =	wrdreg $0x9  }
0xb1: {  	_ =	task.clear_ibuf [dreg:s6], $0x5FFFF;
	_ =	strace $0x90000046  }
0xb2: {  	s29 =	simm.s32 $0x9;
	_ =	strace $0x80000048  }
0xb3: {  	_ =	swait.ge [sflag:s29], $0x1  }
0xb4: {  	[sflag:s29] =	ssyncadd.s32 $0xFFFFFFFF  }
0xb5: {  	_ =	strace $0x90000048  }
0xb6: {  	_ =	sfence  }
0xb7: {  	s30 =	sld [smem:$0x0];
	_ =	sdelay $0x2  }
0xb8: {  	s31 =	sshll.u32 s1, $0xD;
	s1 =	sshrl.u32 s1, $0x2  }
0xb9: {  	s3 =	sand.u32 $0x4000, s31;
	s1 =	sadd.s32 s1, s30  }
0xba: {  	s0 =	sor.u32 s3, s0;
	s1 =	sshll.u32 s1, $0x11  }
0xbb: {  	s0 =	sor.u32 s1, s0  }
0xbc: {  	s0 =	sadd.s32 $0x8F2B, s0  }
0xbd: {  	[sflag:s0] =	ssyncadd.remote.s32 $0x1  }
0xbe: {  	_ =	sfence.sel $0xFFFF  }
0xbf: {  	[dreg:$0x0] =	wrdreg $0xFFFFFFFF;
	(pc) =	sbr.abs _section_cstart, $3  }
0xc0: {  	[dreg:$0x1] =	wrdreg $0xFFFFFFFF  }
0xc1: {  	_ =	task.clear_ibuf [dreg:s6], $0x2FFFF;
	_ =	strace $0x9FFFFFFF  }
0xc2: {  	(tm) =	ssettm $0x7FFFFFFF  }
0xc3: {  	_ =	shalt  }
tec
execute0_lowered:
.L_overlay_start_1:
0x0: {  	(tag) =	ssettag $0x1  }
0x1: {  	s5 =	rddreg [dreg:$0x0];
	s0 =	srdreg.scid  }
0x2: {  	s2 =	rddreg [dreg:$0x1];
	s1 =	stileid.u32  }
0x3: {  	s3 =	simm.s32 $0x0;
	s14 =	simm.s32 $0xC880;
	s15 =	simm.s32 $0x2  }
0x4: {  	s16 =	simm.s32 $0x2800;
	s17 =	simm.s32 $0x5000;
	s18 =	simm.s32 $0x7800  }
0x5: {  	s19 =	simm.s32 $0xA000;
	s20 =	simm.s32 $0x80;
	s21 =	simm.s32 $0xC800  }
0x6: {  	s22 =	simm.s32 $0x1;
	s24 =	simm.s32 $0x20;
	s25 =	simm.s32 $0x10  }
0x7: {  	s4 =	sand.u32 $0x1, s0;
	s0 =	rddreg [dreg:$0x2];
	s7 =	smul.u32 $0x1E00, s1  }
0x8: {  	[smem:$0x7FF] =	sst s3;
	s12 =	smul.u32 $0x3C00, s1;
	s23 =	sshll.u32 s1, $0x6  }
0x9: {  	s6 =	sshll.u32 s4, $0x4;
	s8 =	sshll.u32 s4, $0x7;
	_ =	strace $0x80000047  }
0xa: {  	s30 =	ssub.s32 $0x2, s4;
	s4 =	sadd.s32 $0x35400, s5;
	s23 =	sor.u32 $0x1C02, s23  }
0xb: {  	s6 =	sor.u32 s1, s6;
	s7 =	sor.u32 s8, s7;
	s31 =	sshrl.u32 s30, $0x1  }
0xc: {  	s12 =	sshrl.u32 s12, $0x2;
	s6 =	smul.u32 $0x500, s6;
	s7 =	sshrl.u32 s7, $0x3  }
0xd: {  	s13 =	ssub.s32 s30, s31;
	s12 =	sadd.s32 s12, s2;
	s11 =	sadd.s32 s7, s5  }
0xe: {  	s13 =	smax.u32 s13, $0x1;
	s10 =	sadd.s32 s6, s5;
	s5 =	sadd.s32 $0x3FE00, s5  }
0xf: {  	s11 =	sadd.s32 $0x4A800, s11;
	s6 =	sadd.s32 $0x17400, s10;
	s7 =	sadd.s32 $0x21400, s10  }
0x10: {  	v0 =	vimm.f32 $1.000000000e+00;
	v1 =	vimm.f32 $0.0e+00;
	s8 =	sadd.s32 $0x3400, s10;
	s9 =	sadd.s32 $0xD400, s10;
	s10 =	sadd.s32 $0x2B400, s10  }
.LBB2_1:
0x11: {  	[tilespmem:$0xC800] =	vst v0  }
0x12: {  	[tilespmem:$0xC880] =	vst v1  }
0x13: {  	[tilespmem:$0xC810] =	vst v0  }
0x14: {  	[tilespmem:$0xC890] =	vst v1  }
0x15: {  	[tilespmem:$0xC820] =	vst v0  }
0x16: {  	[tilespmem:$0xC8A0] =	vst v1  }
0x17: {  	[tilespmem:$0xC830] =	vst v0  }
0x18: {  	[tilespmem:$0xC8B0] =	vst v1  }
0x19: {  	[tilespmem:$0xC840] =	vst v0  }
0x1a: {  	[tilespmem:$0xC8C0] =	vst v1  }
0x1b: {  	[tilespmem:$0xC850] =	vst v0  }
0x1c: {  	[tilespmem:$0xC8D0] =	vst v1  }
0x1d: {  	[tilespmem:$0xC860] =	vst v0  }
0x1e: {  	[tilespmem:$0xC8E0] =	vst v1  }
0x1f: {  	[tilespmem:$0xC870] =	vst v0  }
0x20: {  	[tilespmem:$0xC8F0] =	vst v1;
	s26 =	sadd.s32 $0x0, s12  }
0x21: {  	[spmem:s26] =	stream.linear.scatter [tilespmem:s14], [sflag:$0x2], $0x80, $0x38;
	[tilespmem:$0xD800] =	vst v63  }
0x22: {  	s26 =	simm.s32 $0x200;
	_ =	swait.ge [sflag:s15], $0x80  }
.LBB2_2:
0x23: {  	s28 =	sshra.s32 s26, $0x2;
	[sflag:s15] =	ssyncset.done $0x0;
	p0 =	sne.s32 s26, $0x3A00  }
.Ltmp0:
0x24: {  	s28 =	sadd.s32 s28, s12;
	[sflag:s15] =	ssyncadd.s32 $0xFFFFFF80;
	(pc) =	sbr.rel @p0 .LBB2_2-.Ltmp0, $3  }
0x25: {  	[spmem:s28] =	stream.linear.scatter [tilespmem:s14], [sflag:$0x2], $0x80, $0x38;
	[tilespmem:$0xD800] =	vst v63  }
0x26: {  	s26 =	sadd.s32 $0x200, s26;
	_ =	sdelay $0x1  }
0x27: {  	_ =	swait.ge [sflag:s15], $0x80  }
0x28: {  	[sflag:s15] =	ssyncset.done $0x0  }
0x29: {  	[sflag:s15] =	ssyncadd.s32 $0xFFFFFF80  }
0x2a: {  	s26 =	simm.s32 $0x0;
	[bflag:$0x0] =	sbarrier.arrive $0xFFFF  }
0x2b: {  	[tilespmem:s26], [sflag:$0x2] =	stream.linear.gather [hbm4b:s6+s26], $0x2800, $0x38;
	[tilespmem:$0xD800] =	vst v63  }
0x2c: {  	_ =	swait.ge [sflag:s15], $0x2800  }
0x2d: {  	[sflag:s15] =	ssyncset.done $0x0  }
0x2e: {  	[sflag:s15] =	ssyncadd.s32 $0xFFFFD800  }
0x2f: {  	[tilespmem:s16], [sflag:$0x2] =	stream.linear.gather [hbm4b:s7+s26], $0x2800, $0x38;
	[tilespmem:$0xD800] =	vst v63  }
0x30: {  	_ =	swait.ge [sflag:s15], $0x2800  }
0x31: {  	[sflag:s15] =	ssyncset.done $0x0  }
0x32: {  	[sflag:s15] =	ssyncadd.s32 $0xFFFFD800  }
0x33: {  	[tilespmem:s17], [sflag:$0x2] =	stream.linear.gather [hbm4b:s8+s26], $0x2800, $0x38;
	[tilespmem:$0xD800] =	vst v63  }
0x34: {  	_ =	swait.ge [sflag:s15], $0x2800  }
0x35: {  	[sflag:s15] =	ssyncset.done $0x0  }
0x36: {  	[sflag:s15] =	ssyncadd.s32 $0xFFFFD800  }
0x37: {  	[tilespmem:s18], [sflag:$0x2] =	stream.linear.gather [hbm4b:s9+s26], $0x2800, $0x38;
	[tilespmem:$0xD800] =	vst v63  }
0x38: {  	_ =	swait.ge [sflag:s15], $0x2800  }
0x39: {  	[sflag:s15] =	ssyncset.done $0x0  }
0x3a: {  	[sflag:s15] =	ssyncadd.s32 $0xFFFFD800  }
0x3b: {  	[tilespmem:s19], [sflag:$0x2] =	stream.linear.gather [hbm4b:s10+s26], $0x2800, $0x38;
	[tilespmem:$0xD800] =	vst v63  }
0x3c: {  	_ =	swait.ge [sflag:s15], $0x2800  }
0x3d: {  	[sflag:s15] =	ssyncset.done $0x0  }
0x3e: {  	s31 =	simm.s32 $0x5000;
	s28 =	simm.s32 $0xA000;
	[sflag:s15] =	ssyncadd.s32 $0xFFFFD800  }
0x3f: {  	[hbm4b:s4+s20] =	stream.indirect.scatter [tilespmem:s31], [sflag:$0x1], $0x1, s28, s20, $0xb8;
	[tilespmem:$0xD800] =	vst v63  }
0x40: {  	s29 =	simm.s32 $0x7800  }
0x41: {  	[hbm4b:s5+s20] =	stream.indirect.scatter [tilespmem:s29], [sflag:$0x1], $0x1, s28, s20, $0xb8;
	[tilespmem:$0xD800] =	vst v63  }
0x42: {  	s30 =	simm.s32 $0x0  }
0x43: {  	[spmem:s2] =	stream.indirect.scatter.add.f32 [tilespmem:s21], [sflag:$0x2], $0x1, s30, s20, $0xb8;
	[tilespmem:$0xD800] =	vst v63  }
0x44: {  	_ =	swait.ge [sflag:s15], $0x80  }
0x45: {  	[sflag:s15] =	ssyncset.done $0x0  }
0x46: {  	s31 =	simm.s32 $0x2800;
	[sflag:s15] =	ssyncadd.s32 $0xFFFFFF80  }
0x47: {  	[spmem:s2] =	stream.indirect.scatter.add.f32 [tilespmem:s21], [sflag:$0x2], $0x1, s31, s20, $0xb8;
	[tilespmem:$0xD800] =	vst v63  }
0x48: {  	_ =	swait.ge [sflag:s15], $0x80  }
0x49: {  	s26 =	simm.s32 $0x80;
	s28 =	simm.s32 $0x400;
	[sflag:s15] =	ssyncset.done $0x0  }
.LBB2_4:
0x4a: {  	s29 =	sadd.s32 $0x5000, s26  }
0x4b: {  	s30 =	sadd.s32 $0xA000, s26;
	[sflag:s15] =	ssyncadd.s32 $0xFFFFFF80;
	s31 =	smov.u32 s28  }
0x4c: {  	[hbm4b:s4+s20] =	stream.indirect.scatter [tilespmem:s29], [sflag:$0x1], $0x1, s30, s20, $0xb8;
	[tilespmem:$0xD800] =	vst v63  }
0x4d: {  	p0 =	sne.s32 s28, $0x9E00;
	s28 =	sadd.s32 $0x200, s28;
	s29 =	sadd.s32 $0x7800, s26  }
0x4e: {  	[hbm4b:s5+s20] =	stream.indirect.scatter [tilespmem:s29], [sflag:$0x1], $0x1, s30, s20, $0xb8;
	[tilespmem:$0xD800] =	vst v63  }
0x4f: {  	_ = 	snop  }
0x50: {  	[spmem:s2] =	stream.indirect.scatter.add.f32 [tilespmem:s21], [sflag:$0x2], $0x1, s26, s20, $0xb8;
	[tilespmem:$0xD800] =	vst v63  }
0x51: {  	_ =	swait.ge [sflag:s15], $0x80  }
.Ltmp1:
0x52: {  	[sflag:s15] =	ssyncset.done $0x0;
	(pc) =	sbr.rel @p0 .LBB2_4-.Ltmp1, $4  }
0x53: {  	s26 =	sadd.s32 $0x2800, s26;
	[sflag:s15] =	ssyncadd.s32 $0xFFFFFF80  }
0x54: {  	[spmem:s2] =	stream.indirect.scatter.add.f32 [tilespmem:s21], [sflag:$0x2], $0x1, s26, s20, $0xb8;
	[tilespmem:$0xD800] =	vst v63  }
0x55: {  	_ =	swait.ge [sflag:s15], $0x80  }
0x56: {  	s26 =	sshra.s32 s31, $0x2;
	[sflag:s15] =	ssyncset.done $0x0  }
0x57: {  	s28 =	sadd.s32 $0x5000, s26;
	s29 =	sadd.s32 $0xA000, s26;
	[sflag:s15] =	ssyncadd.s32 $0xFFFFFF80  }
0x58: {  	[hbm4b:s4+s20] =	stream.indirect.scatter [tilespmem:s28], [sflag:$0x1], $0x1, s29, s20, $0xb8;
	[tilespmem:$0xD800] =	vst v63  }
0x59: {  	s30 =	sadd.s32 $0x7800, s26  }
0x5a: {  	[hbm4b:s5+s20] =	stream.indirect.scatter [tilespmem:s30], [sflag:$0x1], $0x1, s29, s20, $0xb8;
	[tilespmem:$0xD800] =	vst v63  }
0x5b: {  	_ = 	snop  }
0x5c: {  	[spmem:s2] =	stream.indirect.scatter.add.f32 [tilespmem:s21], [sflag:$0x2], $0x1, s26, s20, $0xb8;
	[tilespmem:$0xD800] =	vst v63  }
0x5d: {  	_ =	swait.ge [sflag:s15], $0x80  }
0x5e: {  	[sflag:s15] =	ssyncset.done $0x0  }
0x5f: {  	s31 =	sadd.s32 $0x2800, s26;
	[sflag:s15] =	ssyncadd.s32 $0xFFFFFF80  }
0x60: {  	[spmem:s2] =	stream.indirect.scatter.add.f32 [tilespmem:s21], [sflag:$0x2], $0x1, s31, s20, $0xb8;
	[tilespmem:$0xD800] =	vst v63  }
0x61: {  	_ =	swait.ge [sflag:s15], $0x80  }
0x62: {  	[sflag:s15] =	ssyncset.done $0x0  }
0x63: {  	[sflag:s15] =	ssyncadd.s32 $0xFFFFFF80  }
0x64: {  	_ =	swait.ge [sflag:s22], $0x80  }
0x65: {  	s26 =	simm.s32 $0x9F;
	[sflag:s22] =	ssyncset.done $0x0  }
.LBB2_6:
0x66: {  	p0 =	sne.s32 s26, $0x1;
	s26 =	sadd.s32 $0xFFFFFFFF, s26;
	[sflag:s22] =	ssyncadd.s32 $0xFFFFFF80  }
.Ltmp2:
0x67: {  	(pc) =	sbr.rel @p0 .LBB2_6-.Ltmp2, $3  }
0x68: {  	_ =	sdelay $0x1  }
0x69: {  	_ =	swait.ge [sflag:s22], $0x80  }
0x6a: {  	[sflag:s22] =	ssyncset.done $0x0  }
0x6b: {  	s3 =	sadd.s32 $0x1, s3  }
0x6c: {  	[sflag:s22] =	ssyncadd.s32 $0xFFFFFF80;
	p0 =	sne.s32 s3, s13  }
.Ltmp3:
0x6d: {  	s26 =	sshrl.u32 s12, $0x3;
	[bflag:$0x0] =	sbarrier.arrive $0xFFFF;
	(pc) =	sbr.rel @p0 .LBB2_1-.Ltmp3, $4  }
0x6e: {  	[hbm:s11@s24], [sflag:s23] =	dma.strided [spmem:s26@s25], $0x1E0, s22, $0x10   }
0x6f: {  	_ =	swait.ge [sflag:s15], $0x1E0  }
0x70: {  	[sflag:s15] =	ssyncset.done $0x0  }
0x71: {  	[sflag:s15] =	ssyncadd.s32 $0xFFFFFE20  }
0x72: {  	_ =	sfence.sel $0x180000  }
0x73: {  	[bflag:$0x0] =	sbarrier.arrive $0xFFFF  }
0x74: {  	p0 =	sne.s32 s1, $0x0;
	_ =	strace $0x90000047  }
0x75: {  	s0 =	sadd.s32 @!p0 $0x100000, s0;
	[bflag:$0x2] =	sbarrier.arrive $0xFFFF  }
0x76: {  	[sflag:s0] =	ssyncadd.tile.s32 @!p0 $0x1;
	_ =	shalt  }
.Lfunc_end2:
_tile_overlayer_lowered:
.L_overlay_start_2:
0x77: {  	(tag) =	ssettag $0x2  }
0x78: {  	s0 =	rddreg [dreg:$0x0];
	s2 =	stileid.u32  }
0x79: {  	s1 =	rddreg [dreg:$0x1];
	p0 =	sne.s32 s2, $0x0  }
0x7a: {  	s3 =	rddreg [dreg:$0x2];
	[bflag:$0x3] =	sbarrier.arrive $0xFFFF;
	s2 =	simm.s32 @!p0 $0x1C02  }
0x7b: {  	[timem:s3], [sflag:s2] =	dma.local @!p0 [hbm:s0], s1  }
0x7c: {  	s0 =	simm.s32 @!p0 $0x2  }
0x7d: {  	_ =	swait.ge @!p0 [sflag:s0], s1  }
0x7e: {  	s1 =	ssub.s32 @!p0 $0x0, s1;
	[sflag:s0] =	ssyncset.done @!p0 $0x0  }
0x7f: {  	[sflag:s0] =	ssyncadd.s32 @!p0 s1  }
0x80: {  	[bflag:$0x3] =	sbarrier.arrive $0xFFFF  }
0x81: {  	_ =	shalt  }

// kernel: kernel.14.cloned.1.call-start
scs
__scs_entry_jumppad:
0x0: {  	(pc) =	sbr.rel $0x88, $3  }
0x1: {  	(tag) =	ssettag $0x0;
	lr =	simm.s32 $0x1  }
0x2: {  	[smem:$0x3F99] =	sst lr;
	_ =	strace $0xD0000000  }
0x3: {  	_ = 	snop  }
0x4: {  	_ = 	snop  }
0x5: {  	_ = 	snop  }
0x6: {  	_ = 	snop  }
0x7: {  	_ = 	snop  }
__scs_overlays_trampoline_lowered:
0x8: {  	[smem:$0x3FA8] =	sst s0  }
0x9: {  	[smem:$0x3FA9] =	sst s1  }
0xa: {  	[smem:$0x3FAA] =	sst s2  }
0xb: {  	[smem:$0x3FAB] =	sst s3  }
0xc: {  	[smem:$0x3FAC] =	sst s4  }
0xd: {  	[smem:$0x3FAD] =	sst s5  }
0xe: {  	[smem:$0x3FAE] =	sst s6  }
0xf: {  	[smem:$0x3FAF] =	sst s7  }
0x10: {  	[smem:$0x3FB0] =	sst s8  }
0x11: {  	[smem:$0x3FB1] =	sst s9;
	s0 =	simm.s32 @!p0 $0x0  }
0x12: {  	s1 =	sld [smem:$0x3F97];
	s0 =	simm.s32 @p0 $0x1  }
0x13: {  	[smem:$0x3FB2] =	sst s0;
	s0 =	simm.s32 @!p1 $0x0  }
0x14: {  	s2 =	sld [smem:$0x3F96];
	s0 =	simm.s32 @p1 $0x1  }
0x15: {  	[smem:$0x3FB3] =	sst s0;
	s0 =	simm.s32 @!p2 $0x0  }
0x16: {  	s3 =	sld [smem:$0x3FDB];
	s0 =	simm.s32 @p2 $0x1  }
0x17: {  	s4 =	simm.s32 $0x1BF5;
	[smem:$0x3FB5] =	sst s0  }
0x18: {  	s0 =	sld [smem:$0x3F98];
	_ =	swait.ge [sflag:s4], $0x0  }
0x19: {  	s7 =	sld [smem:$0x3F99]  }
0x1a: {  	s8 =	sadd.s32 $0xFFFFE003, lr  }
0x1b: {  	s9 =	sadd.s32 $0xFFFFFEF7, lr;
	s5 =	simm.s32 $0xFFFFFFFF;
	p2 =	slt.u32 s8, $0xFFFFF086  }
0x1c: {  	p1 =	slt.u32 s9, $0xF7A;
	s5 =	simm.s32 @!p2 $0x0  }
0x1d: {  	s5 =	simm.s32 @p1 $0x1;
	p0 =	seq.s32 s7, s2  }
0x1e: {  	s7 =	smul.u32 @!p0 $0xF7A, s2;
	p2 =	seq.s32 @!p0 s5, $0x0  }
0x1f: {  	s9 =	smul.u32 $0xF7A, s1;
	s8 =	simm.s32 @!p0 $0x1BF5;
	p2 =	por !p2, p0  }
0x20: {  	[sflag:s8] =	ssyncset.s32 @!p0 $0xFFFFF086;
	s6 =	sadd.s32 @!p0 s3, s7;
	s7 =	simm.s32 @!p0 $0x108  }
0x21: {  	s3 =	sadd.s32 s3, s9;
	s6 =	sadd.s32 @!p0 $0x88, s6;
	s7 =	simm.s32 @p2 $0x1082  }
0x22: {  	[simem:s7], [sflag:s8] =	dma.local @!p0 [hbm:s6], $0xF7A  }
0x23: {  	s9 =	sor.u32 $0xD0000000, s2;
	s6 =	simm.s32 $0x108;
	_ =	swait.ge @!p0 [sflag:s8], $0x0  }
0x24: {  	s3 =	sadd.s32 $0x88, s3;
	s6 =	simm.s32 @!p1 $0x1082;
	[sflag:s4] =	ssyncset.s32 $0xFFFFF086  }
0x25: {  	[simem:s6], [sflag:s4] =	dma.local [hbm:s3], $0xF7A  }
0x26: {  	[smem:$0x3F99] =	sst s1;
	(tag) =	ssettag s2;
	_ =	strace s9  }
0x27: {  	s1 =	sld [smem:$0x3FA9]  }
0x28: {  	s2 =	sld [smem:$0x3FAA]  }
0x29: {  	s4 =	sld [smem:$0x3FAC]  }
0x2a: {  	p0 =	seq.s32 s5, $0x0;
	s5 =	sld [smem:$0x3FAD]  }
0x2b: {  	s6 =	sld [smem:$0x3FAE]  }
0x2c: {  	s7 =	sld [smem:$0x3FAF]  }
0x2d: {  	s3 =	simm.s32 $0x108;
	s8 =	sld [smem:$0x3FB0]  }
0x2e: {  	s3 =	simm.s32 @!p0 $0x1082;
	s9 =	sld [smem:$0x3FB1]  }
0x2f: {  	lr =	sadd.s32 s0, s3;
	s0 =	sld [smem:$0x3FA8]  }
0x30: {  	s3 =	sld [smem:$0x3FAB]  }
0x31: {  	[smem:$0x3FB4] =	sst s10  }
0x32: {  	s10 =	sld [smem:$0x3FB2];
	_ =	sdelay $0x3  }
0x33: {  	p0 =	seq.s32 s10, $0x1;
	s10 =	sld [smem:$0x3FB4];
	_ =	sdelay $0x3  }
0x34: {  	[smem:$0x3FB4] =	sst s10  }
0x35: {  	s10 =	sld [smem:$0x3FB3];
	_ =	sdelay $0x3  }
0x36: {  	p1 =	seq.s32 s10, $0x1;
	s10 =	sld [smem:$0x3FB4];
	_ =	sdelay $0x3  }
0x37: {  	[smem:$0x3FB4] =	sst s10  }
0x38: {  	s10 =	sld [smem:$0x3FB5]  }
0x39: {  	_ = 	snop;
	(pc) =	sbr.ind lr, $3  }
0x3a: {  	_ = 	snop  }
0x3b: {  	_ = 	snop  }
0x3c: {  	p2 =	seq.s32 s10, $0x1;
	s10 =	sld [smem:$0x3FB4]  }
0x3d: {  	_ =	shalt  }
0x3e: {  	_ =	shalt  }
0x3f: {  	_ =	shalt  }
0x40: {  	_ =	shalt  }
0x41: {  	_ =	shalt  }
0x42: {  	_ =	shalt  }
0x43: {  	_ =	shalt  }
0x44: {  	_ =	shalt  }
0x45: {  	_ =	shalt  }
0x46: {  	_ =	shalt  }
0x47: {  	_ =	shalt  }
0x48: {  	_ =	shalt  }
0x49: {  	_ =	shalt  }
0x4a: {  	_ =	shalt  }
0x4b: {  	_ =	shalt  }
0x4c: {  	_ =	shalt  }
0x4d: {  	_ =	shalt  }
0x4e: {  	_ =	shalt  }
0x4f: {  	_ =	shalt  }
0x50: {  	_ =	shalt  }
0x51: {  	_ =	shalt  }
0x52: {  	_ =	shalt  }
0x53: {  	_ =	shalt  }
0x54: {  	_ =	shalt  }
0x55: {  	_ =	shalt  }
0x56: {  	_ =	shalt  }
0x57: {  	_ =	shalt  }
0x58: {  	_ =	shalt  }
0x59: {  	_ =	shalt  }
0x5a: {  	_ =	shalt  }
0x5b: {  	_ =	shalt  }
0x5c: {  	_ =	shalt  }
0x5d: {  	_ =	shalt  }
0x5e: {  	_ =	shalt  }
0x5f: {  	_ =	shalt  }
0x60: {  	_ =	shalt  }
0x61: {  	_ =	shalt  }
0x62: {  	_ =	shalt  }
0x63: {  	_ =	shalt  }
0x64: {  	_ =	shalt  }
0x65: {  	_ =	shalt  }
0x66: {  	_ =	shalt  }
0x67: {  	_ =	shalt  }
0x68: {  	_ =	shalt  }
0x69: {  	_ =	shalt  }
0x6a: {  	_ =	shalt  }
0x6b: {  	_ =	shalt  }
0x6c: {  	_ =	shalt  }
0x6d: {  	_ =	shalt  }
0x6e: {  	_ =	shalt  }
0x6f: {  	_ =	shalt  }
0x70: {  	_ =	shalt  }
0x71: {  	_ =	shalt  }
0x72: {  	_ =	shalt  }
0x73: {  	_ =	shalt  }
0x74: {  	_ =	shalt  }
0x75: {  	_ =	shalt  }
0x76: {  	_ =	shalt  }
0x77: {  	_ =	shalt  }
0x78: {  	_ =	shalt  }
0x79: {  	_ =	shalt  }
0x7a: {  	_ =	shalt  }
0x7b: {  	_ =	shalt  }
0x7c: {  	_ =	shalt  }
0x7d: {  	_ =	shalt  }
0x7e: {  	_ =	shalt  }
0x7f: {  	_ =	shalt  }
0x80: {  	_ =	shalt  }
0x81: {  	_ =	shalt  }
0x82: {  	_ =	shalt  }
0x83: {  	_ =	shalt  }
0x84: {  	_ =	shalt  }
0x85: {  	_ =	shalt  }
0x86: {  	_ =	shalt  }
0x87: {  	_ =	shalt  }
.Lfunc_end0:
.L_simem_size_0:
called_computation.1_lowered:
.L_overlay_start_0:
0x88: {  	s2 =	sld [smem:$0x3FD9]  }
0x89: {  	s3 =	sld [smem:$0x3FFE];
	_ =	sdelay $0x1  }
0x8a: {  	s1 =	srdreg.scid  }
0x8b: {  	s0 =	sand.u32 $0x1, s1  }
0x8c: {  	s17 =	sshll.u32 s0, $0xA;
	s2 =	sadd.s32 s3, s2  }
0x8d: {  	s2 =	sadd.s32 s2, s17  }
0x8e: {  	[smem:$0x3FC0] =	sst s2  }
0x8f: {  	_ = 	snop  }
0x90: {  	s18 =	sld [smem:$0x3FD0];
	(tm) =	ssettm $0x1  }
0x91: {  	s19 =	sld [smem:$0x3FFB];
	_ =	sdelay $0x3  }
0x92: {  	_ =	strace s19  }
0x93: {  	s2 =	sld [smem:$0x3FFC];
	_ =	sdelay $0x3  }
0x94: {  	_ =	strace s2  }
0x95: {  	s2 =	sld [smem:$0x3FFD];
	_ =	sdelay $0x3  }
0x96: {  	_ =	strace s2  }
0x97: {  	_ =	strace $0x8FFFFFFF  }
0x98: {  	s20 =	sld [smem:$0x3FDB];
	_ =	sdelay $0x1  }
0x99: {  	s4 =	simm.s32 $_scs_section_size  }
0x9a: {  	s5 =	simm.s32 $_size__tile_overlayer_lowered;
	s6 =	simm.s32 $_tile_overlayer_lowered  }
0x9b: {  	s7 =	simm.s32 $0x1BFF;
	s21 =	sshll.u32 s6, $0x1;
	s4 =	sadd.s32 s4, s20  }
0x9c: {  	s22 =	simm.s32 $0x0;
	s5 =	sshll.u32 s5, $0x1;
	s6 =	sadd.s32 s21, s4  }
0x9d: {  	[timem:s22], [sflag:s7] =	dma.local [hbm:s6], s5  }
0x9e: {  	_ =	swait.ge [sflag:s7], s5  }
0x9f: {  	s5 =	ssub.s32 $0x0, s5;
	[sflag:s7] =	ssyncset.done $0x0  }
0xa0: {  	[sflag:s7] =	ssyncadd.s32 s5;
	_ =	sdelay $0x1  }
0xa1: {  	s23 =	simm.s32 $0x1B8B  }
0xa2: {  	_ =	swait.ge [sflag:s23], $0x1  }
0xa3: {  	[sflag:s23] =	ssyncset.done $0x0  }
0xa4: {  	[sflag:s23] =	ssyncadd.s32 $0xFFFFFFFF  }
0xa5: {  	s5 =	sld [smem:$0x0]  }
0xa6: {  	s6 =	sand.u32 $0xFFFFFFFE, s1  }
0xa7: {  	p0 =	sne.s32 s1, s6  }
0xa8: {  	s6 =	sshll.u32 @p0 s6, $0xE  }
0xa9: {  	s6 =	sadd.s32 @p0 $0x11B8D, s6;
	s7 =	sshll.u32 @p0 s5, $0x11  }
0xaa: {  	s6 =	sor.u32 @p0 s7, s6  }
0xab: {  	[sflag:s6] =	ssyncadd.remote.s32 @p0 $0x1;
	_ =	sdelay $0x1  }
0xac: {  	s6 =	simm.s32 @p0 $0x1B8D  }
0xad: {  	_ =	swait.eq @p0 [sflag:s6], $0x1  }
0xae: {  	[sflag:s6] =	ssyncadd.s32 @p0 $0xFFFFFFFF  }
0xaf: {  	s7 =	sshll.u32 @!p0 s1, $0xE  }
0xb0: {  	s7 =	sor.u32 @!p0 $0x4000, s7;
	s6 =	simm.s32 @!p0 $0x1B8D  }
0xb1: {  	s5 =	sshll.u32 @!p0 s5, $0x11;
	s7 =	sadd.s32 @!p0 $0x11B8D, s7;
	_ =	swait.eq @!p0 [sflag:s6], $0x1  }
0xb2: {  	s5 =	sor.u32 @!p0 s5, s7;
	[sflag:s6] =	ssyncadd.s32 @!p0 $0xFFFFFFFF  }
0xb3: {  	s25 =	simm.s32 $0x1B8E;
	s24 =	sld [smem:$0x3FFE];
	[sflag:s5] =	ssyncadd.remote.s32 @!p0 $0x1  }
0xb4: {  	s26 =	simm.s32 $execute0_lowered;
	[smem:$0x3FD2] =	sst s25  }
0xb5: {  	s6 =	sshll.u32 s26, $0x1;
	_ =	strace $0x8000004C;
	[dreg:$0x1] =	wrdreg $0xFFFFFFFF  }
0xb6: {  	s28 =	simm.s32 $_size_execute0_lowered;
	s4 =	sadd.s32 s4, s6;
	[dreg:$0x0] =	wrdreg $0x0  }
0xb7: {  	s6 =	sshll.u32 s28, $0x1;
	[dreg:$0x2] =	wrdreg s4  }
0xb8: {  	[dreg:$0x3] =	wrdreg s6  }
0xb9: {  	[dreg:$0x4] =	wrdreg $0xC0  }
0xba: {  	_ =	task [dreg:s22], $0x5FFFF  }
0xbb: {  	[dreg:$0x1] =	wrdreg $0xFFFFFFFF  }
0xbc: {  	[dreg:$0x0] =	wrdreg $0x60  }
0xbd: {  	[dreg:$0x2] =	wrdreg s24  }
0xbe: {  	[dreg:$0x3] =	wrdreg s18  }
0xbf: {  	[dreg:$0x4] =	wrdreg $0xCD800  }
0xc0: {  	[dreg:$0x5] =	wrdreg $0x9  }
0xc1: {  	_ =	task.clear_ibuf [dreg:s22], $0x6FFFF;
	_ =	strace $0x9000004C  }
0xc2: {  	s29 =	simm.s32 $0x9;
	_ =	strace $0x8000004E  }
0xc3: {  	_ =	swait.ge [sflag:s29], $0x1  }
0xc4: {  	[sflag:s29] =	ssyncadd.s32 $0xFFFFFFFF  }
0xc5: {  	_ =	strace $0x9000004E  }
0xc6: {  	_ =	sfence  }
0xc7: {  	s30 =	sld [smem:$0x0];
	_ =	sdelay $0x2  }
0xc8: {  	s31 =	sshll.u32 s1, $0xD;
	s1 =	sshrl.u32 s1, $0x2  }
0xc9: {  	s4 =	sand.u32 $0x4000, s31;
	s1 =	sadd.s32 s1, s30  }
0xca: {  	s0 =	sor.u32 s4, s0;
	s1 =	sshll.u32 s1, $0x11  }
0xcb: {  	s0 =	sor.u32 s1, s0  }
0xcc: {  	s0 =	sadd.s32 $0x8F2B, s0  }
0xcd: {  	[sflag:s0] =	ssyncadd.remote.s32 $0x1  }
0xce: {  	_ =	sfence.sel $0xFFFF  }
0xcf: {  	[dreg:$0x0] =	wrdreg $0xFFFFFFFF;
	(pc) =	sbr.abs _section_cstart, $3  }
0xd0: {  	[dreg:$0x1] =	wrdreg $0xFFFFFFFF  }
0xd1: {  	_ =	task.clear_ibuf [dreg:s22], $0x2FFFF;
	_ =	strace $0x9FFFFFFF  }
0xd2: {  	(tm) =	ssettm $0x7FFFFFFF  }
0xd3: {  	_ =	shalt  }
tec
execute0_lowered:
.L_overlay_start_1:
0x0: {  	(tag) =	ssettag $0x1  }
0x1: {  	s6 =	rddreg [dreg:$0x0];
	s0 =	stileid.u32  }
0x2: {  	s1 =	srdreg.scid;
	s2 =	rddreg [dreg:$0x1]  }
0x3: {  	s3 =	rddreg [dreg:$0x2];
	s4 =	simm.s32 $0x0;
	s7 =	smul.u32 $0xA00, s0  }
0x4: {  	s14 =	simm.s32 $0x5100;
	s15 =	simm.s32 $0xA180;
	s11 =	smul.u32 $0xF000, s0  }
0x5: {  	s8 =	sand.u32 $0x1, s1;
	s1 =	rddreg [dreg:$0x3];
	s13 =	smul.u32 $0x3C000, s0  }
0x6: {  	[smem:$0x7FF] =	sst s4;
	s5 =	sadd.s32 $0x9E400, s6;
	s9 =	smul.u32 $0xA000, s8  }
0x7: {  	s16 =	sshll.u32 s0, $0x6;
	s10 =	smul.u32 $0xF0000, s8;
	_ =	strace $0x8000004D  }
0x8: {  	s8 =	ssub.s32 $0x2, s8;
	s16 =	sor.u32 $0x1C01, s16;
	s12 =	sadd.s32 s7, s6  }
0x9: {  	s30 =	sshrl.u32 s8, $0x1;
	s17 =	sadd.s32 s11, s3;
	s31 =	sshrl.u32 s13, $0x2  }
0xa: {  	s13 =	simm.s32 $0x80;
	s7 =	sadd.s32 s7, s9;
	s29 =	sadd.s32 s11, s10  }
0xb: {  	s10 =	ssub.s32 s8, s30;
	s11 =	simm.s32 $0xC180;
	s9 =	sshrl.u32 s29, $0x3  }
0xc: {  	s17 =	sshrl.u32 s17, $0x3;
	s7 =	sadd.s32 s7, s6;
	s9 =	sadd.s32 s9, s6  }
0xd: {  	s6 =	sadd.s32 $0x3400, s12;
	s7 =	sadd.s32 $0x4E400, s7;
	s12 =	simm.s32 $0x1  }
0xe: {  	v0 =	vimm.f32 $0.0e+00;
	s8 =	sadd.s32 $0xD8E00, s9;
	s9 =	smax.u32 s10, $0x1;
	s10 =	sadd.s32 s31, s3  }
.LBB2_1:
0xf: {  	s18 =	simm.s32 $0x0  }
.LBB2_2:
0x10: {  	p0 =	sne.s32 s18, $0x2F00  }
.Ltmp0:
0x11: {  	s19 =	sshra.s32 s18, $0x2;
	(pc) =	sbr.rel @p0 .LBB2_2-.Ltmp0, $4  }
0x12: {  	[tilespmem:s19+$0xC180] =	vst v0  }
0x13: {  	[tilespmem:s19+$0xC190] =	vst v0  }
0x14: {  	[tilespmem:s19+$0xC1A0] =	vst v0  }
0x15: {  	s18 =	sadd.s32 $0x100, s18;
	[tilespmem:s19+$0xC1B0] =	vst v0  }
0x16: {  	s18 =	sadd.s32 $0x0, s10  }
0x17: {  	[spmem:s18] =	stream.linear.scatter [tilespmem:s11], [sflag:$0x1], $0xC00, $0x38;
	[tilespmem:$0x1BD80] =	vst v63  }
0x18: {  	s18 =	simm.s32 $0x3000;
	_ =	swait.ge [sflag:s12], $0xC00  }
.LBB2_4:
0x19: {  	s19 =	sshra.s32 s18, $0x2;
	[sflag:s12] =	ssyncset.done $0x0;
	p0 =	sne.s32 s18, $0x39000  }
.Ltmp1:
0x1a: {  	s19 =	sadd.s32 s19, s10;
	[sflag:s12] =	ssyncadd.s32 $0xFFFFF400;
	(pc) =	sbr.rel @p0 .LBB2_4-.Ltmp1, $3  }
0x1b: {  	[spmem:s19] =	stream.linear.scatter [tilespmem:s11], [sflag:$0x1], $0xC00, $0x38;
	[tilespmem:$0x1BD80] =	vst v63  }
0x1c: {  	s18 =	sadd.s32 $0x3000, s18;
	_ =	sdelay $0x1  }
0x1d: {  	_ =	swait.ge [sflag:s12], $0xC00  }
0x1e: {  	[sflag:s12] =	ssyncset.done $0x0  }
0x1f: {  	s18 =	simm.s32 $0x0;
	[sflag:s12] =	ssyncadd.s32 $0xFFFFF400  }
0x20: {  	[tilespmem:s18], [sflag:$0x1] =	stream.linear.gather [hbm4b:s2+s18], $0x80, $0x38;
	[tilespmem:$0x1BD80] =	vst v63  }
0x21: {  	_ =	swait.ge [sflag:s12], $0x80  }
0x22: {  	[sflag:s12] =	ssyncset.done $0x0  }
0x23: {  	[sflag:s12] =	ssyncadd.s32 $0xFFFFFF80  }
0x24: {  	[tilespmem:s13], [sflag:$0x1] =	stream.linear.gather [hbm4b:s6+s18], $0x5000, $0x38;
	[tilespmem:$0x1BD80] =	vst v63  }
0x25: {  	_ =	swait.ge [sflag:s12], $0x5000  }
0x26: {  	[sflag:s12] =	ssyncset.done $0x0  }
0x27: {  	[sflag:s12] =	ssyncadd.s32 $0xFFFFB000  }
0x28: {  	[tilespmem:s14], [sflag:$0x1] =	stream.linear.gather [hbm4b:s7+s18], $0x5000, $0x38;
	[tilespmem:$0x1BD80] =	vst v63  }
0x29: {  	_ =	swait.ge [sflag:s12], $0x5000  }
0x2a: {  	[sflag:s12] =	ssyncset.done $0x0  }
0x2b: {  	[sflag:s12] =	ssyncadd.s32 $0xFFFFB000  }
0x2c: {  	s30 =	simm.s32 $0x80;
	[bflag:$0x0] =	sbarrier.arrive $0xFFFF  }
0x2d: {  	[tilespmem:s15], [sflag:$0x1] =	stream.indirect.gather [hbm4b:s5+s13], $0x40, s30, s13, $0xb8;
	[tilespmem:$0x1BD80] =	vst v63  }
0x2e: {  	_ =	swait.ge [sflag:s12], $0x2000  }
0x2f: {  	[sflag:s12] =	ssyncset.done $0x0  }
0x30: {  	s31 =	simm.s32 $0x5100;
	[sflag:s12] =	ssyncadd.s32 $0xFFFFE000  }
0x31: {  	[spmem:s3] =	stream.indirect.scatter.add.f32 [tilespmem:s15], [sflag:$0x1], $0x40, s31, s13, $0xb8;
	[tilespmem:$0x1BD80] =	vst v63  }
0x32: {  	_ =	swait.ge [sflag:s12], $0x2000  }
0x33: {  	s19 =	simm.s32 $0x400;
	s18 =	simm.s32 $0x80;
	[sflag:s12] =	ssyncset.done $0x0  }
.LBB2_6:
0x34: {  	s20 =	sadd.s32 $0x80, s18  }
0x35: {  	[sflag:s12] =	ssyncadd.s32 $0xFFFFE000;
	s21 =	smov.u32 s19;
	s22 =	sadd.s32 $0x200, s19  }
0x36: {  	[tilespmem:s15], [sflag:$0x1] =	stream.indirect.gather [hbm4b:s5+s13], $0x40, s20, s13, $0xb8;
	[tilespmem:$0x1BD80] =	vst v63  }
0x37: {  	p0 =	sne.s32 s19, $0x13E00;
	_ =	swait.ge [sflag:s12], $0x2000  }
.Ltmp2:
0x38: {  	[sflag:s12] =	ssyncset.done $0x0;
	(pc) =	sbr.rel @p0 .LBB2_6-.Ltmp2, $4  }
0x39: {  	s18 =	sadd.s32 $0x5100, s18;
	[sflag:s12] =	ssyncadd.s32 $0xFFFFE000  }
0x3a: {  	[spmem:s3] =	stream.indirect.scatter.add.f32 [tilespmem:s15], [sflag:$0x1], $0x40, s18, s13, $0xb8;
	[tilespmem:$0x1BD80] =	vst v63  }
0x3b: {  	_ =	swait.ge [sflag:s12], $0x2000  }
0x3c: {  	s19 =	smov.u32 s22;
	s18 =	sshra.s32 s21, $0x2;
	[sflag:s12] =	ssyncset.done $0x0  }
0x3d: {  	s19 =	sadd.s32 $0x80, s18;
	[sflag:s12] =	ssyncadd.s32 $0xFFFFE000  }
0x3e: {  	[tilespmem:s15], [sflag:$0x1] =	stream.indirect.gather [hbm4b:s5+s13], $0x40, s19, s13, $0xb8;
	[tilespmem:$0x1BD80] =	vst v63  }
0x3f: {  	_ =	swait.ge [sflag:s12], $0x2000  }
0x40: {  	[sflag:s12] =	ssyncset.done $0x0  }
0x41: {  	s31 =	sadd.s32 $0x5100, s18;
	[sflag:s12] =	ssyncadd.s32 $0xFFFFE000  }
0x42: {  	[spmem:s3] =	stream.indirect.scatter.add.f32 [tilespmem:s15], [sflag:$0x1], $0x40, s31, s13, $0xb8;
	[tilespmem:$0x1BD80] =	vst v63  }
0x43: {  	_ =	swait.ge [sflag:s12], $0x2000  }
0x44: {  	s4 =	sadd.s32 $0x1, s4;
	[sflag:s12] =	ssyncset.done $0x0  }
0x45: {  	p0 =	sne.s32 s4, s9;
	[sflag:s12] =	ssyncadd.s32 $0xFFFFE000  }
.Ltmp3:
0x46: {  	[bflag:$0x0] =	sbarrier.arrive $0xFFFF;
	(pc) =	sbr.rel @p0 .LBB2_1-.Ltmp3, $4  }
0x47: {  	[hbm:s8], [sflag:s16] =	dma.local [spmem:s17], $0x1E00  }
0x48: {  	_ =	swait.ge [sflag:s12], $0x1E00  }
0x49: {  	[sflag:s12] =	ssyncset.done $0x0  }
0x4a: {  	[sflag:s12] =	ssyncadd.s32 $0xFFFFE200  }
0x4b: {  	_ =	sfence.sel $0x180000  }
0x4c: {  	[bflag:$0x0] =	sbarrier.arrive $0xFFFF  }
0x4d: {  	p0 =	sne.s32 s0, $0x0;
	_ =	strace $0x9000004D  }
0x4e: {  	s0 =	sadd.s32 @!p0 $0x100000, s1;
	[bflag:$0x2] =	sbarrier.arrive $0xFFFF  }
0x4f: {  	[sflag:s0] =	ssyncadd.tile.s32 @!p0 $0x1;
	_ =	shalt  }
.Lfunc_end2:
_tile_overlayer_lowered:
.L_overlay_start_2:
0x50: {  	(tag) =	ssettag $0x2  }
0x51: {  	s0 =	rddreg [dreg:$0x0];
	s2 =	stileid.u32  }
0x52: {  	s1 =	rddreg [dreg:$0x1];
	p0 =	sne.s32 s2, $0x0  }
0x53: {  	s3 =	rddreg [dreg:$0x2];
	[bflag:$0x3] =	sbarrier.arrive $0xFFFF;
	s2 =	simm.s32 @!p0 $0x1C01  }
0x54: {  	[timem:s3], [sflag:s2] =	dma.local @!p0 [hbm:s0], s1  }
0x55: {  	s0 =	simm.s32 @!p0 $0x1  }
0x56: {  	_ =	swait.ge @!p0 [sflag:s0], s1  }
0x57: {  	s1 =	ssub.s32 @!p0 $0x0, s1;
	[sflag:s0] =	ssyncset.done @!p0 $0x0  }
0x58: {  	[sflag:s0] =	ssyncadd.s32 @!p0 s1  }
0x59: {  	[bflag:$0x3] =	sbarrier.arrive $0xFFFF  }
0x5a: {  	_ =	shalt  }

// kernel: kernel.17.cloned.1.call-start
scs
__scs_entry_jumppad:
0x0: {  	(pc) =	sbr.rel $0x88, $3  }
0x1: {  	(tag) =	ssettag $0x0;
	lr =	simm.s32 $0x1  }
0x2: {  	[smem:$0x3F99] =	sst lr;
	_ =	strace $0xD0000000  }
0x3: {  	_ = 	snop  }
0x4: {  	_ = 	snop  }
0x5: {  	_ = 	snop  }
0x6: {  	_ = 	snop  }
0x7: {  	_ = 	snop  }
__scs_overlays_trampoline_lowered:
0x8: {  	[smem:$0x3FA8] =	sst s0  }
0x9: {  	[smem:$0x3FA9] =	sst s1  }
0xa: {  	[smem:$0x3FAA] =	sst s2  }
0xb: {  	[smem:$0x3FAB] =	sst s3  }
0xc: {  	[smem:$0x3FAC] =	sst s4  }
0xd: {  	[smem:$0x3FAD] =	sst s5  }
0xe: {  	[smem:$0x3FAE] =	sst s6  }
0xf: {  	[smem:$0x3FAF] =	sst s7  }
0x10: {  	[smem:$0x3FB0] =	sst s8  }
0x11: {  	[smem:$0x3FB1] =	sst s9;
	s0 =	simm.s32 @!p0 $0x0  }
0x12: {  	s1 =	sld [smem:$0x3F97];
	s0 =	simm.s32 @p0 $0x1  }
0x13: {  	[smem:$0x3FB2] =	sst s0;
	s0 =	simm.s32 @!p1 $0x0  }
0x14: {  	s2 =	sld [smem:$0x3F96];
	s0 =	simm.s32 @p1 $0x1  }
0x15: {  	[smem:$0x3FB3] =	sst s0;
	s0 =	simm.s32 @!p2 $0x0  }
0x16: {  	s3 =	sld [smem:$0x3FDB];
	s0 =	simm.s32 @p2 $0x1  }
0x17: {  	s4 =	simm.s32 $0x1BF5;
	[smem:$0x3FB5] =	sst s0  }
0x18: {  	s0 =	sld [smem:$0x3F98];
	_ =	swait.ge [sflag:s4], $0x0  }
0x19: {  	s7 =	sld [smem:$0x3F99]  }
0x1a: {  	s8 =	sadd.s32 $0xFFFFE003, lr  }
0x1b: {  	s9 =	sadd.s32 $0xFFFFFEF7, lr;
	s5 =	simm.s32 $0xFFFFFFFF;
	p2 =	slt.u32 s8, $0xFFFFF086  }
0x1c: {  	p1 =	slt.u32 s9, $0xF7A;
	s5 =	simm.s32 @!p2 $0x0  }
0x1d: {  	s5 =	simm.s32 @p1 $0x1;
	p0 =	seq.s32 s7, s2  }
0x1e: {  	s7 =	smul.u32 @!p0 $0xF7A, s2;
	p2 =	seq.s32 @!p0 s5, $0x0  }
0x1f: {  	s9 =	smul.u32 $0xF7A, s1;
	s8 =	simm.s32 @!p0 $0x1BF5;
	p2 =	por !p2, p0  }
0x20: {  	[sflag:s8] =	ssyncset.s32 @!p0 $0xFFFFF086;
	s6 =	sadd.s32 @!p0 s3, s7;
	s7 =	simm.s32 @!p0 $0x108  }
0x21: {  	s3 =	sadd.s32 s3, s9;
	s6 =	sadd.s32 @!p0 $0x88, s6;
	s7 =	simm.s32 @p2 $0x1082  }
0x22: {  	[simem:s7], [sflag:s8] =	dma.local @!p0 [hbm:s6], $0xF7A  }
0x23: {  	s9 =	sor.u32 $0xD0000000, s2;
	s6 =	simm.s32 $0x108;
	_ =	swait.ge @!p0 [sflag:s8], $0x0  }
0x24: {  	s3 =	sadd.s32 $0x88, s3;
	s6 =	simm.s32 @!p1 $0x1082;
	[sflag:s4] =	ssyncset.s32 $0xFFFFF086  }
0x25: {  	[simem:s6], [sflag:s4] =	dma.local [hbm:s3], $0xF7A  }
0x26: {  	[smem:$0x3F99] =	sst s1;
	(tag) =	ssettag s2;
	_ =	strace s9  }
0x27: {  	s1 =	sld [smem:$0x3FA9]  }
0x28: {  	s2 =	sld [smem:$0x3FAA]  }
0x29: {  	s4 =	sld [smem:$0x3FAC]  }
0x2a: {  	p0 =	seq.s32 s5, $0x0;
	s5 =	sld [smem:$0x3FAD]  }
0x2b: {  	s6 =	sld [smem:$0x3FAE]  }
0x2c: {  	s7 =	sld [smem:$0x3FAF]  }
0x2d: {  	s3 =	simm.s32 $0x108;
	s8 =	sld [smem:$0x3FB0]  }
0x2e: {  	s3 =	simm.s32 @!p0 $0x1082;
	s9 =	sld [smem:$0x3FB1]  }
0x2f: {  	lr =	sadd.s32 s0, s3;
	s0 =	sld [smem:$0x3FA8]  }
0x30: {  	s3 =	sld [smem:$0x3FAB]  }
0x31: {  	[smem:$0x3FB4] =	sst s10  }
0x32: {  	s10 =	sld [smem:$0x3FB2];
	_ =	sdelay $0x3  }
0x33: {  	p0 =	seq.s32 s10, $0x1;
	s10 =	sld [smem:$0x3FB4];
	_ =	sdelay $0x3  }
0x34: {  	[smem:$0x3FB4] =	sst s10  }
0x35: {  	s10 =	sld [smem:$0x3FB3];
	_ =	sdelay $0x3  }
0x36: {  	p1 =	seq.s32 s10, $0x1;
	s10 =	sld [smem:$0x3FB4];
	_ =	sdelay $0x3  }
0x37: {  	[smem:$0x3FB4] =	sst s10  }
0x38: {  	s10 =	sld [smem:$0x3FB5]  }
0x39: {  	_ = 	snop;
	(pc) =	sbr.ind lr, $3  }
0x3a: {  	_ = 	snop  }
0x3b: {  	_ = 	snop  }
0x3c: {  	p2 =	seq.s32 s10, $0x1;
	s10 =	sld [smem:$0x3FB4]  }
0x3d: {  	_ =	shalt  }
0x3e: {  	_ =	shalt  }
0x3f: {  	_ =	shalt  }
0x40: {  	_ =	shalt  }
0x41: {  	_ =	shalt  }
0x42: {  	_ =	shalt  }
0x43: {  	_ =	shalt  }
0x44: {  	_ =	shalt  }
0x45: {  	_ =	shalt  }
0x46: {  	_ =	shalt  }
0x47: {  	_ =	shalt  }
0x48: {  	_ =	shalt  }
0x49: {  	_ =	shalt  }
0x4a: {  	_ =	shalt  }
0x4b: {  	_ =	shalt  }
0x4c: {  	_ =	shalt  }
0x4d: {  	_ =	shalt  }
0x4e: {  	_ =	shalt  }
0x4f: {  	_ =	shalt  }
0x50: {  	_ =	shalt  }
0x51: {  	_ =	shalt  }
0x52: {  	_ =	shalt  }
0x53: {  	_ =	shalt  }
0x54: {  	_ =	shalt  }
0x55: {  	_ =	shalt  }
0x56: {  	_ =	shalt  }
0x57: {  	_ =	shalt  }
0x58: {  	_ =	shalt  }
0x59: {  	_ =	shalt  }
0x5a: {  	_ =	shalt  }
0x5b: {  	_ =	shalt  }
0x5c: {  	_ =	shalt  }
0x5d: {  	_ =	shalt  }
0x5e: {  	_ =	shalt  }
0x5f: {  	_ =	shalt  }
0x60: {  	_ =	shalt  }
0x61: {  	_ =	shalt  }
0x62: {  	_ =	shalt  }
0x63: {  	_ =	shalt  }
0x64: {  	_ =	shalt  }
0x65: {  	_ =	shalt  }
0x66: {  	_ =	shalt  }
0x67: {  	_ =	shalt  }
0x68: {  	_ =	shalt  }
0x69: {  	_ =	shalt  }
0x6a: {  	_ =	shalt  }
0x6b: {  	_ =	shalt  }
0x6c: {  	_ =	shalt  }
0x6d: {  	_ =	shalt  }
0x6e: {  	_ =	shalt  }
0x6f: {  	_ =	shalt  }
0x70: {  	_ =	shalt  }
0x71: {  	_ =	shalt  }
0x72: {  	_ =	shalt  }
0x73: {  	_ =	shalt  }
0x74: {  	_ =	shalt  }
0x75: {  	_ =	shalt  }
0x76: {  	_ =	shalt  }
0x77: {  	_ =	shalt  }
0x78: {  	_ =	shalt  }
0x79: {  	_ =	shalt  }
0x7a: {  	_ =	shalt  }
0x7b: {  	_ =	shalt  }
0x7c: {  	_ =	shalt  }
0x7d: {  	_ =	shalt  }
0x7e: {  	_ =	shalt  }
0x7f: {  	_ =	shalt  }
0x80: {  	_ =	shalt  }
0x81: {  	_ =	shalt  }
0x82: {  	_ =	shalt  }
0x83: {  	_ =	shalt  }
0x84: {  	_ =	shalt  }
0x85: {  	_ =	shalt  }
0x86: {  	_ =	shalt  }
0x87: {  	_ =	shalt  }
.Lfunc_end0:
.L_simem_size_0:
called_computation.2_lowered:
.L_overlay_start_0:
0x88: {  	s2 =	sld [smem:$0x3FD9]  }
0x89: {  	s3 =	sld [smem:$0x3FFE];
	_ =	sdelay $0x1  }
0x8a: {  	s1 =	srdreg.scid  }
0x8b: {  	s0 =	sand.u32 $0x1, s1  }
0x8c: {  	s17 =	sshll.u32 s0, $0xA;
	s2 =	sadd.s32 s3, s2  }
0x8d: {  	s2 =	sadd.s32 s2, s17  }
0x8e: {  	[smem:$0x3FC0] =	sst s2  }
0x8f: {  	_ = 	snop  }
0x90: {  	s2 =	sld [smem:$0x3FD0];
	(tm) =	ssettm $0x1  }
0x91: {  	s18 =	sld [smem:$0x3FFB];
	_ =	sdelay $0x3  }
0x92: {  	_ =	strace s18  }
0x93: {  	s3 =	sld [smem:$0x3FFC];
	_ =	sdelay $0x3  }
0x94: {  	_ =	strace s3  }
0x95: {  	s3 =	sld [smem:$0x3FFD];
	_ =	sdelay $0x3  }
0x96: {  	_ =	strace s3  }
0x97: {  	_ =	strace $0x8FFFFFFF  }
0x98: {  	s19 =	sld [smem:$0x3FDB];
	_ =	sdelay $0x1  }
0x99: {  	s4 =	simm.s32 $_scs_section_size  }
0x9a: {  	s5 =	simm.s32 $_size__tile_overlayer_lowered;
	s6 =	simm.s32 $_tile_overlayer_lowered  }
0x9b: {  	s22 =	simm.s32 $0x1BFF;
	s21 =	sshll.u32 s6, $0x1;
	s3 =	sadd.s32 s4, s19  }
0x9c: {  	s7 =	simm.s32 $0x0;
	s20 =	sshll.u32 s5, $0x1;
	s5 =	sadd.s32 s21, s3  }
0x9d: {  	[timem:s7], [sflag:s22] =	dma.local [hbm:s5], s20  }
0x9e: {  	_ =	swait.ge [sflag:s22], s20  }
0x9f: {  	s4 =	ssub.s32 $0x0, s20;
	[sflag:s22] =	ssyncset.done $0x0  }
0xa0: {  	[sflag:s22] =	ssyncadd.s32 s4;
	_ =	sdelay $0x1  }
0xa1: {  	s23 =	simm.s32 $0x1B8B  }
0xa2: {  	_ =	swait.ge [sflag:s23], $0x1  }
0xa3: {  	[sflag:s23] =	ssyncset.done $0x0  }
0xa4: {  	s25 =	simm.s32 $0x1B8E;
	s24 =	sld [smem:$0x3FFE];
	[sflag:s23] =	ssyncadd.s32 $0xFFFFFFFF  }
0xa5: {  	s26 =	simm.s32 $execute0_lowered;
	[smem:$0x3FD2] =	sst s25  }
0xa6: {  	s5 =	sshll.u32 s26, $0x1;
	_ =	strace $0x80000049;
	[dreg:$0x1] =	wrdreg $0xFFFFFFFF  }
0xa7: {  	s28 =	simm.s32 $_size_execute0_lowered;
	s3 =	sadd.s32 s3, s5;
	[dreg:$0x0] =	wrdreg $0x0  }
0xa8: {  	s5 =	sshll.u32 s28, $0x1;
	[dreg:$0x2] =	wrdreg s3  }
0xa9: {  	[dreg:$0x3] =	wrdreg s5  }
0xaa: {  	[dreg:$0x4] =	wrdreg $0xC0  }
0xab: {  	_ =	task [dreg:s7], $0x5FFFF  }
0xac: {  	[dreg:$0x1] =	wrdreg $0xFFFFFFFF  }
0xad: {  	[dreg:$0x0] =	wrdreg $0x60  }
0xae: {  	[dreg:$0x2] =	wrdreg s24  }
0xaf: {  	[dreg:$0x3] =	wrdreg s2  }
0xb0: {  	[dreg:$0x4] =	wrdreg $0xCD800  }
0xb1: {  	[dreg:$0x5] =	wrdreg $0xA  }
0xb2: {  	_ =	task.clear_ibuf [dreg:s7], $0x6FFFF;
	_ =	strace $0x90000049  }
0xb3: {  	s29 =	simm.s32 $0xA;
	_ =	strace $0x8000004B  }
0xb4: {  	_ =	swait.ge [sflag:s29], $0x1  }
0xb5: {  	[sflag:s29] =	ssyncadd.s32 $0xFFFFFFFF  }
0xb6: {  	_ =	strace $0x9000004B  }
0xb7: {  	_ =	sfence  }
0xb8: {  	s30 =	sld [smem:$0x0];
	_ =	sdelay $0x2  }
0xb9: {  	s31 =	sshll.u32 s1, $0xD;
	s1 =	sshrl.u32 s1, $0x2  }
0xba: {  	s3 =	sand.u32 $0x4000, s31;
	s1 =	sadd.s32 s1, s30  }
0xbb: {  	s0 =	sor.u32 s3, s0;
	s1 =	sshll.u32 s1, $0x11  }
0xbc: {  	s0 =	sor.u32 s1, s0  }
0xbd: {  	s0 =	sadd.s32 $0x8F2B, s0  }
0xbe: {  	[sflag:s0] =	ssyncadd.remote.s32 $0x1  }
0xbf: {  	_ =	sfence.sel $0xFFFF  }
0xc0: {  	[dreg:$0x0] =	wrdreg $0xFFFFFFFF;
	(pc) =	sbr.abs _section_cstart, $3  }
0xc1: {  	[dreg:$0x1] =	wrdreg $0xFFFFFFFF  }
0xc2: {  	_ =	task.clear_ibuf [dreg:s7], $0x2FFFF;
	_ =	strace $0x9FFFFFFF  }
0xc3: {  	(tm) =	ssettm $0x7FFFFFFF  }
tec
execute0_lowered:
.L_overlay_start_1:
0x0: {  	(tag) =	ssettag $0x1  }
0x1: {  	s6 =	rddreg [dreg:$0x0];
	s0 =	stileid.u32  }
0x2: {  	s1 =	srdreg.scid;
	s2 =	rddreg [dreg:$0x1]  }
0x3: {  	s3 =	rddreg [dreg:$0x2];
	s4 =	simm.s32 $0x0;
	s7 =	smul.u32 $0xA00, s0  }
0x4: {  	s14 =	simm.s32 $0x5100;
	s15 =	simm.s32 $0xA180;
	s11 =	smul.u32 $0xF000, s0  }
0x5: {  	s8 =	sand.u32 $0x1, s1;
	s1 =	rddreg [dreg:$0x3];
	s13 =	smul.u32 $0x3C000, s0  }
0x6: {  	[smem:$0x7FF] =	sst s4;
	s5 =	sadd.s32 $0xD400, s6;
	s9 =	smul.u32 $0xA000, s8  }
0x7: {  	s16 =	sshll.u32 s0, $0x6;
	s10 =	smul.u32 $0xF0000, s8;
	_ =	strace $0x8000004A  }
0x8: {  	s8 =	ssub.s32 $0x2, s8;
	s16 =	sor.u32 $0x1C01, s16;
	s12 =	sadd.s32 s7, s6  }
0x9: {  	s30 =	sshrl.u32 s8, $0x1;
	s17 =	sadd.s32 s11, s3;
	s31 =	sshrl.u32 s13, $0x2  }
0xa: {  	s13 =	simm.s32 $0x80;
	s7 =	sadd.s32 s7, s9;
	s29 =	sadd.s32 s11, s10  }
0xb: {  	s10 =	ssub.s32 s8, s30;
	s11 =	simm.s32 $0xC180;
	s9 =	sshrl.u32 s29, $0x3  }
0xc: {  	s17 =	sshrl.u32 s17, $0x3;
	s7 =	sadd.s32 s7, s6;
	s9 =	sadd.s32 s9, s6  }
0xd: {  	s6 =	sadd.s32 $0x3400, s12;
	s7 =	sadd.s32 $0x4E400, s7;
	s12 =	simm.s32 $0x1  }
0xe: {  	v0 =	vimm.f32 $0.0e+00;
	s8 =	sadd.s32 $0x62400, s9;
	s9 =	smax.u32 s10, $0x1;
	s10 =	sadd.s32 s31, s3  }
.LBB2_1:
0xf: {  	s18 =	simm.s32 $0x0  }
.LBB2_2:
0x10: {  	p0 =	sne.s32 s18, $0x2F00  }
.Ltmp0:
0x11: {  	s19 =	sshra.s32 s18, $0x2;
	(pc) =	sbr.rel @p0 .LBB2_2-.Ltmp0, $4  }
0x12: {  	[tilespmem:s19+$0xC180] =	vst v0  }
0x13: {  	[tilespmem:s19+$0xC190] =	vst v0  }
0x14: {  	[tilespmem:s19+$0xC1A0] =	vst v0  }
0x15: {  	s18 =	sadd.s32 $0x100, s18;
	[tilespmem:s19+$0xC1B0] =	vst v0  }
0x16: {  	s18 =	sadd.s32 $0x0, s10  }
0x17: {  	[spmem:s18] =	stream.linear.scatter [tilespmem:s11], [sflag:$0x1], $0xC00, $0x38;
	[tilespmem:$0x1BD80] =	vst v63  }
0x18: {  	s18 =	simm.s32 $0x3000;
	_ =	swait.ge [sflag:s12], $0xC00  }
.LBB2_4:
0x19: {  	s19 =	sshra.s32 s18, $0x2;
	[sflag:s12] =	ssyncset.done $0x0;
	p0 =	sne.s32 s18, $0x39000  }
.Ltmp1:
0x1a: {  	s19 =	sadd.s32 s19, s10;
	[sflag:s12] =	ssyncadd.s32 $0xFFFFF400;
	(pc) =	sbr.rel @p0 .LBB2_4-.Ltmp1, $3  }
0x1b: {  	[spmem:s19] =	stream.linear.scatter [tilespmem:s11], [sflag:$0x1], $0xC00, $0x38;
	[tilespmem:$0x1BD80] =	vst v63  }
0x1c: {  	s18 =	sadd.s32 $0x3000, s18;
	_ =	sdelay $0x1  }
0x1d: {  	_ =	swait.ge [sflag:s12], $0xC00  }
0x1e: {  	[sflag:s12] =	ssyncset.done $0x0  }
0x1f: {  	s18 =	simm.s32 $0x0;
	[sflag:s12] =	ssyncadd.s32 $0xFFFFF400  }
0x20: {  	[tilespmem:s18], [sflag:$0x1] =	stream.linear.gather [hbm4b:s2+s18], $0x80, $0x38;
	[tilespmem:$0x1BD80] =	vst v63  }
0x21: {  	_ =	swait.ge [sflag:s12], $0x80  }
0x22: {  	[sflag:s12] =	ssyncset.done $0x0  }
0x23: {  	[sflag:s12] =	ssyncadd.s32 $0xFFFFFF80  }
0x24: {  	[tilespmem:s13], [sflag:$0x1] =	stream.linear.gather [hbm4b:s6+s18], $0x5000, $0x38;
	[tilespmem:$0x1BD80] =	vst v63  }
0x25: {  	_ =	swait.ge [sflag:s12], $0x5000  }
0x26: {  	[sflag:s12] =	ssyncset.done $0x0  }
0x27: {  	[sflag:s12] =	ssyncadd.s32 $0xFFFFB000  }
0x28: {  	[tilespmem:s14], [sflag:$0x1] =	stream.linear.gather [hbm4b:s7+s18], $0x5000, $0x38;
	[tilespmem:$0x1BD80] =	vst v63  }
0x29: {  	_ =	swait.ge [sflag:s12], $0x5000  }
0x2a: {  	[sflag:s12] =	ssyncset.done $0x0  }
0x2b: {  	[sflag:s12] =	ssyncadd.s32 $0xFFFFB000  }
0x2c: {  	s30 =	simm.s32 $0x80;
	[bflag:$0x0] =	sbarrier.arrive $0xFFFF  }
0x2d: {  	[tilespmem:s15], [sflag:$0x1] =	stream.indirect.gather [hbm4b:s5+s13], $0x40, s30, s13, $0xb8;
	[tilespmem:$0x1BD80] =	vst v63  }
0x2e: {  	_ =	swait.ge [sflag:s12], $0x2000  }
0x2f: {  	[sflag:s12] =	ssyncset.done $0x0  }
0x30: {  	s31 =	simm.s32 $0x5100;
	[sflag:s12] =	ssyncadd.s32 $0xFFFFE000  }
0x31: {  	[spmem:s3] =	stream.indirect.scatter.add.f32 [tilespmem:s15], [sflag:$0x1], $0x40, s31, s13, $0xb8;
	[tilespmem:$0x1BD80] =	vst v63  }
0x32: {  	_ =	swait.ge [sflag:s12], $0x2000  }
0x33: {  	s19 =	simm.s32 $0x400;
	s18 =	simm.s32 $0x80;
	[sflag:s12] =	ssyncset.done $0x0  }
.LBB2_6:
0x34: {  	s20 =	sadd.s32 $0x80, s18  }
0x35: {  	[sflag:s12] =	ssyncadd.s32 $0xFFFFE000;
	s21 =	smov.u32 s19;
	s22 =	sadd.s32 $0x200, s19  }
0x36: {  	[tilespmem:s15], [sflag:$0x1] =	stream.indirect.gather [hbm4b:s5+s13], $0x40, s20, s13, $0xb8;
	[tilespmem:$0x1BD80] =	vst v63  }
0x37: {  	p0 =	sne.s32 s19, $0x13E00;
	_ =	swait.ge [sflag:s12], $0x2000  }
.Ltmp2:
0x38: {  	[sflag:s12] =	ssyncset.done $0x0;
	(pc) =	sbr.rel @p0 .LBB2_6-.Ltmp2, $4  }
0x39: {  	s18 =	sadd.s32 $0x5100, s18;
	[sflag:s12] =	ssyncadd.s32 $0xFFFFE000  }
0x3a: {  	[spmem:s3] =	stream.indirect.scatter.add.f32 [tilespmem:s15], [sflag:$0x1], $0x40, s18, s13, $0xb8;
	[tilespmem:$0x1BD80] =	vst v63  }
0x3b: {  	_ =	swait.ge [sflag:s12], $0x2000  }
0x3c: {  	s19 =	smov.u32 s22;
	s18 =	sshra.s32 s21, $0x2;
	[sflag:s12] =	ssyncset.done $0x0  }
0x3d: {  	s19 =	sadd.s32 $0x80, s18;
	[sflag:s12] =	ssyncadd.s32 $0xFFFFE000  }
0x3e: {  	[tilespmem:s15], [sflag:$0x1] =	stream.indirect.gather [hbm4b:s5+s13], $0x40, s19, s13, $0xb8;
	[tilespmem:$0x1BD80] =	vst v63  }
0x3f: {  	_ =	swait.ge [sflag:s12], $0x2000  }
0x40: {  	[sflag:s12] =	ssyncset.done $0x0  }
0x41: {  	s31 =	sadd.s32 $0x5100, s18;
	[sflag:s12] =	ssyncadd.s32 $0xFFFFE000  }
0x42: {  	[spmem:s3] =	stream.indirect.scatter.add.f32 [tilespmem:s15], [sflag:$0x1], $0x40, s31, s13, $0xb8;
	[tilespmem:$0x1BD80] =	vst v63  }
0x43: {  	_ =	swait.ge [sflag:s12], $0x2000  }
0x44: {  	s4 =	sadd.s32 $0x1, s4;
	[sflag:s12] =	ssyncset.done $0x0  }
0x45: {  	p0 =	sne.s32 s4, s9;
	[sflag:s12] =	ssyncadd.s32 $0xFFFFE000  }
.Ltmp3:
0x46: {  	[bflag:$0x0] =	sbarrier.arrive $0xFFFF;
	(pc) =	sbr.rel @p0 .LBB2_1-.Ltmp3, $4  }
0x47: {  	[hbm:s8], [sflag:s16] =	dma.local [spmem:s17], $0x1E00  }
0x48: {  	_ =	swait.ge [sflag:s12], $0x1E00  }
0x49: {  	[sflag:s12] =	ssyncset.done $0x0  }
0x4a: {  	[sflag:s12] =	ssyncadd.s32 $0xFFFFE200  }
0x4b: {  	_ =	sfence.sel $0x180000  }
0x4c: {  	[bflag:$0x0] =	sbarrier.arrive $0xFFFF  }
0x4d: {  	p0 =	sne.s32 s0, $0x0;
	_ =	strace $0x9000004A  }
0x4e: {  	s0 =	sadd.s32 @!p0 $0x100000, s1;
	[bflag:$0x2] =	sbarrier.arrive $0xFFFF  }
0x4f: {  	[sflag:s0] =	ssyncadd.tile.s32 @!p0 $0x1;
	_ =	shalt  }
.Lfunc_end2:
_tile_overlayer_lowered:
.L_overlay_start_2:
0x50: {  	(tag) =	ssettag $0x2  }
0x51: {  	s0 =	rddreg [dreg:$0x0];
	s2 =	stileid.u32  }
0x52: {  	s1 =	rddreg [dreg:$0x1];
	p0 =	sne.s32 s2, $0x0  }
0x53: {  	s3 =	rddreg [dreg:$0x2];
	[bflag:$0x3] =	sbarrier.arrive $0xFFFF;
	s2 =	simm.s32 @!p0 $0x1C01  }
0x54: {  	[timem:s3], [sflag:s2] =	dma.local @!p0 [hbm:s0], s1  }
0x55: {  	s0 =	simm.s32 @!p0 $0x1  }
0x56: {  	_ =	swait.ge @!p0 [sflag:s0], s1  }
0x57: {  	s1 =	ssub.s32 @!p0 $0x0, s1;
	[sflag:s0] =	ssyncset.done @!p0 $0x0  }
0x58: {  	[sflag:s0] =	ssyncadd.s32 @!p0 s1  }
0x59: {  	[bflag:$0x3] =	sbarrier.arrive $0xFFFF  }
0x5a: {  	_ =	shalt  }

// kernel: kernel.20.cloned.1.call-start
scs
__scs_entry_jumppad:
0x0: {  	(pc) =	sbr.rel $0x88, $3  }
0x1: {  	(tag) =	ssettag $0x0;
	lr =	simm.s32 $0x1  }
0x2: {  	[smem:$0x3F99] =	sst lr;
	_ =	strace $0xD0000000  }
0x3: {  	_ = 	snop  }
0x4: {  	_ = 	snop  }
0x5: {  	_ = 	snop  }
0x6: {  	_ = 	snop  }
0x7: {  	_ = 	snop  }
__scs_overlays_trampoline_lowered:
0x8: {  	[smem:$0x3FA8] =	sst s0  }
0x9: {  	[smem:$0x3FA9] =	sst s1  }
0xa: {  	[smem:$0x3FAA] =	sst s2  }
0xb: {  	[smem:$0x3FAB] =	sst s3  }
0xc: {  	[smem:$0x3FAC] =	sst s4  }
0xd: {  	[smem:$0x3FAD] =	sst s5  }
0xe: {  	[smem:$0x3FAE] =	sst s6  }
0xf: {  	[smem:$0x3FAF] =	sst s7  }
0x10: {  	[smem:$0x3FB0] =	sst s8  }
0x11: {  	[smem:$0x3FB1] =	sst s9;
	s0 =	simm.s32 @!p0 $0x0  }
0x12: {  	s1 =	sld [smem:$0x3F97];
	s0 =	simm.s32 @p0 $0x1  }
0x13: {  	[smem:$0x3FB2] =	sst s0;
	s0 =	simm.s32 @!p1 $0x0  }
0x14: {  	s2 =	sld [smem:$0x3F96];
	s0 =	simm.s32 @p1 $0x1  }
0x15: {  	[smem:$0x3FB3] =	sst s0;
	s0 =	simm.s32 @!p2 $0x0  }
0x16: {  	s3 =	sld [smem:$0x3FDB];
	s0 =	simm.s32 @p2 $0x1  }
0x17: {  	s4 =	simm.s32 $0x1BF5;
	[smem:$0x3FB5] =	sst s0  }
0x18: {  	s0 =	sld [smem:$0x3F98];
	_ =	swait.ge [sflag:s4], $0x0  }
0x19: {  	s7 =	sld [smem:$0x3F99]  }
0x1a: {  	s8 =	sadd.s32 $0xFFFFE003, lr  }
0x1b: {  	s9 =	sadd.s32 $0xFFFFFEF7, lr;
	s5 =	simm.s32 $0xFFFFFFFF;
	p2 =	slt.u32 s8, $0xFFFFF086  }
0x1c: {  	p1 =	slt.u32 s9, $0xF7A;
	s5 =	simm.s32 @!p2 $0x0  }
0x1d: {  	s5 =	simm.s32 @p1 $0x1;
	p0 =	seq.s32 s7, s2  }
0x1e: {  	s7 =	smul.u32 @!p0 $0xF7A, s2;
	p2 =	seq.s32 @!p0 s5, $0x0  }
0x1f: {  	s9 =	smul.u32 $0xF7A, s1;
	s8 =	simm.s32 @!p0 $0x1BF5;
	p2 =	por !p2, p0  }
0x20: {  	[sflag:s8] =	ssyncset.s32 @!p0 $0xFFFFF086;
	s6 =	sadd.s32 @!p0 s3, s7;
	s7 =	simm.s32 @!p0 $0x108  }
0x21: {  	s3 =	sadd.s32 s3, s9;
	s6 =	sadd.s32 @!p0 $0x88, s6;
	s7 =	simm.s32 @p2 $0x1082  }
0x22: {  	[simem:s7], [sflag:s8] =	dma.local @!p0 [hbm:s6], $0xF7A  }
0x23: {  	s9 =	sor.u32 $0xD0000000, s2;
	s6 =	simm.s32 $0x108;
	_ =	swait.ge @!p0 [sflag:s8], $0x0  }
0x24: {  	s3 =	sadd.s32 $0x88, s3;
	s6 =	simm.s32 @!p1 $0x1082;
	[sflag:s4] =	ssyncset.s32 $0xFFFFF086  }
0x25: {  	[simem:s6], [sflag:s4] =	dma.local [hbm:s3], $0xF7A  }
0x26: {  	[smem:$0x3F99] =	sst s1;
	(tag) =	ssettag s2;
	_ =	strace s9  }
0x27: {  	s1 =	sld [smem:$0x3FA9]  }
0x28: {  	s2 =	sld [smem:$0x3FAA]  }
0x29: {  	s4 =	sld [smem:$0x3FAC]  }
0x2a: {  	p0 =	seq.s32 s5, $0x0;
	s5 =	sld [smem:$0x3FAD]  }
0x2b: {  	s6 =	sld [smem:$0x3FAE]  }
0x2c: {  	s7 =	sld [smem:$0x3FAF]  }
0x2d: {  	s3 =	simm.s32 $0x108;
	s8 =	sld [smem:$0x3FB0]  }
0x2e: {  	s3 =	simm.s32 @!p0 $0x1082;
	s9 =	sld [smem:$0x3FB1]  }
0x2f: {  	lr =	sadd.s32 s0, s3;
	s0 =	sld [smem:$0x3FA8]  }
0x30: {  	s3 =	sld [smem:$0x3FAB]  }
0x31: {  	[smem:$0x3FB4] =	sst s10  }
0x32: {  	s10 =	sld [smem:$0x3FB2];
	_ =	sdelay $0x3  }
0x33: {  	p0 =	seq.s32 s10, $0x1;
	s10 =	sld [smem:$0x3FB4];
	_ =	sdelay $0x3  }
0x34: {  	[smem:$0x3FB4] =	sst s10  }
0x35: {  	s10 =	sld [smem:$0x3FB3];
	_ =	sdelay $0x3  }
0x36: {  	p1 =	seq.s32 s10, $0x1;
	s10 =	sld [smem:$0x3FB4];
	_ =	sdelay $0x3  }
0x37: {  	[smem:$0x3FB4] =	sst s10  }
0x38: {  	s10 =	sld [smem:$0x3FB5]  }
0x39: {  	_ = 	snop;
	(pc) =	sbr.ind lr, $3  }
0x3a: {  	_ = 	snop  }
0x3b: {  	_ = 	snop  }
0x3c: {  	p2 =	seq.s32 s10, $0x1;
	s10 =	sld [smem:$0x3FB4]  }
0x3d: {  	_ =	shalt  }
0x3e: {  	_ =	shalt  }
0x3f: {  	_ =	shalt  }
0x40: {  	_ =	shalt  }
0x41: {  	_ =	shalt  }
0x42: {  	_ =	shalt  }
0x43: {  	_ =	shalt  }
0x44: {  	_ =	shalt  }
0x45: {  	_ =	shalt  }
0x46: {  	_ =	shalt  }
0x47: {  	_ =	shalt  }
0x48: {  	_ =	shalt  }
0x49: {  	_ =	shalt  }
0x4a: {  	_ =	shalt  }
0x4b: {  	_ =	shalt  }
0x4c: {  	_ =	shalt  }
0x4d: {  	_ =	shalt  }
0x4e: {  	_ =	shalt  }
0x4f: {  	_ =	shalt  }
0x50: {  	_ =	shalt  }
0x51: {  	_ =	shalt  }
0x52: {  	_ =	shalt  }
0x53: {  	_ =	shalt  }
0x54: {  	_ =	shalt  }
0x55: {  	_ =	shalt  }
0x56: {  	_ =	shalt  }
0x57: {  	_ =	shalt  }
0x58: {  	_ =	shalt  }
0x59: {  	_ =	shalt  }
0x5a: {  	_ =	shalt  }
0x5b: {  	_ =	shalt  }
0x5c: {  	_ =	shalt  }
0x5d: {  	_ =	shalt  }
0x5e: {  	_ =	shalt  }
0x5f: {  	_ =	shalt  }
0x60: {  	_ =	shalt  }
0x61: {  	_ =	shalt  }
0x62: {  	_ =	shalt  }
0x63: {  	_ =	shalt  }
0x64: {  	_ =	shalt  }
0x65: {  	_ =	shalt  }
0x66: {  	_ =	shalt  }
0x67: {  	_ =	shalt  }
0x68: {  	_ =	shalt  }
0x69: {  	_ =	shalt  }
0x6a: {  	_ =	shalt  }
0x6b: {  	_ =	shalt  }
0x6c: {  	_ =	shalt  }
0x6d: {  	_ =	shalt  }
0x6e: {  	_ =	shalt  }
0x6f: {  	_ =	shalt  }
0x70: {  	_ =	shalt  }
0x71: {  	_ =	shalt  }
0x72: {  	_ =	shalt  }
0x73: {  	_ =	shalt  }
0x74: {  	_ =	shalt  }
0x75: {  	_ =	shalt  }
0x76: {  	_ =	shalt  }
0x77: {  	_ =	shalt  }
0x78: {  	_ =	shalt  }
0x79: {  	_ =	shalt  }
0x7a: {  	_ =	shalt  }
0x7b: {  	_ =	shalt  }
0x7c: {  	_ =	shalt  }
0x7d: {  	_ =	shalt  }
0x7e: {  	_ =	shalt  }
0x7f: {  	_ =	shalt  }
0x80: {  	_ =	shalt  }
0x81: {  	_ =	shalt  }
0x82: {  	_ =	shalt  }
0x83: {  	_ =	shalt  }
0x84: {  	_ =	shalt  }
0x85: {  	_ =	shalt  }
0x86: {  	_ =	shalt  }
0x87: {  	_ =	shalt  }
.Lfunc_end0:
.L_simem_size_0:
called_computation.3_lowered:
.L_overlay_start_0:
0x88: {  	s2 =	sld [smem:$0x3FD9]  }
0x89: {  	s3 =	sld [smem:$0x3FFE];
	_ =	sdelay $0x1  }
0x8a: {  	s1 =	srdreg.scid  }
0x8b: {  	s0 =	sand.u32 $0x1, s1  }
0x8c: {  	s17 =	sshll.u32 s0, $0xA;
	s2 =	sadd.s32 s3, s2  }
0x8d: {  	s2 =	sadd.s32 s2, s17  }
0x8e: {  	[smem:$0x3FC0] =	sst s2  }
0x8f: {  	_ = 	snop  }
0x90: {  	s18 =	sld [smem:$0x3FD0];
	(tm) =	ssettm $0x1  }
0x91: {  	s19 =	sld [smem:$0x3FFB];
	_ =	sdelay $0x3  }
0x92: {  	_ =	strace s19  }
0x93: {  	s2 =	sld [smem:$0x3FFC];
	_ =	sdelay $0x3  }
0x94: {  	_ =	strace s2  }
0x95: {  	s2 =	sld [smem:$0x3FFD];
	_ =	sdelay $0x3  }
0x96: {  	_ =	strace s2  }
0x97: {  	_ =	strace $0x8FFFFFFF  }
0x98: {  	s20 =	sld [smem:$0x3FDB];
	_ =	sdelay $0x1  }
0x99: {  	s4 =	simm.s32 $_scs_section_size  }
0x9a: {  	s5 =	simm.s32 $_size__tile_overlayer_lowered;
	s6 =	simm.s32 $_tile_overlayer_lowered  }
0x9b: {  	s7 =	simm.s32 $0x1BFF;
	s21 =	sshll.u32 s6, $0x1;
	s4 =	sadd.s32 s4, s20  }
0x9c: {  	s22 =	simm.s32 $0x0;
	s5 =	sshll.u32 s5, $0x1;
	s6 =	sadd.s32 s21, s4  }
0x9d: {  	[timem:s22], [sflag:s7] =	dma.local [hbm:s6], s5  }
0x9e: {  	_ =	swait.ge [sflag:s7], s5  }
0x9f: {  	s5 =	ssub.s32 $0x0, s5;
	[sflag:s7] =	ssyncset.done $0x0  }
0xa0: {  	[sflag:s7] =	ssyncadd.s32 s5;
	_ =	sdelay $0x1  }
0xa1: {  	s23 =	simm.s32 $0x1B8B  }
0xa2: {  	_ =	swait.ge [sflag:s23], $0x1  }
0xa3: {  	[sflag:s23] =	ssyncset.done $0x0  }
0xa4: {  	[sflag:s23] =	ssyncadd.s32 $0xFFFFFFFF  }
0xa5: {  	s5 =	sld [smem:$0x0]  }
0xa6: {  	s6 =	sand.u32 $0xFFFFFFFE, s1  }
0xa7: {  	p0 =	sne.s32 s1, s6  }
0xa8: {  	s6 =	sshll.u32 @p0 s6, $0xE  }
0xa9: {  	s6 =	sadd.s32 @p0 $0x11B8D, s6;
	s7 =	sshll.u32 @p0 s5, $0x11  }
0xaa: {  	s6 =	sor.u32 @p0 s7, s6  }
0xab: {  	[sflag:s6] =	ssyncadd.remote.s32 @p0 $0x1;
	_ =	sdelay $0x1  }
0xac: {  	s6 =	simm.s32 @p0 $0x1B8D  }
0xad: {  	_ =	swait.eq @p0 [sflag:s6], $0x1  }
0xae: {  	[sflag:s6] =	ssyncadd.s32 @p0 $0xFFFFFFFF  }
0xaf: {  	s7 =	sshll.u32 @!p0 s1, $0xE  }
0xb0: {  	s7 =	sor.u32 @!p0 $0x4000, s7;
	s6 =	simm.s32 @!p0 $0x1B8D  }
0xb1: {  	s5 =	sshll.u32 @!p0 s5, $0x11;
	s7 =	sadd.s32 @!p0 $0x11B8D, s7;
	_ =	swait.eq @!p0 [sflag:s6], $0x1  }
0xb2: {  	s5 =	sor.u32 @!p0 s5, s7;
	[sflag:s6] =	ssyncadd.s32 @!p0 $0xFFFFFFFF  }
0xb3: {  	s25 =	simm.s32 $0x1B8E;
	s24 =	sld [smem:$0x3FFE];
	[sflag:s5] =	ssyncadd.remote.s32 @!p0 $0x1  }
0xb4: {  	s26 =	simm.s32 $execute0_lowered;
	[smem:$0x3FD2] =	sst s25  }
0xb5: {  	s6 =	sshll.u32 s26, $0x1;
	_ =	strace $0x80000052;
	[dreg:$0x1] =	wrdreg $0xFFFFFFFF  }
0xb6: {  	s28 =	simm.s32 $_size_execute0_lowered;
	s4 =	sadd.s32 s4, s6;
	[dreg:$0x0] =	wrdreg $0x0  }
0xb7: {  	s6 =	sshll.u32 s28, $0x1;
	[dreg:$0x2] =	wrdreg s4  }
0xb8: {  	[dreg:$0x3] =	wrdreg s6  }
0xb9: {  	[dreg:$0x4] =	wrdreg $0xC0  }
0xba: {  	_ =	task [dreg:s22], $0x5FFFF  }
0xbb: {  	[dreg:$0x1] =	wrdreg $0xFFFFFFFF  }
0xbc: {  	[dreg:$0x0] =	wrdreg $0x60  }
0xbd: {  	[dreg:$0x2] =	wrdreg s24  }
0xbe: {  	[dreg:$0x3] =	wrdreg s18  }
0xbf: {  	[dreg:$0x4] =	wrdreg $0xCD800  }
0xc0: {  	[dreg:$0x5] =	wrdreg $0x9  }
0xc1: {  	_ =	task.clear_ibuf [dreg:s22], $0x6FFFF;
	_ =	strace $0x90000052  }
0xc2: {  	s29 =	simm.s32 $0x9;
	_ =	strace $0x80000054  }
0xc3: {  	_ =	swait.ge [sflag:s29], $0x1  }
0xc4: {  	[sflag:s29] =	ssyncadd.s32 $0xFFFFFFFF  }
0xc5: {  	_ =	strace $0x90000054  }
0xc6: {  	_ =	sfence  }
0xc7: {  	s30 =	sld [smem:$0x0];
	_ =	sdelay $0x2  }
0xc8: {  	s31 =	sshll.u32 s1, $0xD;
	s1 =	sshrl.u32 s1, $0x2  }
0xc9: {  	s4 =	sand.u32 $0x4000, s31;
	s1 =	sadd.s32 s1, s30  }
0xca: {  	s0 =	sor.u32 s4, s0;
	s1 =	sshll.u32 s1, $0x11  }
0xcb: {  	s0 =	sor.u32 s1, s0  }
0xcc: {  	s0 =	sadd.s32 $0x8F2B, s0  }
0xcd: {  	[sflag:s0] =	ssyncadd.remote.s32 $0x1  }
0xce: {  	_ =	sfence.sel $0xFFFF  }
0xcf: {  	[dreg:$0x0] =	wrdreg $0xFFFFFFFF;
	(pc) =	sbr.abs _section_cstart, $3  }
0xd0: {  	[dreg:$0x1] =	wrdreg $0xFFFFFFFF  }
0xd1: {  	_ =	task.clear_ibuf [dreg:s22], $0x2FFFF;
	_ =	strace $0x9FFFFFFF  }
0xd2: {  	(tm) =	ssettm $0x7FFFFFFF  }
0xd3: {  	_ =	shalt  }
tec
execute0_lowered:
.L_overlay_start_1:
0x0: {  	(tag) =	ssettag $0x1  }
0x1: {  	s6 =	rddreg [dreg:$0x0];
	s0 =	stileid.u32  }
0x2: {  	s1 =	srdreg.scid;
	s2 =	rddreg [dreg:$0x1]  }
0x3: {  	s3 =	rddreg [dreg:$0x2];
	s4 =	simm.s32 $0x0;
	s7 =	smul.u32 $0xA00, s0  }
0x4: {  	s14 =	simm.s32 $0x5100;
	s15 =	simm.s32 $0xA180;
	s11 =	smul.u32 $0xF000, s0  }
0x5: {  	s8 =	sand.u32 $0x1, s1;
	s1 =	rddreg [dreg:$0x3];
	s13 =	smul.u32 $0x3C000, s0  }
0x6: {  	[smem:$0x7FF] =	sst s4;
	s5 =	sadd.s32 $0x62400, s6;
	s9 =	smul.u32 $0xA000, s8  }
0x7: {  	s16 =	sshll.u32 s0, $0x6;
	s10 =	smul.u32 $0xF0000, s8;
	_ =	strace $0x80000053  }
0x8: {  	s8 =	ssub.s32 $0x2, s8;
	s16 =	sor.u32 $0x1C01, s16;
	s12 =	sadd.s32 s7, s6  }
0x9: {  	s30 =	sshrl.u32 s8, $0x1;
	s17 =	sadd.s32 s11, s3;
	s31 =	sshrl.u32 s13, $0x2  }
0xa: {  	s13 =	simm.s32 $0x80;
	s7 =	sadd.s32 s7, s9;
	s29 =	sadd.s32 s11, s10  }
0xb: {  	s10 =	ssub.s32 s8, s30;
	s11 =	simm.s32 $0xC180;
	s9 =	sshrl.u32 s29, $0x3  }
0xc: {  	s17 =	sshrl.u32 s17, $0x3;
	s7 =	sadd.s32 s7, s6;
	s9 =	sadd.s32 s9, s6  }
0xd: {  	s6 =	sadd.s32 $0x3400, s12;
	s7 =	sadd.s32 $0x4E400, s7;
	s12 =	simm.s32 $0x1  }
0xe: {  	v0 =	vimm.f32 $0.0e+00;
	s8 =	sadd.s32 $0x1FF600, s9;
	s9 =	smax.u32 s10, $0x1;
	s10 =	sadd.s32 s31, s3  }
.LBB2_1:
0xf: {  	s18 =	simm.s32 $0x0  }
.LBB2_2:
0x10: {  	p0 =	sne.s32 s18, $0x2F00  }
.Ltmp0:
0x11: {  	s19 =	sshra.s32 s18, $0x2;
	(pc) =	sbr.rel @p0 .LBB2_2-.Ltmp0, $4  }
0x12: {  	[tilespmem:s19+$0xC180] =	vst v0  }
0x13: {  	[tilespmem:s19+$0xC190] =	vst v0  }
0x14: {  	[tilespmem:s19+$0xC1A0] =	vst v0  }
0x15: {  	s18 =	sadd.s32 $0x100, s18;
	[tilespmem:s19+$0xC1B0] =	vst v0  }
0x16: {  	s18 =	sadd.s32 $0x0, s10  }
0x17: {  	[spmem:s18] =	stream.linear.scatter [tilespmem:s11], [sflag:$0x1], $0xC00, $0x38;
	[tilespmem:$0x1BD80] =	vst v63  }
0x18: {  	s18 =	simm.s32 $0x3000;
	_ =	swait.ge [sflag:s12], $0xC00  }
.LBB2_4:
0x19: {  	s19 =	sshra.s32 s18, $0x2;
	[sflag:s12] =	ssyncset.done $0x0;
	p0 =	sne.s32 s18, $0x39000  }
.Ltmp1:
0x1a: {  	s19 =	sadd.s32 s19, s10;
	[sflag:s12] =	ssyncadd.s32 $0xFFFFF400;
	(pc) =	sbr.rel @p0 .LBB2_4-.Ltmp1, $3  }
0x1b: {  	[spmem:s19] =	stream.linear.scatter [tilespmem:s11], [sflag:$0x1], $0xC00, $0x38;
	[tilespmem:$0x1BD80] =	vst v63  }
0x1c: {  	s18 =	sadd.s32 $0x3000, s18;
	_ =	sdelay $0x1  }
0x1d: {  	_ =	swait.ge [sflag:s12], $0xC00  }
0x1e: {  	[sflag:s12] =	ssyncset.done $0x0  }
0x1f: {  	s18 =	simm.s32 $0x0;
	[sflag:s12] =	ssyncadd.s32 $0xFFFFF400  }
0x20: {  	[tilespmem:s18], [sflag:$0x1] =	stream.linear.gather [hbm4b:s2+s18], $0x80, $0x38;
	[tilespmem:$0x1BD80] =	vst v63  }
0x21: {  	_ =	swait.ge [sflag:s12], $0x80  }
0x22: {  	[sflag:s12] =	ssyncset.done $0x0  }
0x23: {  	[sflag:s12] =	ssyncadd.s32 $0xFFFFFF80  }
0x24: {  	[tilespmem:s13], [sflag:$0x1] =	stream.linear.gather [hbm4b:s6+s18], $0x5000, $0x38;
	[tilespmem:$0x1BD80] =	vst v63  }
0x25: {  	_ =	swait.ge [sflag:s12], $0x5000  }
0x26: {  	[sflag:s12] =	ssyncset.done $0x0  }
0x27: {  	[sflag:s12] =	ssyncadd.s32 $0xFFFFB000  }
0x28: {  	[tilespmem:s14], [sflag:$0x1] =	stream.linear.gather [hbm4b:s7+s18], $0x5000, $0x38;
	[tilespmem:$0x1BD80] =	vst v63  }
0x29: {  	_ =	swait.ge [sflag:s12], $0x5000  }
0x2a: {  	[sflag:s12] =	ssyncset.done $0x0  }
0x2b: {  	[sflag:s12] =	ssyncadd.s32 $0xFFFFB000  }
0x2c: {  	s30 =	simm.s32 $0x80;
	[bflag:$0x0] =	sbarrier.arrive $0xFFFF  }
0x2d: {  	[tilespmem:s15], [sflag:$0x1] =	stream.indirect.gather [hbm4b:s5+s13], $0x40, s30, s13, $0xb8;
	[tilespmem:$0x1BD80] =	vst v63  }
0x2e: {  	_ =	swait.ge [sflag:s12], $0x2000  }
0x2f: {  	[sflag:s12] =	ssyncset.done $0x0  }
0x30: {  	s31 =	simm.s32 $0x5100;
	[sflag:s12] =	ssyncadd.s32 $0xFFFFE000  }
0x31: {  	[spmem:s3] =	stream.indirect.scatter.add.f32 [tilespmem:s15], [sflag:$0x1], $0x40, s31, s13, $0xb8;
	[tilespmem:$0x1BD80] =	vst v63  }
0x32: {  	_ =	swait.ge [sflag:s12], $0x2000  }
0x33: {  	s19 =	simm.s32 $0x400;
	s18 =	simm.s32 $0x80;
	[sflag:s12] =	ssyncset.done $0x0  }
.LBB2_6:
0x34: {  	s20 =	sadd.s32 $0x80, s18  }
0x35: {  	[sflag:s12] =	ssyncadd.s32 $0xFFFFE000;
	s21 =	smov.u32 s19;
	s22 =	sadd.s32 $0x200, s19  }
0x36: {  	[tilespmem:s15], [sflag:$0x1] =	stream.indirect.gather [hbm4b:s5+s13], $0x40, s20, s13, $0xb8;
	[tilespmem:$0x1BD80] =	vst v63  }
0x37: {  	p0 =	sne.s32 s19, $0x13E00;
	_ =	swait.ge [sflag:s12], $0x2000  }
.Ltmp2:
0x38: {  	[sflag:s12] =	ssyncset.done $0x0;
	(pc) =	sbr.rel @p0 .LBB2_6-.Ltmp2, $4  }
0x39: {  	s18 =	sadd.s32 $0x5100, s18;
	[sflag:s12] =	ssyncadd.s32 $0xFFFFE000  }
0x3a: {  	[spmem:s3] =	stream.indirect.scatter.add.f32 [tilespmem:s15], [sflag:$0x1], $0x40, s18, s13, $0xb8;
	[tilespmem:$0x1BD80] =	vst v63  }
0x3b: {  	_ =	swait.ge [sflag:s12], $0x2000  }
0x3c: {  	s19 =	smov.u32 s22;
	s18 =	sshra.s32 s21, $0x2;
	[sflag:s12] =	ssyncset.done $0x0  }
0x3d: {  	s19 =	sadd.s32 $0x80, s18;
	[sflag:s12] =	ssyncadd.s32 $0xFFFFE000  }
0x3e: {  	[tilespmem:s15], [sflag:$0x1] =	stream.indirect.gather [hbm4b:s5+s13], $0x40, s19, s13, $0xb8;
	[tilespmem:$0x1BD80] =	vst v63  }
0x3f: {  	_ =	swait.ge [sflag:s12], $0x2000  }
0x40: {  	[sflag:s12] =	ssyncset.done $0x0  }
0x41: {  	s31 =	sadd.s32 $0x5100, s18;
	[sflag:s12] =	ssyncadd.s32 $0xFFFFE000  }
0x42: {  	[spmem:s3] =	stream.indirect.scatter.add.f32 [tilespmem:s15], [sflag:$0x1], $0x40, s31, s13, $0xb8;
	[tilespmem:$0x1BD80] =	vst v63  }
0x43: {  	_ =	swait.ge [sflag:s12], $0x2000  }
0x44: {  	s4 =	sadd.s32 $0x1, s4;
	[sflag:s12] =	ssyncset.done $0x0  }
0x45: {  	p0 =	sne.s32 s4, s9;
	[sflag:s12] =	ssyncadd.s32 $0xFFFFE000  }
.Ltmp3:
0x46: {  	[bflag:$0x0] =	sbarrier.arrive $0xFFFF;
	(pc) =	sbr.rel @p0 .LBB2_1-.Ltmp3, $4  }
0x47: {  	[hbm:s8], [sflag:s16] =	dma.local [spmem:s17], $0x1E00  }
0x48: {  	_ =	swait.ge [sflag:s12], $0x1E00  }
0x49: {  	[sflag:s12] =	ssyncset.done $0x0  }
0x4a: {  	[sflag:s12] =	ssyncadd.s32 $0xFFFFE200  }
0x4b: {  	_ =	sfence.sel $0x180000  }
0x4c: {  	[bflag:$0x0] =	sbarrier.arrive $0xFFFF  }
0x4d: {  	p0 =	sne.s32 s0, $0x0;
	_ =	strace $0x90000053  }
0x4e: {  	s0 =	sadd.s32 @!p0 $0x100000, s1;
	[bflag:$0x2] =	sbarrier.arrive $0xFFFF  }
0x4f: {  	[sflag:s0] =	ssyncadd.tile.s32 @!p0 $0x1;
	_ =	shalt  }
.Lfunc_end2:
_tile_overlayer_lowered:
.L_overlay_start_2:
0x50: {  	(tag) =	ssettag $0x2  }
0x51: {  	s0 =	rddreg [dreg:$0x0];
	s2 =	stileid.u32  }
0x52: {  	s1 =	rddreg [dreg:$0x1];
	p0 =	sne.s32 s2, $0x0  }
0x53: {  	s3 =	rddreg [dreg:$0x2];
	[bflag:$0x3] =	sbarrier.arrive $0xFFFF;
	s2 =	simm.s32 @!p0 $0x1C01  }
0x54: {  	[timem:s3], [sflag:s2] =	dma.local @!p0 [hbm:s0], s1  }
0x55: {  	s0 =	simm.s32 @!p0 $0x1  }
0x56: {  	_ =	swait.ge @!p0 [sflag:s0], s1  }
0x57: {  	s1 =	ssub.s32 @!p0 $0x0, s1;
	[sflag:s0] =	ssyncset.done @!p0 $0x0  }
0x58: {  	[sflag:s0] =	ssyncadd.s32 @!p0 s1  }
0x59: {  	[bflag:$0x3] =	sbarrier.arrive $0xFFFF  }
0x5a: {  	_ =	shalt  }

// kernel: kernel.23.cloned.1.call-start
scs
__scs_entry_jumppad:
0x0: {  	(pc) =	sbr.rel $0x88, $3  }
0x1: {  	(tag) =	ssettag $0x0;
	lr =	simm.s32 $0x1  }
0x2: {  	[smem:$0x3F99] =	sst lr;
	_ =	strace $0xD0000000  }
0x3: {  	_ = 	snop  }
0x4: {  	_ = 	snop  }
0x5: {  	_ = 	snop  }
0x6: {  	_ = 	snop  }
0x7: {  	_ = 	snop  }
__scs_overlays_trampoline_lowered:
0x8: {  	[smem:$0x3FA8] =	sst s0  }
0x9: {  	[smem:$0x3FA9] =	sst s1  }
0xa: {  	[smem:$0x3FAA] =	sst s2  }
0xb: {  	[smem:$0x3FAB] =	sst s3  }
0xc: {  	[smem:$0x3FAC] =	sst s4  }
0xd: {  	[smem:$0x3FAD] =	sst s5  }
0xe: {  	[smem:$0x3FAE] =	sst s6  }
0xf: {  	[smem:$0x3FAF] =	sst s7  }
0x10: {  	[smem:$0x3FB0] =	sst s8  }
0x11: {  	[smem:$0x3FB1] =	sst s9;
	s0 =	simm.s32 @!p0 $0x0  }
0x12: {  	s1 =	sld [smem:$0x3F97];
	s0 =	simm.s32 @p0 $0x1  }
0x13: {  	[smem:$0x3FB2] =	sst s0;
	s0 =	simm.s32 @!p1 $0x0  }
0x14: {  	s2 =	sld [smem:$0x3F96];
	s0 =	simm.s32 @p1 $0x1  }
0x15: {  	[smem:$0x3FB3] =	sst s0;
	s0 =	simm.s32 @!p2 $0x0  }
0x16: {  	s3 =	sld [smem:$0x3FDB];
	s0 =	simm.s32 @p2 $0x1  }
0x17: {  	s4 =	simm.s32 $0x1BF5;
	[smem:$0x3FB5] =	sst s0  }
0x18: {  	s0 =	sld [smem:$0x3F98];
	_ =	swait.ge [sflag:s4], $0x0  }
0x19: {  	s7 =	sld [smem:$0x3F99]  }
0x1a: {  	s8 =	sadd.s32 $0xFFFFE003, lr  }
0x1b: {  	s9 =	sadd.s32 $0xFFFFFEF7, lr;
	s5 =	simm.s32 $0xFFFFFFFF;
	p2 =	slt.u32 s8, $0xFFFFF086  }
0x1c: {  	p1 =	slt.u32 s9, $0xF7A;
	s5 =	simm.s32 @!p2 $0x0  }
0x1d: {  	s5 =	simm.s32 @p1 $0x1;
	p0 =	seq.s32 s7, s2  }
0x1e: {  	s7 =	smul.u32 @!p0 $0xF7A, s2;
	p2 =	seq.s32 @!p0 s5, $0x0  }
0x1f: {  	s9 =	smul.u32 $0xF7A, s1;
	s8 =	simm.s32 @!p0 $0x1BF5;
	p2 =	por !p2, p0  }
0x20: {  	[sflag:s8] =	ssyncset.s32 @!p0 $0xFFFFF086;
	s6 =	sadd.s32 @!p0 s3, s7;
	s7 =	simm.s32 @!p0 $0x108  }
0x21: {  	s3 =	sadd.s32 s3, s9;
	s6 =	sadd.s32 @!p0 $0x88, s6;
	s7 =	simm.s32 @p2 $0x1082  }
0x22: {  	[simem:s7], [sflag:s8] =	dma.local @!p0 [hbm:s6], $0xF7A  }
0x23: {  	s9 =	sor.u32 $0xD0000000, s2;
	s6 =	simm.s32 $0x108;
	_ =	swait.ge @!p0 [sflag:s8], $0x0  }
0x24: {  	s3 =	sadd.s32 $0x88, s3;
	s6 =	simm.s32 @!p1 $0x1082;
	[sflag:s4] =	ssyncset.s32 $0xFFFFF086  }
0x25: {  	[simem:s6], [sflag:s4] =	dma.local [hbm:s3], $0xF7A  }
0x26: {  	[smem:$0x3F99] =	sst s1;
	(tag) =	ssettag s2;
	_ =	strace s9  }
0x27: {  	s1 =	sld [smem:$0x3FA9]  }
0x28: {  	s2 =	sld [smem:$0x3FAA]  }
0x29: {  	s4 =	sld [smem:$0x3FAC]  }
0x2a: {  	p0 =	seq.s32 s5, $0x0;
	s5 =	sld [smem:$0x3FAD]  }
0x2b: {  	s6 =	sld [smem:$0x3FAE]  }
0x2c: {  	s7 =	sld [smem:$0x3FAF]  }
0x2d: {  	s3 =	simm.s32 $0x108;
	s8 =	sld [smem:$0x3FB0]  }
0x2e: {  	s3 =	simm.s32 @!p0 $0x1082;
	s9 =	sld [smem:$0x3FB1]  }
0x2f: {  	lr =	sadd.s32 s0, s3;
	s0 =	sld [smem:$0x3FA8]  }
0x30: {  	s3 =	sld [smem:$0x3FAB]  }
0x31: {  	[smem:$0x3FB4] =	sst s10  }
0x32: {  	s10 =	sld [smem:$0x3FB2];
	_ =	sdelay $0x3  }
0x33: {  	p0 =	seq.s32 s10, $0x1;
	s10 =	sld [smem:$0x3FB4];
	_ =	sdelay $0x3  }
0x34: {  	[smem:$0x3FB4] =	sst s10  }
0x35: {  	s10 =	sld [smem:$0x3FB3];
	_ =	sdelay $0x3  }
0x36: {  	p1 =	seq.s32 s10, $0x1;
	s10 =	sld [smem:$0x3FB4];
	_ =	sdelay $0x3  }
0x37: {  	[smem:$0x3FB4] =	sst s10  }
0x38: {  	s10 =	sld [smem:$0x3FB5]  }
0x39: {  	_ = 	snop;
	(pc) =	sbr.ind lr, $3  }
0x3a: {  	_ = 	snop  }
0x3b: {  	_ = 	snop  }
0x3c: {  	p2 =	seq.s32 s10, $0x1;
	s10 =	sld [smem:$0x3FB4]  }
0x3d: {  	_ =	shalt  }
0x3e: {  	_ =	shalt  }
0x3f: {  	_ =	shalt  }
0x40: {  	_ =	shalt  }
0x41: {  	_ =	shalt  }
0x42: {  	_ =	shalt  }
0x43: {  	_ =	shalt  }
0x44: {  	_ =	shalt  }
0x45: {  	_ =	shalt  }
0x46: {  	_ =	shalt  }
0x47: {  	_ =	shalt  }
0x48: {  	_ =	shalt  }
0x49: {  	_ =	shalt  }
0x4a: {  	_ =	shalt  }
0x4b: {  	_ =	shalt  }
0x4c: {  	_ =	shalt  }
0x4d: {  	_ =	shalt  }
0x4e: {  	_ =	shalt  }
0x4f: {  	_ =	shalt  }
0x50: {  	_ =	shalt  }
0x51: {  	_ =	shalt  }
0x52: {  	_ =	shalt  }
0x53: {  	_ =	shalt  }
0x54: {  	_ =	shalt  }
0x55: {  	_ =	shalt  }
0x56: {  	_ =	shalt  }
0x57: {  	_ =	shalt  }
0x58: {  	_ =	shalt  }
0x59: {  	_ =	shalt  }
0x5a: {  	_ =	shalt  }
0x5b: {  	_ =	shalt  }
0x5c: {  	_ =	shalt  }
0x5d: {  	_ =	shalt  }
0x5e: {  	_ =	shalt  }
0x5f: {  	_ =	shalt  }
0x60: {  	_ =	shalt  }
0x61: {  	_ =	shalt  }
0x62: {  	_ =	shalt  }
0x63: {  	_ =	shalt  }
0x64: {  	_ =	shalt  }
0x65: {  	_ =	shalt  }
0x66: {  	_ =	shalt  }
0x67: {  	_ =	shalt  }
0x68: {  	_ =	shalt  }
0x69: {  	_ =	shalt  }
0x6a: {  	_ =	shalt  }
0x6b: {  	_ =	shalt  }
0x6c: {  	_ =	shalt  }
0x6d: {  	_ =	shalt  }
0x6e: {  	_ =	shalt  }
0x6f: {  	_ =	shalt  }
0x70: {  	_ =	shalt  }
0x71: {  	_ =	shalt  }
0x72: {  	_ =	shalt  }
0x73: {  	_ =	shalt  }
0x74: {  	_ =	shalt  }
0x75: {  	_ =	shalt  }
0x76: {  	_ =	shalt  }
0x77: {  	_ =	shalt  }
0x78: {  	_ =	shalt  }
0x79: {  	_ =	shalt  }
0x7a: {  	_ =	shalt  }
0x7b: {  	_ =	shalt  }
0x7c: {  	_ =	shalt  }
0x7d: {  	_ =	shalt  }
0x7e: {  	_ =	shalt  }
0x7f: {  	_ =	shalt  }
0x80: {  	_ =	shalt  }
0x81: {  	_ =	shalt  }
0x82: {  	_ =	shalt  }
0x83: {  	_ =	shalt  }
0x84: {  	_ =	shalt  }
0x85: {  	_ =	shalt  }
0x86: {  	_ =	shalt  }
0x87: {  	_ =	shalt  }
.Lfunc_end0:
.L_simem_size_0:
called_computation.4_lowered:
.L_overlay_start_0:
0x88: {  	s2 =	sld [smem:$0x3FD9]  }
0x89: {  	s3 =	sld [smem:$0x3FFE];
	_ =	sdelay $0x1  }
0x8a: {  	s1 =	srdreg.scid  }
0x8b: {  	s0 =	sand.u32 $0x1, s1  }
0x8c: {  	s17 =	sshll.u32 s0, $0xA;
	s2 =	sadd.s32 s3, s2  }
0x8d: {  	s2 =	sadd.s32 s2, s17  }
0x8e: {  	[smem:$0x3FC0] =	sst s2  }
0x8f: {  	_ = 	snop  }
0x90: {  	s2 =	sld [smem:$0x3FD0];
	(tm) =	ssettm $0x1  }
0x91: {  	s18 =	sld [smem:$0x3FFB];
	_ =	sdelay $0x3  }
0x92: {  	_ =	strace s18  }
0x93: {  	s3 =	sld [smem:$0x3FFC];
	_ =	sdelay $0x3  }
0x94: {  	_ =	strace s3  }
0x95: {  	s3 =	sld [smem:$0x3FFD];
	_ =	sdelay $0x3  }
0x96: {  	_ =	strace s3  }
0x97: {  	_ =	strace $0x8FFFFFFF  }
0x98: {  	s19 =	sld [smem:$0x3FDB];
	_ =	sdelay $0x1  }
0x99: {  	s4 =	simm.s32 $_scs_section_size  }
0x9a: {  	s5 =	simm.s32 $_size__tile_overlayer_lowered;
	s6 =	simm.s32 $_tile_overlayer_lowered  }
0x9b: {  	s22 =	simm.s32 $0x1BFF;
	s21 =	sshll.u32 s6, $0x1;
	s3 =	sadd.s32 s4, s19  }
0x9c: {  	s7 =	simm.s32 $0x0;
	s20 =	sshll.u32 s5, $0x1;
	s5 =	sadd.s32 s21, s3  }
0x9d: {  	[timem:s7], [sflag:s22] =	dma.local [hbm:s5], s20  }
0x9e: {  	_ =	swait.ge [sflag:s22], s20  }
0x9f: {  	s4 =	ssub.s32 $0x0, s20;
	[sflag:s22] =	ssyncset.done $0x0  }
0xa0: {  	[sflag:s22] =	ssyncadd.s32 s4;
	_ =	sdelay $0x1  }
0xa1: {  	s23 =	simm.s32 $0x1B8B  }
0xa2: {  	_ =	swait.ge [sflag:s23], $0x1  }
0xa3: {  	[sflag:s23] =	ssyncset.done $0x0  }
0xa4: {  	s25 =	simm.s32 $0x1B8E;
	s24 =	sld [smem:$0x3FFE];
	[sflag:s23] =	ssyncadd.s32 $0xFFFFFFFF  }
0xa5: {  	s26 =	simm.s32 $execute0_lowered;
	[smem:$0x3FD2] =	sst s25  }
0xa6: {  	s5 =	sshll.u32 s26, $0x1;
	_ =	strace $0x8000004F;
	[dreg:$0x1] =	wrdreg $0xFFFFFFFF  }
0xa7: {  	s28 =	simm.s32 $_size_execute0_lowered;
	s3 =	sadd.s32 s3, s5;
	[dreg:$0x0] =	wrdreg $0x0  }
0xa8: {  	s5 =	sshll.u32 s28, $0x1;
	[dreg:$0x2] =	wrdreg s3  }
0xa9: {  	[dreg:$0x3] =	wrdreg s5  }
0xaa: {  	[dreg:$0x4] =	wrdreg $0xC0  }
0xab: {  	_ =	task [dreg:s7], $0x5FFFF  }
0xac: {  	[dreg:$0x1] =	wrdreg $0xFFFFFFFF  }
0xad: {  	[dreg:$0x0] =	wrdreg $0x60  }
0xae: {  	[dreg:$0x2] =	wrdreg s24  }
0xaf: {  	[dreg:$0x3] =	wrdreg s2  }
0xb0: {  	[dreg:$0x4] =	wrdreg $0xCD800  }
0xb1: {  	[dreg:$0x5] =	wrdreg $0xA  }
0xb2: {  	_ =	task.clear_ibuf [dreg:s7], $0x6FFFF;
	_ =	strace $0x9000004F  }
0xb3: {  	s29 =	simm.s32 $0xA;
	_ =	strace $0x80000051  }
0xb4: {  	_ =	swait.ge [sflag:s29], $0x1  }
0xb5: {  	[sflag:s29] =	ssyncadd.s32 $0xFFFFFFFF  }
0xb6: {  	_ =	strace $0x90000051  }
0xb7: {  	_ =	sfence  }
0xb8: {  	s30 =	sld [smem:$0x0];
	_ =	sdelay $0x2  }
0xb9: {  	s31 =	sshll.u32 s1, $0xD;
	s1 =	sshrl.u32 s1, $0x2  }
0xba: {  	s3 =	sand.u32 $0x4000, s31;
	s1 =	sadd.s32 s1, s30  }
0xbb: {  	s0 =	sor.u32 s3, s0;
	s1 =	sshll.u32 s1, $0x11  }
0xbc: {  	s0 =	sor.u32 s1, s0  }
0xbd: {  	s0 =	sadd.s32 $0x8F2B, s0  }
0xbe: {  	[sflag:s0] =	ssyncadd.remote.s32 $0x1  }
0xbf: {  	_ =	sfence.sel $0xFFFF  }
0xc0: {  	[dreg:$0x0] =	wrdreg $0xFFFFFFFF;
	(pc) =	sbr.abs _section_cstart, $3  }
0xc1: {  	[dreg:$0x1] =	wrdreg $0xFFFFFFFF  }
0xc2: {  	_ =	task.clear_ibuf [dreg:s7], $0x2FFFF;
	_ =	strace $0x9FFFFFFF  }
0xc3: {  	(tm) =	ssettm $0x7FFFFFFF  }
tec
execute0_lowered:
.L_overlay_start_1:
0x0: {  	(tag) =	ssettag $0x1  }
0x1: {  	s6 =	rddreg [dreg:$0x0];
	s0 =	stileid.u32  }
0x2: {  	s1 =	srdreg.scid;
	s2 =	rddreg [dreg:$0x1]  }
0x3: {  	s3 =	rddreg [dreg:$0x2];
	s4 =	simm.s32 $0x0;
	s7 =	smul.u32 $0xA00, s0  }
0x4: {  	s14 =	simm.s32 $0x5100;
	s15 =	simm.s32 $0xA180;
	s11 =	smul.u32 $0xF000, s0  }
0x5: {  	s8 =	sand.u32 $0x1, s1;
	s1 =	rddreg [dreg:$0x3];
	s13 =	smul.u32 $0x3C000, s0  }
0x6: {  	[smem:$0x7FF] =	sst s4;
	s5 =	sadd.s32 $0xD7800, s6;
	s9 =	smul.u32 $0xA000, s8  }
0x7: {  	s16 =	sshll.u32 s0, $0x6;
	s10 =	smul.u32 $0xF0000, s8;
	_ =	strace $0x80000050  }
0x8: {  	s8 =	ssub.s32 $0x2, s8;
	s16 =	sor.u32 $0x1C01, s16;
	s12 =	sadd.s32 s7, s6  }
0x9: {  	s30 =	sshrl.u32 s8, $0x1;
	s17 =	sadd.s32 s11, s3;
	s31 =	sshrl.u32 s13, $0x2  }
0xa: {  	s13 =	simm.s32 $0x80;
	s7 =	sadd.s32 s7, s9;
	s29 =	sadd.s32 s11, s10  }
0xb: {  	s10 =	ssub.s32 s8, s30;
	s11 =	simm.s32 $0xC180;
	s9 =	sshrl.u32 s29, $0x3  }
0xc: {  	s17 =	sshrl.u32 s17, $0x3;
	s7 =	sadd.s32 s7, s6;
	s9 =	sadd.s32 s9, s6  }
0xd: {  	s6 =	sadd.s32 $0x3400, s12;
	s7 =	sadd.s32 $0x4E400, s7;
	s12 =	simm.s32 $0x1  }
0xe: {  	v0 =	vimm.f32 $0.0e+00;
	s8 =	sadd.s32 $0xD400, s9;
	s9 =	smax.u32 s10, $0x1;
	s10 =	sadd.s32 s31, s3  }
.LBB2_1:
0xf: {  	s18 =	simm.s32 $0x0  }
.LBB2_2:
0x10: {  	p0 =	sne.s32 s18, $0x2F00  }
.Ltmp0:
0x11: {  	s19 =	sshra.s32 s18, $0x2;
	(pc) =	sbr.rel @p0 .LBB2_2-.Ltmp0, $4  }
0x12: {  	[tilespmem:s19+$0xC180] =	vst v0  }
0x13: {  	[tilespmem:s19+$0xC190] =	vst v0  }
0x14: {  	[tilespmem:s19+$0xC1A0] =	vst v0  }
0x15: {  	s18 =	sadd.s32 $0x100, s18;
	[tilespmem:s19+$0xC1B0] =	vst v0  }
0x16: {  	s18 =	sadd.s32 $0x0, s10  }
0x17: {  	[spmem:s18] =	stream.linear.scatter [tilespmem:s11], [sflag:$0x1], $0xC00, $0x38;
	[tilespmem:$0x1BD80] =	vst v63  }
0x18: {  	s18 =	simm.s32 $0x3000;
	_ =	swait.ge [sflag:s12], $0xC00  }
.LBB2_4:
0x19: {  	s19 =	sshra.s32 s18, $0x2;
	[sflag:s12] =	ssyncset.done $0x0;
	p0 =	sne.s32 s18, $0x39000  }
.Ltmp1:
0x1a: {  	s19 =	sadd.s32 s19, s10;
	[sflag:s12] =	ssyncadd.s32 $0xFFFFF400;
	(pc) =	sbr.rel @p0 .LBB2_4-.Ltmp1, $3  }
0x1b: {  	[spmem:s19] =	stream.linear.scatter [tilespmem:s11], [sflag:$0x1], $0xC00, $0x38;
	[tilespmem:$0x1BD80] =	vst v63  }
0x1c: {  	s18 =	sadd.s32 $0x3000, s18;
	_ =	sdelay $0x1  }
0x1d: {  	_ =	swait.ge [sflag:s12], $0xC00  }
0x1e: {  	[sflag:s12] =	ssyncset.done $0x0  }
0x1f: {  	s18 =	simm.s32 $0x0;
	[sflag:s12] =	ssyncadd.s32 $0xFFFFF400  }
0x20: {  	[tilespmem:s18], [sflag:$0x1] =	stream.linear.gather [hbm4b:s2+s18], $0x80, $0x38;
	[tilespmem:$0x1BD80] =	vst v63  }
0x21: {  	_ =	swait.ge [sflag:s12], $0x80  }
0x22: {  	[sflag:s12] =	ssyncset.done $0x0  }
0x23: {  	[sflag:s12] =	ssyncadd.s32 $0xFFFFFF80  }
0x24: {  	[tilespmem:s13], [sflag:$0x1] =	stream.linear.gather [hbm4b:s6+s18], $0x5000, $0x38;
	[tilespmem:$0x1BD80] =	vst v63  }
0x25: {  	_ =	swait.ge [sflag:s12], $0x5000  }
0x26: {  	[sflag:s12] =	ssyncset.done $0x0  }
0x27: {  	[sflag:s12] =	ssyncadd.s32 $0xFFFFB000  }
0x28: {  	[tilespmem:s14], [sflag:$0x1] =	stream.linear.gather [hbm4b:s7+s18], $0x5000, $0x38;
	[tilespmem:$0x1BD80] =	vst v63  }
0x29: {  	_ =	swait.ge [sflag:s12], $0x5000  }
0x2a: {  	[sflag:s12] =	ssyncset.done $0x0  }
0x2b: {  	[sflag:s12] =	ssyncadd.s32 $0xFFFFB000  }
0x2c: {  	s30 =	simm.s32 $0x80;
	[bflag:$0x0] =	sbarrier.arrive $0xFFFF  }
0x2d: {  	[tilespmem:s15], [sflag:$0x1] =	stream.indirect.gather [hbm4b:s5+s13], $0x40, s30, s13, $0xb8;
	[tilespmem:$0x1BD80] =	vst v63  }
0x2e: {  	_ =	swait.ge [sflag:s12], $0x2000  }
0x2f: {  	[sflag:s12] =	ssyncset.done $0x0  }
0x30: {  	s31 =	simm.s32 $0x5100;
	[sflag:s12] =	ssyncadd.s32 $0xFFFFE000  }
0x31: {  	[spmem:s3] =	stream.indirect.scatter.add.f32 [tilespmem:s15], [sflag:$0x1], $0x40, s31, s13, $0xb8;
	[tilespmem:$0x1BD80] =	vst v63  }
0x32: {  	_ =	swait.ge [sflag:s12], $0x2000  }
0x33: {  	s19 =	simm.s32 $0x400;
	s18 =	simm.s32 $0x80;
	[sflag:s12] =	ssyncset.done $0x0  }
.LBB2_6:
0x34: {  	s20 =	sadd.s32 $0x80, s18  }
0x35: {  	[sflag:s12] =	ssyncadd.s32 $0xFFFFE000;
	s21 =	smov.u32 s19;
	s22 =	sadd.s32 $0x200, s19  }
0x36: {  	[tilespmem:s15], [sflag:$0x1] =	stream.indirect.gather [hbm4b:s5+s13], $0x40, s20, s13, $0xb8;
	[tilespmem:$0x1BD80] =	vst v63  }
0x37: {  	p0 =	sne.s32 s19, $0x13E00;
	_ =	swait.ge [sflag:s12], $0x2000  }
.Ltmp2:
0x38: {  	[sflag:s12] =	ssyncset.done $0x0;
	(pc) =	sbr.rel @p0 .LBB2_6-.Ltmp2, $4  }
0x39: {  	s18 =	sadd.s32 $0x5100, s18;
	[sflag:s12] =	ssyncadd.s32 $0xFFFFE000  }
0x3a: {  	[spmem:s3] =	stream.indirect.scatter.add.f32 [tilespmem:s15], [sflag:$0x1], $0x40, s18, s13, $0xb8;
	[tilespmem:$0x1BD80] =	vst v63  }
0x3b: {  	_ =	swait.ge [sflag:s12], $0x2000  }
0x3c: {  	s19 =	smov.u32 s22;
	s18 =	sshra.s32 s21, $0x2;
	[sflag:s12] =	ssyncset.done $0x0  }
0x3d: {  	s19 =	sadd.s32 $0x80, s18;
	[sflag:s12] =	ssyncadd.s32 $0xFFFFE000  }
0x3e: {  	[tilespmem:s15], [sflag:$0x1] =	stream.indirect.gather [hbm4b:s5+s13], $0x40, s19, s13, $0xb8;
	[tilespmem:$0x1BD80] =	vst v63  }
0x3f: {  	_ =	swait.ge [sflag:s12], $0x2000  }
0x40: {  	[sflag:s12] =	ssyncset.done $0x0  }
0x41: {  	s31 =	sadd.s32 $0x5100, s18;
	[sflag:s12] =	ssyncadd.s32 $0xFFFFE000  }
0x42: {  	[spmem:s3] =	stream.indirect.scatter.add.f32 [tilespmem:s15], [sflag:$0x1], $0x40, s31, s13, $0xb8;
	[tilespmem:$0x1BD80] =	vst v63  }
0x43: {  	_ =	swait.ge [sflag:s12], $0x2000  }
0x44: {  	s4 =	sadd.s32 $0x1, s4;
	[sflag:s12] =	ssyncset.done $0x0  }
0x45: {  	p0 =	sne.s32 s4, s9;
	[sflag:s12] =	ssyncadd.s32 $0xFFFFE000  }
.Ltmp3:
0x46: {  	[bflag:$0x0] =	sbarrier.arrive $0xFFFF;
	(pc) =	sbr.rel @p0 .LBB2_1-.Ltmp3, $4  }
0x47: {  	[hbm:s8], [sflag:s16] =	dma.local [spmem:s17], $0x1E00  }
0x48: {  	_ =	swait.ge [sflag:s12], $0x1E00  }
0x49: {  	[sflag:s12] =	ssyncset.done $0x0  }
0x4a: {  	[sflag:s12] =	ssyncadd.s32 $0xFFFFE200  }
0x4b: {  	_ =	sfence.sel $0x180000  }
0x4c: {  	[bflag:$0x0] =	sbarrier.arrive $0xFFFF  }
0x4d: {  	p0 =	sne.s32 s0, $0x0;
	_ =	strace $0x90000050  }
0x4e: {  	s0 =	sadd.s32 @!p0 $0x100000, s1;
	[bflag:$0x2] =	sbarrier.arrive $0xFFFF  }
0x4f: {  	[sflag:s0] =	ssyncadd.tile.s32 @!p0 $0x1;
	_ =	shalt  }
.Lfunc_end2:
_tile_overlayer_lowered:
.L_overlay_start_2:
0x50: {  	(tag) =	ssettag $0x2  }
0x51: {  	s0 =	rddreg [dreg:$0x0];
	s2 =	stileid.u32  }
0x52: {  	s1 =	rddreg [dreg:$0x1];
	p0 =	sne.s32 s2, $0x0  }
0x53: {  	s3 =	rddreg [dreg:$0x2];
	[bflag:$0x3] =	sbarrier.arrive $0xFFFF;
	s2 =	simm.s32 @!p0 $0x1C01  }
0x54: {  	[timem:s3], [sflag:s2] =	dma.local @!p0 [hbm:s0], s1  }
0x55: {  	s0 =	simm.s32 @!p0 $0x1  }
0x56: {  	_ =	swait.ge @!p0 [sflag:s0], s1  }
0x57: {  	s1 =	ssub.s32 @!p0 $0x0, s1;
	[sflag:s0] =	ssyncset.done @!p0 $0x0  }
0x58: {  	[sflag:s0] =	ssyncadd.s32 @!p0 s1  }
0x59: {  	[bflag:$0x3] =	sbarrier.arrive $0xFFFF  }
0x5a: {  	_ =	shalt  }

</sc_bundles>
